<compile_context>
chip_gen: v7x
topology: tpu7x:2x2x1
jax: 0.10.2.dev20260603
libtpu: 0.0.44.dev20260713+nightly
codegen_flags: <defaults>
</compile_context>

<pallas_src>
import jax
import jax.numpy as jnp
from jax import lax
from jax.experimental import pallas as pl
from jax.experimental.pallas import tpu as pltpu
from jax.experimental.pallas import tpu_sc as plsc

VOCAB_ = 1000000
DIM_ = 32
BATCH_ = 4096
HIST_ = 200

_NC = 2
_NS = 16
_NW = _NC * _NS
_RPW = BATCH_ // _NW
_SPLIT = 128
_REM = HIST_ - _SPLIT


def _tanh16(x):
    e = jnp.exp(-2.0 * jnp.abs(x))
    t = (1.0 - e) / (1.0 + e)
    return jnp.where(x < 0.0, -t, t)


_R = 4
_U = 8
_NCHUNK = _RPW // _R


def _sc_body(table_hbm, idx_hbm, w_hbm, out_hbm,
             idx_v, w_v, buf0, buf1, out_v, sem0, sem1):
    wid = lax.axis_index("s") * _NC + lax.axis_index("c")
    base = wid * _RPW
    pltpu.sync_copy(idx_hbm.at[pl.ds(base * HIST_, _RPW * HIST_)], idx_v)
    pltpu.sync_copy(w_hbm, w_v)

    bufs = (buf0, buf1)
    sems = (sem0, sem1)

    def descs(chunk, buf, sem):
        ds = []
        for r in range(_R):
            o = (chunk * _R + r) * HIST_
            ds.append(pltpu.make_async_copy(
                table_hbm.at[idx_v.at[pl.ds(o, _SPLIT)]],
                buf.at[r, pl.ds(0, _SPLIT)], sem))
            ds.append(pltpu.make_async_copy(
                table_hbm.at[idx_v.at[pl.ds(o + _SPLIT, _REM)]],
                buf.at[r, pl.ds(_SPLIT, _REM)], sem))
        return ds

    def fire(chunk, buf, sem):
        for d in descs(chunk, buf, sem):
            d.start()

    def drain(chunk, buf, sem):
        for d in descs(chunk, buf, sem):
            d.wait()

    def compute(chunk, buf):
        z = jnp.zeros((16,), jnp.float32)

        def t_body(i, accs):
            a = list(accs)
            for u in range(_U):
                t = i * _U + u
                w = w_v[t, :]
                for r in range(_R):
                    a[2 * r] = a[2 * r] + w * buf[r, t, pl.ds(0, 16)]
                    a[2 * r + 1] = a[2 * r + 1] + w * buf[r, t, pl.ds(16, 16)]
            return tuple(a)

        accs = lax.fori_loop(0, HIST_ // _U, t_body, tuple([z] * (2 * _R)))
        for r in range(_R):
            row = chunk * _R + r
            out_v[row, pl.ds(0, 16)] = _tanh16(accs[2 * r])
            out_v[row, pl.ds(16, 16)] = _tanh16(accs[2 * r + 1])

    fire(0, buf0, sem0)

    @pl.loop(0, _NCHUNK, step=2)
    def _(c):
        for b in range(2):
            chunk = c + b
            drain(chunk, bufs[b], sems[b])

            @pl.when(chunk + 1 < _NCHUNK)
            def _():
                fire(chunk + 1, bufs[1 - b], sems[1 - b])

            compute(chunk, bufs[b])

    pltpu.sync_copy(out_v, out_hbm.at[pl.ds(base, _RPW)])


_TBK = 16384
_TGRID = -(-VOCAB_ // _TBK)
_VPAD = _TGRID * _TBK


def _transpose_body(xt_ref, y_ref):
    x = xt_ref[...]
    parts = [
        jnp.swapaxes(x[:, 512 * q:512 * (q + 1)], 0, 1)
        for q in range(_TBK // 512)
    ]
    rows = [
        jnp.concatenate(parts[4 * p:4 * p + 4], axis=1)
        for p in range(_TBK // 2048)
    ]
    y_ref[...] = jnp.concatenate(rows, axis=0)


def _transpose_table(tableT):
    return pl.pallas_call(
        _transpose_body,
        grid=(_TGRID,),
        in_specs=[pl.BlockSpec((DIM_, _TBK), lambda g: (0, g))],
        out_specs=pl.BlockSpec((_TBK // 4, 128), lambda g: (g, 0)),
        out_shape=jax.ShapeDtypeStruct((_VPAD // 4, 128), jnp.float32),
    )(tableT)


def kernel(indices, table, ssm_decay):
    d = jax.nn.sigmoid(ssm_decay.astype(jnp.float32))
    pows = jnp.cumprod(jnp.full((HIST_,), d, dtype=jnp.float32))
    pdesc = jnp.concatenate([jnp.ones((1,), jnp.float32), pows[:-1]])
    w = (1.0 - d) * pdesc[::-1]
    wexp = jnp.broadcast_to(w[:, None], (HIST_, 16)).astype(jnp.float32)

    i = indices.reshape(-1).astype(jnp.int32)
    inds_flat = (i & ~jnp.int32(2047)) | ((i & 511) << 2) | ((i >> 9) & 3)

    table_rm = _transpose_table(table.T).reshape(_VPAD, DIM_)

    fn = pl.kernel(
        _sc_body,
        out_type=jax.ShapeDtypeStruct((BATCH_, DIM_), jnp.float32),
        mesh=plsc.VectorSubcoreMesh(core_axis_name="c", subcore_axis_name="s"),
        compiler_params=pltpu.CompilerParams(use_tc_tiling_on_sc=False),
        scratch_types=[
            pltpu.VMEM((_RPW * HIST_,), jnp.int32),
            pltpu.VMEM((HIST_, 16), jnp.float32),
            pltpu.VMEM((_R, HIST_, DIM_), jnp.float32),
            pltpu.VMEM((_R, HIST_, DIM_), jnp.float32),
            pltpu.VMEM((_RPW, DIM_), jnp.float32),
            pltpu.SemaphoreType.DMA,
            pltpu.SemaphoreType.DMA,
        ],
    )
    return fn(table_rm, inds_flat, wexp)

# --- scband reference (transcript-rebuilt; emitter-appended) ---
"""Pipeline reference for scband-impulse-encoder-73967926772321 (READ-ONLY COPY).

The authoritative reference and input builder live on the scoring server;
editing this copy changes nothing except your own understanding.
"""

import jax, jax.numpy as jnp
import numpy as np

VOCAB = 1000000
DIM = 32
BATCH = 4096
HIST = 200

def setup_inputs(seed: int = 0) -> dict:
    key = jax.random.key(seed)
    k1, k2 = jax.random.split(key, 2)
    indices = jax.random.randint(k1, (BATCH, HIST), 0, VOCAB, dtype=jnp.int64 if jax.config.jax_enable_x64 else jnp.int32).astype(jnp.int32)
    table = jax.random.normal(k2, (VOCAB, DIM), dtype=jnp.float32)
    ssm_decay = jnp.array(0.9, dtype=jnp.float32)
    return {"indices": indices, "table": table, "ssm_decay": ssm_decay}

def reference(indices, table, ssm_decay):
    # Embedding lookup: [B, L, D]
    embeds = jnp.take(table, indices, axis=0)
    decay = jax.nn.sigmoid(ssm_decay)
    h0 = jnp.zeros((indices.shape[0], table.shape[1]), dtype=table.dtype)
    def step(h, x_t):
        h_new = decay * h + (1.0 - decay) * x_t
        return h_new, None
    # scan over time axis (faithful to per-token SSM recurrence in the torch loop)
    h, _ = jax.lax.scan(step, h0, jnp.swapaxes(embeds, 0, 1))
    V = jnp.tanh(h)
    return V

if __name__ == "__main__":
    import jax
    _d = setup_inputs()
    print(jax.jit(kernel)(*tuple(_d.values())))

</pallas_src>

<mosaic_0001>
#map = affine_map<(d0, d1) -> (0, 0)>
#map1 = affine_map<(d0, d1) -> (0)>
module attributes {stable_mosaic.version = 14 : i64} {
  func.func @_sc_body(%arg0: i32, %arg1: i32, %arg2: memref<1015808x32xf32, #tpu.memory_space<hbm>>, %arg3: memref<819200xi32, #tpu.memory_space<hbm>>, %arg4: memref<200x16xf32, #tpu.memory_space<hbm>>, %arg5: memref<4096x32xf32, #tpu.memory_space<hbm>>, %arg6: memref<25600xi32, #tpu.memory_space<vmem>>, %arg7: memref<200x16xf32, #tpu.memory_space<vmem>>, %arg8: memref<4x200x32xf32, #tpu.memory_space<vmem>>, %arg9: memref<4x200x32xf32, #tpu.memory_space<vmem>>, %arg10: memref<128x32xf32, #tpu.memory_space<vmem>>, %arg11: memref<!tpu.dma_semaphore, #tpu.memory_space<semaphore_mem>>, %arg12: memref<!tpu.dma_semaphore, #tpu.memory_space<semaphore_mem>>) attributes {dimension_semantics = [#tpu.dimension_semantics<core_parallel>, #tpu.dimension_semantics<subcore_parallel>], iteration_bounds = array<i64: 2, 16>, scalar_prefetch = 0 : i64, scratch_operands = 7 : i64, tpu.core_type = #tpu.core_type<sc_vector_subcore>, window_params = [{transform_indices = #map}, {transform_indices = #map1}, {transform_indices = #map}, {transform_indices = #map}]} {
    %mul3A = arith.constant 2 : i32
    %mul3A_0 = arith.muli %arg1, %mul3A : i32
    %add3A = arith.addi %mul3A_0, %arg0 : i32
    %mul3A_1 = arith.constant 128 : i32
    %mul3A_2 = arith.muli %add3A, %mul3A_1 : i32
    %mul3A_3 = arith.constant 200 : i32
    %mul3A_4 = arith.muli %mul3A_2, %mul3A_3 : i32
    "tpu.region"() ({
      %run_scoped3A = tpu.sem_alloc : memref<!tpu.dma_semaphore, #tpu.memory_space<semaphore_mem>>
      %dma_start3A_88 = tpu.memref_slice %arg3[%mul3A_4] : memref<819200xi32, #tpu.memory_space<hbm>> -> memref<25600xi32, #tpu.memory_space<hbm>>
      %dma_start3A_89 = tpu.memref_slice %arg3[%mul3A_4] : memref<819200xi32, #tpu.memory_space<hbm>> -> memref<25600xi32, #tpu.memory_space<hbm>>
      tpu.enqueue_dma source(%dma_start3A_89 : memref<25600xi32, #tpu.memory_space<hbm>>) target(%arg6 : memref<25600xi32, #tpu.memory_space<vmem>>) target_semaphore(%run_scoped3A : memref<!tpu.dma_semaphore, #tpu.memory_space<semaphore_mem>>)
      %dma_wait3A = tpu.memref_slice %arg3[%mul3A_4] : memref<819200xi32, #tpu.memory_space<hbm>> -> memref<25600xi32, #tpu.memory_space<hbm>>
      %dma_wait3A_90 = tpu.memref_slice %arg3[%mul3A_4] : memref<819200xi32, #tpu.memory_space<hbm>> -> memref<25600xi32, #tpu.memory_space<hbm>>
      tpu.wait_dma2 semaphore(%run_scoped3A : memref<!tpu.dma_semaphore, #tpu.memory_space<semaphore_mem>>) src(%dma_wait3A_90 : memref<25600xi32, #tpu.memory_space<hbm>>) dst(%arg6 : memref<25600xi32, #tpu.memory_space<vmem>>)
      tpu.yield
    }) : () -> ()
    "tpu.region"() ({
      %run_scoped3A = tpu.sem_alloc : memref<!tpu.dma_semaphore, #tpu.memory_space<semaphore_mem>>
      tpu.enqueue_dma source(%arg4 : memref<200x16xf32, #tpu.memory_space<hbm>>) target(%arg7 : memref<200x16xf32, #tpu.memory_space<vmem>>) target_semaphore(%run_scoped3A : memref<!tpu.dma_semaphore, #tpu.memory_space<semaphore_mem>>)
      tpu.wait_dma2 semaphore(%run_scoped3A : memref<!tpu.dma_semaphore, #tpu.memory_space<semaphore_mem>>) src(%arg4 : memref<200x16xf32, #tpu.memory_space<hbm>>) dst(%arg7 : memref<200x16xf32, #tpu.memory_space<vmem>>)
      tpu.yield
    }) : () -> ()
    %dma_start3A = arith.constant 0 : i32
    %dma_start3A_5 = arith.constant 0 : i32
    %dma_start3A_6 = arith.constant 0 : i32
    %dma_start3A_7 = tpu.memref_slice %arg8[%dma_start3A, %dma_start3A_5, %dma_start3A_6] : memref<4x200x32xf32, #tpu.memory_space<vmem>> -> memref<1x128x32xf32, #tpu.memory_space<vmem>>
    %dma_start3A_8 = tpu.memref_squeeze %dma_start3A_7 : memref<1x128x32xf32, #tpu.memory_space<vmem>> -> memref<128x32xf32, #tpu.memory_space<vmem>>
    %dma_start3A_9 = arith.constant 0 : i32
    %dma_start3A_10 = tpu.memref_slice %arg6[%dma_start3A_9] : memref<25600xi32, #tpu.memory_space<vmem>> -> memref<128xi32, #tpu.memory_space<vmem>>
    %dma_start3A_11 = arith.constant 0 : i32
    %dma_start3A_12 = arith.constant 0 : i32
    %dma_start3A_13 = tpu.memref_slice %arg2[%dma_start3A_11, %dma_start3A_12] : memref<1015808x32xf32, #tpu.memory_space<hbm>> -> memref<1015808x32xf32, #tpu.memory_space<hbm>>
    tpu.enqueue_indirect_dma source(%dma_start3A_13 : memref<1015808x32xf32, #tpu.memory_space<hbm>>) target(%dma_start3A_8 : memref<128x32xf32, #tpu.memory_space<vmem>>) offsets(%dma_start3A_10 : memref<128xi32, #tpu.memory_space<vmem>>) semaphore(%arg11 : memref<!tpu.dma_semaphore, #tpu.memory_space<semaphore_mem>>)
    %dma_start3A_14 = arith.constant 0 : i32
    %dma_start3A_15 = arith.constant 128 : i32
    %dma_start3A_16 = arith.constant 0 : i32
    %dma_start3A_17 = tpu.memref_slice %arg8[%dma_start3A_14, %dma_start3A_15, %dma_start3A_16] : memref<4x200x32xf32, #tpu.memory_space<vmem>> -> memref<1x72x32xf32, #tpu.memory_space<vmem>>
    %dma_start3A_18 = tpu.memref_squeeze %dma_start3A_17 : memref<1x72x32xf32, #tpu.memory_space<vmem>> -> memref<72x32xf32, #tpu.memory_space<vmem>>
    %dma_start3A_19 = arith.constant 128 : i32
    %dma_start3A_20 = tpu.memref_slice %arg6[%dma_start3A_19] : memref<25600xi32, #tpu.memory_space<vmem>> -> memref<72xi32, #tpu.memory_space<vmem>>
    %dma_start3A_21 = arith.constant 0 : i32
    %dma_start3A_22 = arith.constant 0 : i32
    %dma_start3A_23 = tpu.memref_slice %arg2[%dma_start3A_21, %dma_start3A_22] : memref<1015808x32xf32, #tpu.memory_space<hbm>> -> memref<1015808x32xf32, #tpu.memory_space<hbm>>
    tpu.enqueue_indirect_dma source(%dma_start3A_23 : memref<1015808x32xf32, #tpu.memory_space<hbm>>) target(%dma_start3A_18 : memref<72x32xf32, #tpu.memory_space<vmem>>) offsets(%dma_start3A_20 : memref<72xi32, #tpu.memory_space<vmem>>) semaphore(%arg11 : memref<!tpu.dma_semaphore, #tpu.memory_space<semaphore_mem>>)
    %dma_start3A_24 = arith.constant 1 : i32
    %dma_start3A_25 = arith.constant 0 : i32
    %dma_start3A_26 = arith.constant 0 : i32
    %dma_start3A_27 = tpu.memref_slice %arg8[%dma_start3A_24, %dma_start3A_25, %dma_start3A_26] : memref<4x200x32xf32, #tpu.memory_space<vmem>> -> memref<1x128x32xf32, #tpu.memory_space<vmem>>
    %dma_start3A_28 = tpu.memref_squeeze %dma_start3A_27 : memref<1x128x32xf32, #tpu.memory_space<vmem>> -> memref<128x32xf32, #tpu.memory_space<vmem>>
    %dma_start3A_29 = arith.constant 200 : i32
    %dma_start3A_30 = tpu.memref_slice %arg6[%dma_start3A_29] : memref<25600xi32, #tpu.memory_space<vmem>> -> memref<128xi32, #tpu.memory_space<vmem>>
    %dma_start3A_31 = arith.constant 0 : i32
    %dma_start3A_32 = arith.constant 0 : i32
    %dma_start3A_33 = tpu.memref_slice %arg2[%dma_start3A_31, %dma_start3A_32] : memref<1015808x32xf32, #tpu.memory_space<hbm>> -> memref<1015808x32xf32, #tpu.memory_space<hbm>>
    tpu.enqueue_indirect_dma source(%dma_start3A_33 : memref<1015808x32xf32, #tpu.memory_space<hbm>>) target(%dma_start3A_28 : memref<128x32xf32, #tpu.memory_space<vmem>>) offsets(%dma_start3A_30 : memref<128xi32, #tpu.memory_space<vmem>>) semaphore(%arg11 : memref<!tpu.dma_semaphore, #tpu.memory_space<semaphore_mem>>)
    %dma_start3A_34 = arith.constant 1 : i32
    %dma_start3A_35 = arith.constant 128 : i32
    %dma_start3A_36 = arith.constant 0 : i32
    %dma_start3A_37 = tpu.memref_slice %arg8[%dma_start3A_34, %dma_start3A_35, %dma_start3A_36] : memref<4x200x32xf32, #tpu.memory_space<vmem>> -> memref<1x72x32xf32, #tpu.memory_space<vmem>>
    %dma_start3A_38 = tpu.memref_squeeze %dma_start3A_37 : memref<1x72x32xf32, #tpu.memory_space<vmem>> -> memref<72x32xf32, #tpu.memory_space<vmem>>
    %dma_start3A_39 = arith.constant 328 : i32
    %dma_start3A_40 = tpu.memref_slice %arg6[%dma_start3A_39] : memref<25600xi32, #tpu.memory_space<vmem>> -> memref<72xi32, #tpu.memory_space<vmem>>
    %dma_start3A_41 = arith.constant 0 : i32
    %dma_start3A_42 = arith.constant 0 : i32
    %dma_start3A_43 = tpu.memref_slice %arg2[%dma_start3A_41, %dma_start3A_42] : memref<1015808x32xf32, #tpu.memory_space<hbm>> -> memref<1015808x32xf32, #tpu.memory_space<hbm>>
    tpu.enqueue_indirect_dma source(%dma_start3A_43 : memref<1015808x32xf32, #tpu.memory_space<hbm>>) target(%dma_start3A_38 : memref<72x32xf32, #tpu.memory_space<vmem>>) offsets(%dma_start3A_40 : memref<72xi32, #tpu.memory_space<vmem>>) semaphore(%arg11 : memref<!tpu.dma_semaphore, #tpu.memory_space<semaphore_mem>>)
    %dma_start3A_44 = arith.constant 2 : i32
    %dma_start3A_45 = arith.constant 0 : i32
    %dma_start3A_46 = arith.constant 0 : i32
    %dma_start3A_47 = tpu.memref_slice %arg8[%dma_start3A_44, %dma_start3A_45, %dma_start3A_46] : memref<4x200x32xf32, #tpu.memory_space<vmem>> -> memref<1x128x32xf32, #tpu.memory_space<vmem>>
    %dma_start3A_48 = tpu.memref_squeeze %dma_start3A_47 : memref<1x128x32xf32, #tpu.memory_space<vmem>> -> memref<128x32xf32, #tpu.memory_space<vmem>>
    %dma_start3A_49 = arith.constant 400 : i32
    %dma_start3A_50 = tpu.memref_slice %arg6[%dma_start3A_49] : memref<25600xi32, #tpu.memory_space<vmem>> -> memref<128xi32, #tpu.memory_space<vmem>>
    %dma_start3A_51 = arith.constant 0 : i32
    %dma_start3A_52 = arith.constant 0 : i32
    %dma_start3A_53 = tpu.memref_slice %arg2[%dma_start3A_51, %dma_start3A_52] : memref<1015808x32xf32, #tpu.memory_space<hbm>> -> memref<1015808x32xf32, #tpu.memory_space<hbm>>
    tpu.enqueue_indirect_dma source(%dma_start3A_53 : memref<1015808x32xf32, #tpu.memory_space<hbm>>) target(%dma_start3A_48 : memref<128x32xf32, #tpu.memory_space<vmem>>) offsets(%dma_start3A_50 : memref<128xi32, #tpu.memory_space<vmem>>) semaphore(%arg11 : memref<!tpu.dma_semaphore, #tpu.memory_space<semaphore_mem>>)
    %dma_start3A_54 = arith.constant 2 : i32
    %dma_start3A_55 = arith.constant 128 : i32
    %dma_start3A_56 = arith.constant 0 : i32
    %dma_start3A_57 = tpu.memref_slice %arg8[%dma_start3A_54, %dma_start3A_55, %dma_start3A_56] : memref<4x200x32xf32, #tpu.memory_space<vmem>> -> memref<1x72x32xf32, #tpu.memory_space<vmem>>
    %dma_start3A_58 = tpu.memref_squeeze %dma_start3A_57 : memref<1x72x32xf32, #tpu.memory_space<vmem>> -> memref<72x32xf32, #tpu.memory_space<vmem>>
    %dma_start3A_59 = arith.constant 528 : i32
    %dma_start3A_60 = tpu.memref_slice %arg6[%dma_start3A_59] : memref<25600xi32, #tpu.memory_space<vmem>> -> memref<72xi32, #tpu.memory_space<vmem>>
    %dma_start3A_61 = arith.constant 0 : i32
    %dma_start3A_62 = arith.constant 0 : i32
    %dma_start3A_63 = tpu.memref_slice %arg2[%dma_start3A_61, %dma_start3A_62] : memref<1015808x32xf32, #tpu.memory_space<hbm>> -> memref<1015808x32xf32, #tpu.memory_space<hbm>>
    tpu.enqueue_indirect_dma source(%dma_start3A_63 : memref<1015808x32xf32, #tpu.memory_space<hbm>>) target(%dma_start3A_58 : memref<72x32xf32, #tpu.memory_space<vmem>>) offsets(%dma_start3A_60 : memref<72xi32, #tpu.memory_space<vmem>>) semaphore(%arg11 : memref<!tpu.dma_semaphore, #tpu.memory_space<semaphore_mem>>)
    %dma_start3A_64 = arith.constant 3 : i32
    %dma_start3A_65 = arith.constant 0 : i32
    %dma_start3A_66 = arith.constant 0 : i32
    %dma_start3A_67 = tpu.memref_slice %arg8[%dma_start3A_64, %dma_start3A_65, %dma_start3A_66] : memref<4x200x32xf32, #tpu.memory_space<vmem>> -> memref<1x128x32xf32, #tpu.memory_space<vmem>>
    %dma_start3A_68 = tpu.memref_squeeze %dma_start3A_67 : memref<1x128x32xf32, #tpu.memory_space<vmem>> -> memref<128x32xf32, #tpu.memory_space<vmem>>
    %dma_start3A_69 = arith.constant 600 : i32
    %dma_start3A_70 = tpu.memref_slice %arg6[%dma_start3A_69] : memref<25600xi32, #tpu.memory_space<vmem>> -> memref<128xi32, #tpu.memory_space<vmem>>
    %dma_start3A_71 = arith.constant 0 : i32
    %dma_start3A_72 = arith.constant 0 : i32
    %dma_start3A_73 = tpu.memref_slice %arg2[%dma_start3A_71, %dma_start3A_72] : memref<1015808x32xf32, #tpu.memory_space<hbm>> -> memref<1015808x32xf32, #tpu.memory_space<hbm>>
    tpu.enqueue_indirect_dma source(%dma_start3A_73 : memref<1015808x32xf32, #tpu.memory_space<hbm>>) target(%dma_start3A_68 : memref<128x32xf32, #tpu.memory_space<vmem>>) offsets(%dma_start3A_70 : memref<128xi32, #tpu.memory_space<vmem>>) semaphore(%arg11 : memref<!tpu.dma_semaphore, #tpu.memory_space<semaphore_mem>>)
    %dma_start3A_74 = arith.constant 3 : i32
    %dma_start3A_75 = arith.constant 128 : i32
    %dma_start3A_76 = arith.constant 0 : i32
    %dma_start3A_77 = tpu.memref_slice %arg8[%dma_start3A_74, %dma_start3A_75, %dma_start3A_76] : memref<4x200x32xf32, #tpu.memory_space<vmem>> -> memref<1x72x32xf32, #tpu.memory_space<vmem>>
    %dma_start3A_78 = tpu.memref_squeeze %dma_start3A_77 : memref<1x72x32xf32, #tpu.memory_space<vmem>> -> memref<72x32xf32, #tpu.memory_space<vmem>>
    %dma_start3A_79 = arith.constant 728 : i32
    %dma_start3A_80 = tpu.memref_slice %arg6[%dma_start3A_79] : memref<25600xi32, #tpu.memory_space<vmem>> -> memref<72xi32, #tpu.memory_space<vmem>>
    %dma_start3A_81 = arith.constant 0 : i32
    %dma_start3A_82 = arith.constant 0 : i32
    %dma_start3A_83 = tpu.memref_slice %arg2[%dma_start3A_81, %dma_start3A_82] : memref<1015808x32xf32, #tpu.memory_space<hbm>> -> memref<1015808x32xf32, #tpu.memory_space<hbm>>
    tpu.enqueue_indirect_dma source(%dma_start3A_83 : memref<1015808x32xf32, #tpu.memory_space<hbm>>) target(%dma_start3A_78 : memref<72x32xf32, #tpu.memory_space<vmem>>) offsets(%dma_start3A_80 : memref<72xi32, #tpu.memory_space<vmem>>) semaphore(%arg11 : memref<!tpu.dma_semaphore, #tpu.memory_space<semaphore_mem>>)
    %scan3A = arith.constant 0 : i32
    %scan3A_84 = arith.constant 16 : i32
    %scan3A_85 = arith.addi %scan3A, %scan3A_84 : i32
    %scan3A_86 = arith.constant 1 : i32
    scf.for %scan3A_88 = %scan3A to %scan3A_85 step %scan3A_86  : i32 {
      %mul3A_89 = arith.constant 2 : i32
      %mul3A_90 = arith.muli %scan3A_88, %mul3A_89 : i32
      %add3A_91 = arith.constant 0 : i32
      %add3A_92 = arith.addi %add3A_91, %mul3A_90 : i32
      %add3A_93 = arith.constant 0 : i32
      %add3A_94 = arith.addi %add3A_92, %add3A_93 : i32
      %mul3A_95 = arith.constant 4 : i32
      %mul3A_96 = arith.muli %add3A_94, %mul3A_95 : i32
      %add3A_97 = arith.constant 0 : i32
      %add3A_98 = arith.addi %mul3A_96, %add3A_97 : i32
      %mul3A_99 = arith.constant 200 : i32
      %mul3A_100 = arith.muli %add3A_98, %mul3A_99 : i32
      %add3A_101 = arith.constant 128 : i32
      %add3A_102 = arith.addi %mul3A_100, %add3A_101 : i32
      %mul3A_103 = arith.constant 4 : i32
      %mul3A_104 = arith.muli %add3A_94, %mul3A_103 : i32
      %add3A_105 = arith.constant 1 : i32
      %add3A_106 = arith.addi %mul3A_104, %add3A_105 : i32
      %mul3A_107 = arith.constant 200 : i32
      %mul3A_108 = arith.muli %add3A_106, %mul3A_107 : i32
      %add3A_109 = arith.constant 128 : i32
      %add3A_110 = arith.addi %mul3A_108, %add3A_109 : i32
      %mul3A_111 = arith.constant 4 : i32
      %mul3A_112 = arith.muli %add3A_94, %mul3A_111 : i32
      %add3A_113 = arith.constant 2 : i32
      %add3A_114 = arith.addi %mul3A_112, %add3A_113 : i32
      %mul3A_115 = arith.constant 200 : i32
      %mul3A_116 = arith.muli %add3A_114, %mul3A_115 : i32
      %add3A_117 = arith.constant 128 : i32
      %add3A_118 = arith.addi %mul3A_116, %add3A_117 : i32
      %mul3A_119 = arith.constant 4 : i32
      %mul3A_120 = arith.muli %add3A_94, %mul3A_119 : i32
      %add3A_121 = arith.constant 3 : i32
      %add3A_122 = arith.addi %mul3A_120, %add3A_121 : i32
      %mul3A_123 = arith.constant 200 : i32
      %mul3A_124 = arith.muli %add3A_122, %mul3A_123 : i32
      %add3A_125 = arith.constant 128 : i32
      %add3A_126 = arith.addi %mul3A_124, %add3A_125 : i32
      %dma_wait3A = arith.constant 0 : i32
      %dma_wait3A_127 = arith.constant 0 : i32
      %dma_wait3A_128 = arith.constant 0 : i32
      %dma_wait3A_129 = tpu.memref_slice %arg8[%dma_wait3A, %dma_wait3A_127, %dma_wait3A_128] : memref<4x200x32xf32, #tpu.memory_space<vmem>> -> memref<1x128x32xf32, #tpu.memory_space<vmem>>
      %dma_wait3A_130 = tpu.memref_squeeze %dma_wait3A_129 : memref<1x128x32xf32, #tpu.memory_space<vmem>> -> memref<128x32xf32, #tpu.memory_space<vmem>>
      %dma_wait3A_131 = tpu.memref_slice %arg6[%mul3A_100] : memref<25600xi32, #tpu.memory_space<vmem>> -> memref<128xi32, #tpu.memory_space<vmem>>
      %dma_wait3A_132 = arith.constant 0 : i32
      %dma_wait3A_133 = arith.constant 0 : i32
      %dma_wait3A_134 = tpu.memref_slice %arg2[%dma_wait3A_132, %dma_wait3A_133] : memref<1015808x32xf32, #tpu.memory_space<hbm>> -> memref<1015808x32xf32, #tpu.memory_space<hbm>>
      tpu.wait_indirect_dma semaphore(%arg11 : memref<!tpu.dma_semaphore, #tpu.memory_space<semaphore_mem>>) src(%dma_wait3A_134 : memref<1015808x32xf32, #tpu.memory_space<hbm>>) dst(%dma_wait3A_130 : memref<128x32xf32, #tpu.memory_space<vmem>>)
      %dma_wait3A_135 = arith.constant 0 : i32
      %dma_wait3A_136 = arith.constant 128 : i32
      %dma_wait3A_137 = arith.constant 0 : i32
      %dma_wait3A_138 = tpu.memref_slice %arg8[%dma_wait3A_135, %dma_wait3A_136, %dma_wait3A_137] : memref<4x200x32xf32, #tpu.memory_space<vmem>> -> memref<1x72x32xf32, #tpu.memory_space<vmem>>
      %dma_wait3A_139 = tpu.memref_squeeze %dma_wait3A_138 : memref<1x72x32xf32, #tpu.memory_space<vmem>> -> memref<72x32xf32, #tpu.memory_space<vmem>>
      %dma_wait3A_140 = tpu.memref_slice %arg6[%add3A_102] : memref<25600xi32, #tpu.memory_space<vmem>> -> memref<72xi32, #tpu.memory_space<vmem>>
      %dma_wait3A_141 = arith.constant 0 : i32
      %dma_wait3A_142 = arith.constant 0 : i32
      %dma_wait3A_143 = tpu.memref_slice %arg2[%dma_wait3A_141, %dma_wait3A_142] : memref<1015808x32xf32, #tpu.memory_space<hbm>> -> memref<1015808x32xf32, #tpu.memory_space<hbm>>
      tpu.wait_indirect_dma semaphore(%arg11 : memref<!tpu.dma_semaphore, #tpu.memory_space<semaphore_mem>>) src(%dma_wait3A_143 : memref<1015808x32xf32, #tpu.memory_space<hbm>>) dst(%dma_wait3A_139 : memref<72x32xf32, #tpu.memory_space<vmem>>)
      %dma_wait3A_144 = arith.constant 1 : i32
      %dma_wait3A_145 = arith.constant 0 : i32
      %dma_wait3A_146 = arith.constant 0 : i32
      %dma_wait3A_147 = tpu.memref_slice %arg8[%dma_wait3A_144, %dma_wait3A_145, %dma_wait3A_146] : memref<4x200x32xf32, #tpu.memory_space<vmem>> -> memref<1x128x32xf32, #tpu.memory_space<vmem>>
      %dma_wait3A_148 = tpu.memref_squeeze %dma_wait3A_147 : memref<1x128x32xf32, #tpu.memory_space<vmem>> -> memref<128x32xf32, #tpu.memory_space<vmem>>
      %dma_wait3A_149 = tpu.memref_slice %arg6[%mul3A_108] : memref<25600xi32, #tpu.memory_space<vmem>> -> memref<128xi32, #tpu.memory_space<vmem>>
      %dma_wait3A_150 = arith.constant 0 : i32
      %dma_wait3A_151 = arith.constant 0 : i32
      %dma_wait3A_152 = tpu.memref_slice %arg2[%dma_wait3A_150, %dma_wait3A_151] : memref<1015808x32xf32, #tpu.memory_space<hbm>> -> memref<1015808x32xf32, #tpu.memory_space<hbm>>
      tpu.wait_indirect_dma semaphore(%arg11 : memref<!tpu.dma_semaphore, #tpu.memory_space<semaphore_mem>>) src(%dma_wait3A_152 : memref<1015808x32xf32, #tpu.memory_space<hbm>>) dst(%dma_wait3A_148 : memref<128x32xf32, #tpu.memory_space<vmem>>)
      %dma_wait3A_153 = arith.constant 1 : i32
      %dma_wait3A_154 = arith.constant 128 : i32
      %dma_wait3A_155 = arith.constant 0 : i32
      %dma_wait3A_156 = tpu.memref_slice %arg8[%dma_wait3A_153, %dma_wait3A_154, %dma_wait3A_155] : memref<4x200x32xf32, #tpu.memory_space<vmem>> -> memref<1x72x32xf32, #tpu.memory_space<vmem>>
      %dma_wait3A_157 = tpu.memref_squeeze %dma_wait3A_156 : memref<1x72x32xf32, #tpu.memory_space<vmem>> -> memref<72x32xf32, #tpu.memory_space<vmem>>
      %dma_wait3A_158 = tpu.memref_slice %arg6[%add3A_110] : memref<25600xi32, #tpu.memory_space<vmem>> -> memref<72xi32, #tpu.memory_space<vmem>>
      %dma_wait3A_159 = arith.constant 0 : i32
      %dma_wait3A_160 = arith.constant 0 : i32
      %dma_wait3A_161 = tpu.memref_slice %arg2[%dma_wait3A_159, %dma_wait3A_160] : memref<1015808x32xf32, #tpu.memory_space<hbm>> -> memref<1015808x32xf32, #tpu.memory_space<hbm>>
      tpu.wait_indirect_dma semaphore(%arg11 : memref<!tpu.dma_semaphore, #tpu.memory_space<semaphore_mem>>) src(%dma_wait3A_161 : memref<1015808x32xf32, #tpu.memory_space<hbm>>) dst(%dma_wait3A_157 : memref<72x32xf32, #tpu.memory_space<vmem>>)
      %dma_wait3A_162 = arith.constant 2 : i32
      %dma_wait3A_163 = arith.constant 0 : i32
      %dma_wait3A_164 = arith.constant 0 : i32
      %dma_wait3A_165 = tpu.memref_slice %arg8[%dma_wait3A_162, %dma_wait3A_163, %dma_wait3A_164] : memref<4x200x32xf32, #tpu.memory_space<vmem>> -> memref<1x128x32xf32, #tpu.memory_space<vmem>>
      %dma_wait3A_166 = tpu.memref_squeeze %dma_wait3A_165 : memref<1x128x32xf32, #tpu.memory_space<vmem>> -> memref<128x32xf32, #tpu.memory_space<vmem>>
      %dma_wait3A_167 = tpu.memref_slice %arg6[%mul3A_116] : memref<25600xi32, #tpu.memory_space<vmem>> -> memref<128xi32, #tpu.memory_space<vmem>>
      %dma_wait3A_168 = arith.constant 0 : i32
      %dma_wait3A_169 = arith.constant 0 : i32
      %dma_wait3A_170 = tpu.memref_slice %arg2[%dma_wait3A_168, %dma_wait3A_169] : memref<1015808x32xf32, #tpu.memory_space<hbm>> -> memref<1015808x32xf32, #tpu.memory_space<hbm>>
      tpu.wait_indirect_dma semaphore(%arg11 : memref<!tpu.dma_semaphore, #tpu.memory_space<semaphore_mem>>) src(%dma_wait3A_170 : memref<1015808x32xf32, #tpu.memory_space<hbm>>) dst(%dma_wait3A_166 : memref<128x32xf32, #tpu.memory_space<vmem>>)
      %dma_wait3A_171 = arith.constant 2 : i32
      %dma_wait3A_172 = arith.constant 128 : i32
      %dma_wait3A_173 = arith.constant 0 : i32
      %dma_wait3A_174 = tpu.memref_slice %arg8[%dma_wait3A_171, %dma_wait3A_172, %dma_wait3A_173] : memref<4x200x32xf32, #tpu.memory_space<vmem>> -> memref<1x72x32xf32, #tpu.memory_space<vmem>>
      %dma_wait3A_175 = tpu.memref_squeeze %dma_wait3A_174 : memref<1x72x32xf32, #tpu.memory_space<vmem>> -> memref<72x32xf32, #tpu.memory_space<vmem>>
      %dma_wait3A_176 = tpu.memref_slice %arg6[%add3A_118] : memref<25600xi32, #tpu.memory_space<vmem>> -> memref<72xi32, #tpu.memory_space<vmem>>
      %dma_wait3A_177 = arith.constant 0 : i32
      %dma_wait3A_178 = arith.constant 0 : i32
      %dma_wait3A_179 = tpu.memref_slice %arg2[%dma_wait3A_177, %dma_wait3A_178] : memref<1015808x32xf32, #tpu.memory_space<hbm>> -> memref<1015808x32xf32, #tpu.memory_space<hbm>>
      tpu.wait_indirect_dma semaphore(%arg11 : memref<!tpu.dma_semaphore, #tpu.memory_space<semaphore_mem>>) src(%dma_wait3A_179 : memref<1015808x32xf32, #tpu.memory_space<hbm>>) dst(%dma_wait3A_175 : memref<72x32xf32, #tpu.memory_space<vmem>>)
      %dma_wait3A_180 = arith.constant 3 : i32
      %dma_wait3A_181 = arith.constant 0 : i32
      %dma_wait3A_182 = arith.constant 0 : i32
      %dma_wait3A_183 = tpu.memref_slice %arg8[%dma_wait3A_180, %dma_wait3A_181, %dma_wait3A_182] : memref<4x200x32xf32, #tpu.memory_space<vmem>> -> memref<1x128x32xf32, #tpu.memory_space<vmem>>
      %dma_wait3A_184 = tpu.memref_squeeze %dma_wait3A_183 : memref<1x128x32xf32, #tpu.memory_space<vmem>> -> memref<128x32xf32, #tpu.memory_space<vmem>>
      %dma_wait3A_185 = tpu.memref_slice %arg6[%mul3A_124] : memref<25600xi32, #tpu.memory_space<vmem>> -> memref<128xi32, #tpu.memory_space<vmem>>
      %dma_wait3A_186 = arith.constant 0 : i32
      %dma_wait3A_187 = arith.constant 0 : i32
      %dma_wait3A_188 = tpu.memref_slice %arg2[%dma_wait3A_186, %dma_wait3A_187] : memref<1015808x32xf32, #tpu.memory_space<hbm>> -> memref<1015808x32xf32, #tpu.memory_space<hbm>>
      tpu.wait_indirect_dma semaphore(%arg11 : memref<!tpu.dma_semaphore, #tpu.memory_space<semaphore_mem>>) src(%dma_wait3A_188 : memref<1015808x32xf32, #tpu.memory_space<hbm>>) dst(%dma_wait3A_184 : memref<128x32xf32, #tpu.memory_space<vmem>>)
      %dma_wait3A_189 = arith.constant 3 : i32
      %dma_wait3A_190 = arith.constant 128 : i32
      %dma_wait3A_191 = arith.constant 0 : i32
      %dma_wait3A_192 = tpu.memref_slice %arg8[%dma_wait3A_189, %dma_wait3A_190, %dma_wait3A_191] : memref<4x200x32xf32, #tpu.memory_space<vmem>> -> memref<1x72x32xf32, #tpu.memory_space<vmem>>
      %dma_wait3A_193 = tpu.memref_squeeze %dma_wait3A_192 : memref<1x72x32xf32, #tpu.memory_space<vmem>> -> memref<72x32xf32, #tpu.memory_space<vmem>>
      %dma_wait3A_194 = tpu.memref_slice %arg6[%add3A_126] : memref<25600xi32, #tpu.memory_space<vmem>> -> memref<72xi32, #tpu.memory_space<vmem>>
      %dma_wait3A_195 = arith.constant 0 : i32
      %dma_wait3A_196 = arith.constant 0 : i32
      %dma_wait3A_197 = tpu.memref_slice %arg2[%dma_wait3A_195, %dma_wait3A_196] : memref<1015808x32xf32, #tpu.memory_space<hbm>> -> memref<1015808x32xf32, #tpu.memory_space<hbm>>
      tpu.wait_indirect_dma semaphore(%arg11 : memref<!tpu.dma_semaphore, #tpu.memory_space<semaphore_mem>>) src(%dma_wait3A_197 : memref<1015808x32xf32, #tpu.memory_space<hbm>>) dst(%dma_wait3A_193 : memref<72x32xf32, #tpu.memory_space<vmem>>)
      %add3A_198 = arith.constant 1 : i32
      %add3A_199 = arith.addi %add3A_94, %add3A_198 : i32
      %lt3A = arith.constant 32 : i32
      %lt3A_200 = arith.cmpi slt, %add3A_199, %lt3A : i32
      %convert_element_type3A = arith.extui %lt3A_200 : i1 to i32
      %cond3A = arith.constant 0 : i32
      %cond3A_201 = arith.cmpi ne, %convert_element_type3A, %cond3A : i32
      scf.if %cond3A_201 {
        %add3A_739 = arith.constant 1 : i32
        %add3A_740 = arith.addi %add3A_94, %add3A_739 : i32
        %mul3A_741 = arith.constant 4 : i32
        %mul3A_742 = arith.muli %add3A_740, %mul3A_741 : i32
        %add3A_743 = arith.constant 0 : i32
        %add3A_744 = arith.addi %mul3A_742, %add3A_743 : i32
        %mul3A_745 = arith.constant 200 : i32
        %mul3A_746 = arith.muli %add3A_744, %mul3A_745 : i32
        %add3A_747 = arith.constant 128 : i32
        %add3A_748 = arith.addi %mul3A_746, %add3A_747 : i32
        %mul3A_749 = arith.constant 4 : i32
        %mul3A_750 = arith.muli %add3A_740, %mul3A_749 : i32
        %add3A_751 = arith.constant 1 : i32
        %add3A_752 = arith.addi %mul3A_750, %add3A_751 : i32
        %mul3A_753 = arith.constant 200 : i32
        %mul3A_754 = arith.muli %add3A_752, %mul3A_753 : i32
        %add3A_755 = arith.constant 128 : i32
        %add3A_756 = arith.addi %mul3A_754, %add3A_755 : i32
        %mul3A_757 = arith.constant 4 : i32
        %mul3A_758 = arith.muli %add3A_740, %mul3A_757 : i32
        %add3A_759 = arith.constant 2 : i32
        %add3A_760 = arith.addi %mul3A_758, %add3A_759 : i32
        %mul3A_761 = arith.constant 200 : i32
        %mul3A_762 = arith.muli %add3A_760, %mul3A_761 : i32
        %add3A_763 = arith.constant 128 : i32
        %add3A_764 = arith.addi %mul3A_762, %add3A_763 : i32
        %mul3A_765 = arith.constant 4 : i32
        %mul3A_766 = arith.muli %add3A_740, %mul3A_765 : i32
        %add3A_767 = arith.constant 3 : i32
        %add3A_768 = arith.addi %mul3A_766, %add3A_767 : i32
        %mul3A_769 = arith.constant 200 : i32
        %mul3A_770 = arith.muli %add3A_768, %mul3A_769 : i32
        %add3A_771 = arith.constant 128 : i32
        %add3A_772 = arith.addi %mul3A_770, %add3A_771 : i32
        %dma_start3A_773 = arith.constant 0 : i32
        %dma_start3A_774 = arith.constant 0 : i32
        %dma_start3A_775 = arith.constant 0 : i32
        %dma_start3A_776 = tpu.memref_slice %arg9[%dma_start3A_773, %dma_start3A_774, %dma_start3A_775] : memref<4x200x32xf32, #tpu.memory_space<vmem>> -> memref<1x128x32xf32, #tpu.memory_space<vmem>>
        %dma_start3A_777 = tpu.memref_squeeze %dma_start3A_776 : memref<1x128x32xf32, #tpu.memory_space<vmem>> -> memref<128x32xf32, #tpu.memory_space<vmem>>
        %dma_start3A_778 = tpu.memref_slice %arg6[%mul3A_746] : memref<25600xi32, #tpu.memory_space<vmem>> -> memref<128xi32, #tpu.memory_space<vmem>>
        %dma_start3A_779 = arith.constant 0 : i32
        %dma_start3A_780 = arith.constant 0 : i32
        %dma_start3A_781 = tpu.memref_slice %arg2[%dma_start3A_779, %dma_start3A_780] : memref<1015808x32xf32, #tpu.memory_space<hbm>> -> memref<1015808x32xf32, #tpu.memory_space<hbm>>
        tpu.enqueue_indirect_dma source(%dma_start3A_781 : memref<1015808x32xf32, #tpu.memory_space<hbm>>) target(%dma_start3A_777 : memref<128x32xf32, #tpu.memory_space<vmem>>) offsets(%dma_start3A_778 : memref<128xi32, #tpu.memory_space<vmem>>) semaphore(%arg12 : memref<!tpu.dma_semaphore, #tpu.memory_space<semaphore_mem>>)
        %dma_start3A_782 = arith.constant 0 : i32
        %dma_start3A_783 = arith.constant 128 : i32
        %dma_start3A_784 = arith.constant 0 : i32
        %dma_start3A_785 = tpu.memref_slice %arg9[%dma_start3A_782, %dma_start3A_783, %dma_start3A_784] : memref<4x200x32xf32, #tpu.memory_space<vmem>> -> memref<1x72x32xf32, #tpu.memory_space<vmem>>
        %dma_start3A_786 = tpu.memref_squeeze %dma_start3A_785 : memref<1x72x32xf32, #tpu.memory_space<vmem>> -> memref<72x32xf32, #tpu.memory_space<vmem>>
        %dma_start3A_787 = tpu.memref_slice %arg6[%add3A_748] : memref<25600xi32, #tpu.memory_space<vmem>> -> memref<72xi32, #tpu.memory_space<vmem>>
        %dma_start3A_788 = arith.constant 0 : i32
        %dma_start3A_789 = arith.constant 0 : i32
        %dma_start3A_790 = tpu.memref_slice %arg2[%dma_start3A_788, %dma_start3A_789] : memref<1015808x32xf32, #tpu.memory_space<hbm>> -> memref<1015808x32xf32, #tpu.memory_space<hbm>>
        tpu.enqueue_indirect_dma source(%dma_start3A_790 : memref<1015808x32xf32, #tpu.memory_space<hbm>>) target(%dma_start3A_786 : memref<72x32xf32, #tpu.memory_space<vmem>>) offsets(%dma_start3A_787 : memref<72xi32, #tpu.memory_space<vmem>>) semaphore(%arg12 : memref<!tpu.dma_semaphore, #tpu.memory_space<semaphore_mem>>)
        %dma_start3A_791 = arith.constant 1 : i32
        %dma_start3A_792 = arith.constant 0 : i32
        %dma_start3A_793 = arith.constant 0 : i32
        %dma_start3A_794 = tpu.memref_slice %arg9[%dma_start3A_791, %dma_start3A_792, %dma_start3A_793] : memref<4x200x32xf32, #tpu.memory_space<vmem>> -> memref<1x128x32xf32, #tpu.memory_space<vmem>>
        %dma_start3A_795 = tpu.memref_squeeze %dma_start3A_794 : memref<1x128x32xf32, #tpu.memory_space<vmem>> -> memref<128x32xf32, #tpu.memory_space<vmem>>
        %dma_start3A_796 = tpu.memref_slice %arg6[%mul3A_754] : memref<25600xi32, #tpu.memory_space<vmem>> -> memref<128xi32, #tpu.memory_space<vmem>>
        %dma_start3A_797 = arith.constant 0 : i32
        %dma_start3A_798 = arith.constant 0 : i32
        %dma_start3A_799 = tpu.memref_slice %arg2[%dma_start3A_797, %dma_start3A_798] : memref<1015808x32xf32, #tpu.memory_space<hbm>> -> memref<1015808x32xf32, #tpu.memory_space<hbm>>
        tpu.enqueue_indirect_dma source(%dma_start3A_799 : memref<1015808x32xf32, #tpu.memory_space<hbm>>) target(%dma_start3A_795 : memref<128x32xf32, #tpu.memory_space<vmem>>) offsets(%dma_start3A_796 : memref<128xi32, #tpu.memory_space<vmem>>) semaphore(%arg12 : memref<!tpu.dma_semaphore, #tpu.memory_space<semaphore_mem>>)
        %dma_start3A_800 = arith.constant 1 : i32
        %dma_start3A_801 = arith.constant 128 : i32
        %dma_start3A_802 = arith.constant 0 : i32
        %dma_start3A_803 = tpu.memref_slice %arg9[%dma_start3A_800, %dma_start3A_801, %dma_start3A_802] : memref<4x200x32xf32, #tpu.memory_space<vmem>> -> memref<1x72x32xf32, #tpu.memory_space<vmem>>
        %dma_start3A_804 = tpu.memref_squeeze %dma_start3A_803 : memref<1x72x32xf32, #tpu.memory_space<vmem>> -> memref<72x32xf32, #tpu.memory_space<vmem>>
        %dma_start3A_805 = tpu.memref_slice %arg6[%add3A_756] : memref<25600xi32, #tpu.memory_space<vmem>> -> memref<72xi32, #tpu.memory_space<vmem>>
        %dma_start3A_806 = arith.constant 0 : i32
        %dma_start3A_807 = arith.constant 0 : i32
        %dma_start3A_808 = tpu.memref_slice %arg2[%dma_start3A_806, %dma_start3A_807] : memref<1015808x32xf32, #tpu.memory_space<hbm>> -> memref<1015808x32xf32, #tpu.memory_space<hbm>>
        tpu.enqueue_indirect_dma source(%dma_start3A_808 : memref<1015808x32xf32, #tpu.memory_space<hbm>>) target(%dma_start3A_804 : memref<72x32xf32, #tpu.memory_space<vmem>>) offsets(%dma_start3A_805 : memref<72xi32, #tpu.memory_space<vmem>>) semaphore(%arg12 : memref<!tpu.dma_semaphore, #tpu.memory_space<semaphore_mem>>)
        %dma_start3A_809 = arith.constant 2 : i32
        %dma_start3A_810 = arith.constant 0 : i32
        %dma_start3A_811 = arith.constant 0 : i32
        %dma_start3A_812 = tpu.memref_slice %arg9[%dma_start3A_809, %dma_start3A_810, %dma_start3A_811] : memref<4x200x32xf32, #tpu.memory_space<vmem>> -> memref<1x128x32xf32, #tpu.memory_space<vmem>>
        %dma_start3A_813 = tpu.memref_squeeze %dma_start3A_812 : memref<1x128x32xf32, #tpu.memory_space<vmem>> -> memref<128x32xf32, #tpu.memory_space<vmem>>
        %dma_start3A_814 = tpu.memref_slice %arg6[%mul3A_762] : memref<25600xi32, #tpu.memory_space<vmem>> -> memref<128xi32, #tpu.memory_space<vmem>>
        %dma_start3A_815 = arith.constant 0 : i32
        %dma_start3A_816 = arith.constant 0 : i32
        %dma_start3A_817 = tpu.memref_slice %arg2[%dma_start3A_815, %dma_start3A_816] : memref<1015808x32xf32, #tpu.memory_space<hbm>> -> memref<1015808x32xf32, #tpu.memory_space<hbm>>
        tpu.enqueue_indirect_dma source(%dma_start3A_817 : memref<1015808x32xf32, #tpu.memory_space<hbm>>) target(%dma_start3A_813 : memref<128x32xf32, #tpu.memory_space<vmem>>) offsets(%dma_start3A_814 : memref<128xi32, #tpu.memory_space<vmem>>) semaphore(%arg12 : memref<!tpu.dma_semaphore, #tpu.memory_space<semaphore_mem>>)
        %dma_start3A_818 = arith.constant 2 : i32
        %dma_start3A_819 = arith.constant 128 : i32
        %dma_start3A_820 = arith.constant 0 : i32
        %dma_start3A_821 = tpu.memref_slice %arg9[%dma_start3A_818, %dma_start3A_819, %dma_start3A_820] : memref<4x200x32xf32, #tpu.memory_space<vmem>> -> memref<1x72x32xf32, #tpu.memory_space<vmem>>
        %dma_start3A_822 = tpu.memref_squeeze %dma_start3A_821 : memref<1x72x32xf32, #tpu.memory_space<vmem>> -> memref<72x32xf32, #tpu.memory_space<vmem>>
        %dma_start3A_823 = tpu.memref_slice %arg6[%add3A_764] : memref<25600xi32, #tpu.memory_space<vmem>> -> memref<72xi32, #tpu.memory_space<vmem>>
        %dma_start3A_824 = arith.constant 0 : i32
        %dma_start3A_825 = arith.constant 0 : i32
        %dma_start3A_826 = tpu.memref_slice %arg2[%dma_start3A_824, %dma_start3A_825] : memref<1015808x32xf32, #tpu.memory_space<hbm>> -> memref<1015808x32xf32, #tpu.memory_space<hbm>>
        tpu.enqueue_indirect_dma source(%dma_start3A_826 : memref<1015808x32xf32, #tpu.memory_space<hbm>>) target(%dma_start3A_822 : memref<72x32xf32, #tpu.memory_space<vmem>>) offsets(%dma_start3A_823 : memref<72xi32, #tpu.memory_space<vmem>>) semaphore(%arg12 : memref<!tpu.dma_semaphore, #tpu.memory_space<semaphore_mem>>)
        %dma_start3A_827 = arith.constant 3 : i32
        %dma_start3A_828 = arith.constant 0 : i32
        %dma_start3A_829 = arith.constant 0 : i32
        %dma_start3A_830 = tpu.memref_slice %arg9[%dma_start3A_827, %dma_start3A_828, %dma_start3A_829] : memref<4x200x32xf32, #tpu.memory_space<vmem>> -> memref<1x128x32xf32, #tpu.memory_space<vmem>>
        %dma_start3A_831 = tpu.memref_squeeze %dma_start3A_830 : memref<1x128x32xf32, #tpu.memory_space<vmem>> -> memref<128x32xf32, #tpu.memory_space<vmem>>
        %dma_start3A_832 = tpu.memref_slice %arg6[%mul3A_770] : memref<25600xi32, #tpu.memory_space<vmem>> -> memref<128xi32, #tpu.memory_space<vmem>>
        %dma_start3A_833 = arith.constant 0 : i32
        %dma_start3A_834 = arith.constant 0 : i32
        %dma_start3A_835 = tpu.memref_slice %arg2[%dma_start3A_833, %dma_start3A_834] : memref<1015808x32xf32, #tpu.memory_space<hbm>> -> memref<1015808x32xf32, #tpu.memory_space<hbm>>
        tpu.enqueue_indirect_dma source(%dma_start3A_835 : memref<1015808x32xf32, #tpu.memory_space<hbm>>) target(%dma_start3A_831 : memref<128x32xf32, #tpu.memory_space<vmem>>) offsets(%dma_start3A_832 : memref<128xi32, #tpu.memory_space<vmem>>) semaphore(%arg12 : memref<!tpu.dma_semaphore, #tpu.memory_space<semaphore_mem>>)
        %dma_start3A_836 = arith.constant 3 : i32
        %dma_start3A_837 = arith.constant 128 : i32
        %dma_start3A_838 = arith.constant 0 : i32
        %dma_start3A_839 = tpu.memref_slice %arg9[%dma_start3A_836, %dma_start3A_837, %dma_start3A_838] : memref<4x200x32xf32, #tpu.memory_space<vmem>> -> memref<1x72x32xf32, #tpu.memory_space<vmem>>
        %dma_start3A_840 = tpu.memref_squeeze %dma_start3A_839 : memref<1x72x32xf32, #tpu.memory_space<vmem>> -> memref<72x32xf32, #tpu.memory_space<vmem>>
        %dma_start3A_841 = tpu.memref_slice %arg6[%add3A_772] : memref<25600xi32, #tpu.memory_space<vmem>> -> memref<72xi32, #tpu.memory_space<vmem>>
        %dma_start3A_842 = arith.constant 0 : i32
        %dma_start3A_843 = arith.constant 0 : i32
        %dma_start3A_844 = tpu.memref_slice %arg2[%dma_start3A_842, %dma_start3A_843] : memref<1015808x32xf32, #tpu.memory_space<hbm>> -> memref<1015808x32xf32, #tpu.memory_space<hbm>>
        tpu.enqueue_indirect_dma source(%dma_start3A_844 : memref<1015808x32xf32, #tpu.memory_space<hbm>>) target(%dma_start3A_840 : memref<72x32xf32, #tpu.memory_space<vmem>>) offsets(%dma_start3A_841 : memref<72xi32, #tpu.memory_space<vmem>>) semaphore(%arg12 : memref<!tpu.dma_semaphore, #tpu.memory_space<semaphore_mem>>)
      } else {
      }
      %broadcast_in_dim3A = arith.constant 0.000000e+00 : f32
      %broadcast_in_dim3A_202 = vector.broadcast %broadcast_in_dim3A : f32 to vector<16xf32>
      %scan3A_203 = arith.constant 0 : i32
      %scan3A_204 = arith.constant 25 : i32
      %scan3A_205 = arith.addi %scan3A_203, %scan3A_204 : i32
      %scan3A_206 = arith.constant 1 : i32
      %scan3A_207:8 = scf.for %scan3A_739 = %scan3A_203 to %scan3A_205 step %scan3A_206 iter_args(%scan3A_740 = %broadcast_in_dim3A_202, %scan3A_741 = %broadcast_in_dim3A_202, %scan3A_742 = %broadcast_in_dim3A_202, %scan3A_743 = %broadcast_in_dim3A_202, %scan3A_744 = %broadcast_in_dim3A_202, %scan3A_745 = %broadcast_in_dim3A_202, %scan3A_746 = %broadcast_in_dim3A_202, %scan3A_747 = %broadcast_in_dim3A_202) -> (vector<16xf32>, vector<16xf32>, vector<16xf32>, vector<16xf32>, vector<16xf32>, vector<16xf32>, vector<16xf32>, vector<16xf32>)  : i32 {
        %mul3A_748 = arith.constant 8 : i32
        %mul3A_749 = arith.muli %scan3A_739, %mul3A_748 : i32
        %add3A_750 = arith.constant 0 : i32
        %add3A_751 = arith.addi %mul3A_749, %add3A_750 : i32
        %get3A = arith.index_cast %add3A_751 : i32 to index
        %get3A_752 = arith.constant 0 : index
        %get3A_753 = tpu.vector_load %arg7[%get3A, %get3A_752] {strides = array<i32>} : memref<200x16xf32, #tpu.memory_space<vmem>>, vector<1x16xf32>,
        %get3A_754 = vector.shape_cast %get3A_753 : vector<1x16xf32> to vector<16xf32>
        %get3A_755 = arith.constant 0 : i32
        %get3A_756 = arith.index_cast %get3A_755 : i32 to index
        %get3A_757 = arith.index_cast %add3A_751 : i32 to index
        %get3A_758 = arith.constant 0 : index
        %get3A_759 = tpu.vector_load %arg8[%get3A_756, %get3A_757, %get3A_758] {strides = array<i32>} : memref<4x200x32xf32, #tpu.memory_space<vmem>>, vector<1x1x16xf32>,
        %get3A_760 = vector.shape_cast %get3A_759 : vector<1x1x16xf32> to vector<16xf32>
        %mul3A_761 = arith.mulf %get3A_754, %get3A_760 : vector<16xf32>
        %add3A_762 = arith.addf %scan3A_740, %mul3A_761 : vector<16xf32>
        %get3A_763 = arith.constant 0 : i32
        %get3A_764 = arith.index_cast %get3A_763 : i32 to index
        %get3A_765 = arith.index_cast %add3A_751 : i32 to index
        %get3A_766 = arith.constant 16 : index
        %get3A_767 = tpu.vector_load %arg8[%get3A_764, %get3A_765, %get3A_766] {strides = array<i32>} : memref<4x200x32xf32, #tpu.memory_space<vmem>>, vector<1x1x16xf32>,
        %get3A_768 = vector.shape_cast %get3A_767 : vector<1x1x16xf32> to vector<16xf32>
        %mul3A_769 = arith.mulf %get3A_754, %get3A_768 : vector<16xf32>
        %add3A_770 = arith.addf %scan3A_741, %mul3A_769 : vector<16xf32>
        %get3A_771 = arith.constant 1 : i32
        %get3A_772 = arith.index_cast %get3A_771 : i32 to index
        %get3A_773 = arith.index_cast %add3A_751 : i32 to index
        %get3A_774 = arith.constant 0 : index
        %get3A_775 = tpu.vector_load %arg8[%get3A_772, %get3A_773, %get3A_774] {strides = array<i32>} : memref<4x200x32xf32, #tpu.memory_space<vmem>>, vector<1x1x16xf32>,
        %get3A_776 = vector.shape_cast %get3A_775 : vector<1x1x16xf32> to vector<16xf32>
        %mul3A_777 = arith.mulf %get3A_754, %get3A_776 : vector<16xf32>
        %add3A_778 = arith.addf %scan3A_742, %mul3A_777 : vector<16xf32>
        %get3A_779 = arith.constant 1 : i32
        %get3A_780 = arith.index_cast %get3A_779 : i32 to index
        %get3A_781 = arith.index_cast %add3A_751 : i32 to index
        %get3A_782 = arith.constant 16 : index
        %get3A_783 = tpu.vector_load %arg8[%get3A_780, %get3A_781, %get3A_782] {strides = array<i32>} : memref<4x200x32xf32, #tpu.memory_space<vmem>>, vector<1x1x16xf32>,
        %get3A_784 = vector.shape_cast %get3A_783 : vector<1x1x16xf32> to vector<16xf32>
        %mul3A_785 = arith.mulf %get3A_754, %get3A_784 : vector<16xf32>
        %add3A_786 = arith.addf %scan3A_743, %mul3A_785 : vector<16xf32>
        %get3A_787 = arith.constant 2 : i32
        %get3A_788 = arith.index_cast %get3A_787 : i32 to index
        %get3A_789 = arith.index_cast %add3A_751 : i32 to index
        %get3A_790 = arith.constant 0 : index
        %get3A_791 = tpu.vector_load %arg8[%get3A_788, %get3A_789, %get3A_790] {strides = array<i32>} : memref<4x200x32xf32, #tpu.memory_space<vmem>>, vector<1x1x16xf32>,
        %get3A_792 = vector.shape_cast %get3A_791 : vector<1x1x16xf32> to vector<16xf32>
        %mul3A_793 = arith.mulf %get3A_754, %get3A_792 : vector<16xf32>
        %add3A_794 = arith.addf %scan3A_744, %mul3A_793 : vector<16xf32>
        %get3A_795 = arith.constant 2 : i32
        %get3A_796 = arith.index_cast %get3A_795 : i32 to index
        %get3A_797 = arith.index_cast %add3A_751 : i32 to index
        %get3A_798 = arith.constant 16 : index
        %get3A_799 = tpu.vector_load %arg8[%get3A_796, %get3A_797, %get3A_798] {strides = array<i32>} : memref<4x200x32xf32, #tpu.memory_space<vmem>>, vector<1x1x16xf32>,
        %get3A_800 = vector.shape_cast %get3A_799 : vector<1x1x16xf32> to vector<16xf32>
        %mul3A_801 = arith.mulf %get3A_754, %get3A_800 : vector<16xf32>
        %add3A_802 = arith.addf %scan3A_745, %mul3A_801 : vector<16xf32>
        %get3A_803 = arith.constant 3 : i32
        %get3A_804 = arith.index_cast %get3A_803 : i32 to index
        %get3A_805 = arith.index_cast %add3A_751 : i32 to index
        %get3A_806 = arith.constant 0 : index
        %get3A_807 = tpu.vector_load %arg8[%get3A_804, %get3A_805, %get3A_806] {strides = array<i32>} : memref<4x200x32xf32, #tpu.memory_space<vmem>>, vector<1x1x16xf32>,
        %get3A_808 = vector.shape_cast %get3A_807 : vector<1x1x16xf32> to vector<16xf32>
        %mul3A_809 = arith.mulf %get3A_754, %get3A_808 : vector<16xf32>
        %add3A_810 = arith.addf %scan3A_746, %mul3A_809 : vector<16xf32>
        %get3A_811 = arith.constant 3 : i32
        %get3A_812 = arith.index_cast %get3A_811 : i32 to index
        %get3A_813 = arith.index_cast %add3A_751 : i32 to index
        %get3A_814 = arith.constant 16 : index
        %get3A_815 = tpu.vector_load %arg8[%get3A_812, %get3A_813, %get3A_814] {strides = array<i32>} : memref<4x200x32xf32, #tpu.memory_space<vmem>>, vector<1x1x16xf32>,
        %get3A_816 = vector.shape_cast %get3A_815 : vector<1x1x16xf32> to vector<16xf32>
        %mul3A_817 = arith.mulf %get3A_754, %get3A_816 : vector<16xf32>
        %add3A_818 = arith.addf %scan3A_747, %mul3A_817 : vector<16xf32>
        %mul3A_819 = arith.constant 8 : i32
        %mul3A_820 = arith.muli %scan3A_739, %mul3A_819 : i32
        %add3A_821 = arith.constant 1 : i32
        %add3A_822 = arith.addi %mul3A_820, %add3A_821 : i32
        %get3A_823 = arith.index_cast %add3A_822 : i32 to index
        %get3A_824 = arith.constant 0 : index
        %get3A_825 = tpu.vector_load %arg7[%get3A_823, %get3A_824] {strides = array<i32>} : memref<200x16xf32, #tpu.memory_space<vmem>>, vector<1x16xf32>,
        %get3A_826 = vector.shape_cast %get3A_825 : vector<1x16xf32> to vector<16xf32>
        %get3A_827 = arith.constant 0 : i32
        %get3A_828 = arith.index_cast %get3A_827 : i32 to index
        %get3A_829 = arith.index_cast %add3A_822 : i32 to index
        %get3A_830 = arith.constant 0 : index
        %get3A_831 = tpu.vector_load %arg8[%get3A_828, %get3A_829, %get3A_830] {strides = array<i32>} : memref<4x200x32xf32, #tpu.memory_space<vmem>>, vector<1x1x16xf32>,
        %get3A_832 = vector.shape_cast %get3A_831 : vector<1x1x16xf32> to vector<16xf32>
        %mul3A_833 = arith.mulf %get3A_826, %get3A_832 : vector<16xf32>
        %add3A_834 = arith.addf %add3A_762, %mul3A_833 : vector<16xf32>
        %get3A_835 = arith.constant 0 : i32
        %get3A_836 = arith.index_cast %get3A_835 : i32 to index
        %get3A_837 = arith.index_cast %add3A_822 : i32 to index
        %get3A_838 = arith.constant 16 : index
        %get3A_839 = tpu.vector_load %arg8[%get3A_836, %get3A_837, %get3A_838] {strides = array<i32>} : memref<4x200x32xf32, #tpu.memory_space<vmem>>, vector<1x1x16xf32>,
        %get3A_840 = vector.shape_cast %get3A_839 : vector<1x1x16xf32> to vector<16xf32>
        %mul3A_841 = arith.mulf %get3A_826, %get3A_840 : vector<16xf32>
        %add3A_842 = arith.addf %add3A_770, %mul3A_841 : vector<16xf32>
        %get3A_843 = arith.constant 1 : i32
        %get3A_844 = arith.index_cast %get3A_843 : i32 to index
        %get3A_845 = arith.index_cast %add3A_822 : i32 to index
        %get3A_846 = arith.constant 0 : index
        %get3A_847 = tpu.vector_load %arg8[%get3A_844, %get3A_845, %get3A_846] {strides = array<i32>} : memref<4x200x32xf32, #tpu.memory_space<vmem>>, vector<1x1x16xf32>,
        %get3A_848 = vector.shape_cast %get3A_847 : vector<1x1x16xf32> to vector<16xf32>
        %mul3A_849 = arith.mulf %get3A_826, %get3A_848 : vector<16xf32>
        %add3A_850 = arith.addf %add3A_778, %mul3A_849 : vector<16xf32>
        %get3A_851 = arith.constant 1 : i32
        %get3A_852 = arith.index_cast %get3A_851 : i32 to index
        %get3A_853 = arith.index_cast %add3A_822 : i32 to index
        %get3A_854 = arith.constant 16 : index
        %get3A_855 = tpu.vector_load %arg8[%get3A_852, %get3A_853, %get3A_854] {strides = array<i32>} : memref<4x200x32xf32, #tpu.memory_space<vmem>>, vector<1x1x16xf32>,
        %get3A_856 = vector.shape_cast %get3A_855 : vector<1x1x16xf32> to vector<16xf32>
        %mul3A_857 = arith.mulf %get3A_826, %get3A_856 : vector<16xf32>
        %add3A_858 = arith.addf %add3A_786, %mul3A_857 : vector<16xf32>
        %get3A_859 = arith.constant 2 : i32
        %get3A_860 = arith.index_cast %get3A_859 : i32 to index
        %get3A_861 = arith.index_cast %add3A_822 : i32 to index
        %get3A_862 = arith.constant 0 : index
        %get3A_863 = tpu.vector_load %arg8[%get3A_860, %get3A_861, %get3A_862] {strides = array<i32>} : memref<4x200x32xf32, #tpu.memory_space<vmem>>, vector<1x1x16xf32>,
        %get3A_864 = vector.shape_cast %get3A_863 : vector<1x1x16xf32> to vector<16xf32>
        %mul3A_865 = arith.mulf %get3A_826, %get3A_864 : vector<16xf32>
        %add3A_866 = arith.addf %add3A_794, %mul3A_865 : vector<16xf32>
        %get3A_867 = arith.constant 2 : i32
        %get3A_868 = arith.index_cast %get3A_867 : i32 to index
        %get3A_869 = arith.index_cast %add3A_822 : i32 to index
        %get3A_870 = arith.constant 16 : index
        %get3A_871 = tpu.vector_load %arg8[%get3A_868, %get3A_869, %get3A_870] {strides = array<i32>} : memref<4x200x32xf32, #tpu.memory_space<vmem>>, vector<1x1x16xf32>,
        %get3A_872 = vector.shape_cast %get3A_871 : vector<1x1x16xf32> to vector<16xf32>
        %mul3A_873 = arith.mulf %get3A_826, %get3A_872 : vector<16xf32>
        %add3A_874 = arith.addf %add3A_802, %mul3A_873 : vector<16xf32>
        %get3A_875 = arith.constant 3 : i32
        %get3A_876 = arith.index_cast %get3A_875 : i32 to index
        %get3A_877 = arith.index_cast %add3A_822 : i32 to index
        %get3A_878 = arith.constant 0 : index
        %get3A_879 = tpu.vector_load %arg8[%get3A_876, %get3A_877, %get3A_878] {strides = array<i32>} : memref<4x200x32xf32, #tpu.memory_space<vmem>>, vector<1x1x16xf32>,
        %get3A_880 = vector.shape_cast %get3A_879 : vector<1x1x16xf32> to vector<16xf32>
        %mul3A_881 = arith.mulf %get3A_826, %get3A_880 : vector<16xf32>
        %add3A_882 = arith.addf %add3A_810, %mul3A_881 : vector<16xf32>
        %get3A_883 = arith.constant 3 : i32
        %get3A_884 = arith.index_cast %get3A_883 : i32 to index
        %get3A_885 = arith.index_cast %add3A_822 : i32 to index
        %get3A_886 = arith.constant 16 : index
        %get3A_887 = tpu.vector_load %arg8[%get3A_884, %get3A_885, %get3A_886] {strides = array<i32>} : memref<4x200x32xf32, #tpu.memory_space<vmem>>, vector<1x1x16xf32>,
        %get3A_888 = vector.shape_cast %get3A_887 : vector<1x1x16xf32> to vector<16xf32>
        %mul3A_889 = arith.mulf %get3A_826, %get3A_888 : vector<16xf32>
        %add3A_890 = arith.addf %add3A_818, %mul3A_889 : vector<16xf32>
        %mul3A_891 = arith.constant 8 : i32
        %mul3A_892 = arith.muli %scan3A_739, %mul3A_891 : i32
        %add3A_893 = arith.constant 2 : i32
        %add3A_894 = arith.addi %mul3A_892, %add3A_893 : i32
        %get3A_895 = arith.index_cast %add3A_894 : i32 to index
        %get3A_896 = arith.constant 0 : index
        %get3A_897 = tpu.vector_load %arg7[%get3A_895, %get3A_896] {strides = array<i32>} : memref<200x16xf32, #tpu.memory_space<vmem>>, vector<1x16xf32>,
        %get3A_898 = vector.shape_cast %get3A_897 : vector<1x16xf32> to vector<16xf32>
        %get3A_899 = arith.constant 0 : i32
        %get3A_900 = arith.index_cast %get3A_899 : i32 to index
        %get3A_901 = arith.index_cast %add3A_894 : i32 to index
        %get3A_902 = arith.constant 0 : index
        %get3A_903 = tpu.vector_load %arg8[%get3A_900, %get3A_901, %get3A_902] {strides = array<i32>} : memref<4x200x32xf32, #tpu.memory_space<vmem>>, vector<1x1x16xf32>,
        %get3A_904 = vector.shape_cast %get3A_903 : vector<1x1x16xf32> to vector<16xf32>
        %mul3A_905 = arith.mulf %get3A_898, %get3A_904 : vector<16xf32>
        %add3A_906 = arith.addf %add3A_834, %mul3A_905 : vector<16xf32>
        %get3A_907 = arith.constant 0 : i32
        %get3A_908 = arith.index_cast %get3A_907 : i32 to index
        %get3A_909 = arith.index_cast %add3A_894 : i32 to index
        %get3A_910 = arith.constant 16 : index
        %get3A_911 = tpu.vector_load %arg8[%get3A_908, %get3A_909, %get3A_910] {strides = array<i32>} : memref<4x200x32xf32, #tpu.memory_space<vmem>>, vector<1x1x16xf32>,
        %get3A_912 = vector.shape_cast %get3A_911 : vector<1x1x16xf32> to vector<16xf32>
        %mul3A_913 = arith.mulf %get3A_898, %get3A_912 : vector<16xf32>
        %add3A_914 = arith.addf %add3A_842, %mul3A_913 : vector<16xf32>
        %get3A_915 = arith.constant 1 : i32
        %get3A_916 = arith.index_cast %get3A_915 : i32 to index
        %get3A_917 = arith.index_cast %add3A_894 : i32 to index
        %get3A_918 = arith.constant 0 : index
        %get3A_919 = tpu.vector_load %arg8[%get3A_916, %get3A_917, %get3A_918] {strides = array<i32>} : memref<4x200x32xf32, #tpu.memory_space<vmem>>, vector<1x1x16xf32>,
        %get3A_920 = vector.shape_cast %get3A_919 : vector<1x1x16xf32> to vector<16xf32>
        %mul3A_921 = arith.mulf %get3A_898, %get3A_920 : vector<16xf32>
        %add3A_922 = arith.addf %add3A_850, %mul3A_921 : vector<16xf32>
        %get3A_923 = arith.constant 1 : i32
        %get3A_924 = arith.index_cast %get3A_923 : i32 to index
        %get3A_925 = arith.index_cast %add3A_894 : i32 to index
        %get3A_926 = arith.constant 16 : index
        %get3A_927 = tpu.vector_load %arg8[%get3A_924, %get3A_925, %get3A_926] {strides = array<i32>} : memref<4x200x32xf32, #tpu.memory_space<vmem>>, vector<1x1x16xf32>,
        %get3A_928 = vector.shape_cast %get3A_927 : vector<1x1x16xf32> to vector<16xf32>
        %mul3A_929 = arith.mulf %get3A_898, %get3A_928 : vector<16xf32>
        %add3A_930 = arith.addf %add3A_858, %mul3A_929 : vector<16xf32>
        %get3A_931 = arith.constant 2 : i32
        %get3A_932 = arith.index_cast %get3A_931 : i32 to index
        %get3A_933 = arith.index_cast %add3A_894 : i32 to index
        %get3A_934 = arith.constant 0 : index
        %get3A_935 = tpu.vector_load %arg8[%get3A_932, %get3A_933, %get3A_934] {strides = array<i32>} : memref<4x200x32xf32, #tpu.memory_space<vmem>>, vector<1x1x16xf32>,
        %get3A_936 = vector.shape_cast %get3A_935 : vector<1x1x16xf32> to vector<16xf32>
        %mul3A_937 = arith.mulf %get3A_898, %get3A_936 : vector<16xf32>
        %add3A_938 = arith.addf %add3A_866, %mul3A_937 : vector<16xf32>
        %get3A_939 = arith.constant 2 : i32
        %get3A_940 = arith.index_cast %get3A_939 : i32 to index
        %get3A_941 = arith.index_cast %add3A_894 : i32 to index
        %get3A_942 = arith.constant 16 : index
        %get3A_943 = tpu.vector_load %arg8[%get3A_940, %get3A_941, %get3A_942] {strides = array<i32>} : memref<4x200x32xf32, #tpu.memory_space<vmem>>, vector<1x1x16xf32>,
        %get3A_944 = vector.shape_cast %get3A_943 : vector<1x1x16xf32> to vector<16xf32>
        %mul3A_945 = arith.mulf %get3A_898, %get3A_944 : vector<16xf32>
        %add3A_946 = arith.addf %add3A_874, %mul3A_945 : vector<16xf32>
        %get3A_947 = arith.constant 3 : i32
        %get3A_948 = arith.index_cast %get3A_947 : i32 to index
        %get3A_949 = arith.index_cast %add3A_894 : i32 to index
        %get3A_950 = arith.constant 0 : index
        %get3A_951 = tpu.vector_load %arg8[%get3A_948, %get3A_949, %get3A_950] {strides = array<i32>} : memref<4x200x32xf32, #tpu.memory_space<vmem>>, vector<1x1x16xf32>,
        %get3A_952 = vector.shape_cast %get3A_951 : vector<1x1x16xf32> to vector<16xf32>
        %mul3A_953 = arith.mulf %get3A_898, %get3A_952 : vector<16xf32>
        %add3A_954 = arith.addf %add3A_882, %mul3A_953 : vector<16xf32>
        %get3A_955 = arith.constant 3 : i32
        %get3A_956 = arith.index_cast %get3A_955 : i32 to index
        %get3A_957 = arith.index_cast %add3A_894 : i32 to index
        %get3A_958 = arith.constant 16 : index
        %get3A_959 = tpu.vector_load %arg8[%get3A_956, %get3A_957, %get3A_958] {strides = array<i32>} : memref<4x200x32xf32, #tpu.memory_space<vmem>>, vector<1x1x16xf32>,
        %get3A_960 = vector.shape_cast %get3A_959 : vector<1x1x16xf32> to vector<16xf32>
        %mul3A_961 = arith.mulf %get3A_898, %get3A_960 : vector<16xf32>
        %add3A_962 = arith.addf %add3A_890, %mul3A_961 : vector<16xf32>
        %mul3A_963 = arith.constant 8 : i32
        %mul3A_964 = arith.muli %scan3A_739, %mul3A_963 : i32
        %add3A_965 = arith.constant 3 : i32
        %add3A_966 = arith.addi %mul3A_964, %add3A_965 : i32
        %get3A_967 = arith.index_cast %add3A_966 : i32 to index
        %get3A_968 = arith.constant 0 : index
        %get3A_969 = tpu.vector_load %arg7[%get3A_967, %get3A_968] {strides = array<i32>} : memref<200x16xf32, #tpu.memory_space<vmem>>, vector<1x16xf32>,
        %get3A_970 = vector.shape_cast %get3A_969 : vector<1x16xf32> to vector<16xf32>
        %get3A_971 = arith.constant 0 : i32
        %get3A_972 = arith.index_cast %get3A_971 : i32 to index
        %get3A_973 = arith.index_cast %add3A_966 : i32 to index
        %get3A_974 = arith.constant 0 : index
        %get3A_975 = tpu.vector_load %arg8[%get3A_972, %get3A_973, %get3A_974] {strides = array<i32>} : memref<4x200x32xf32, #tpu.memory_space<vmem>>, vector<1x1x16xf32>,
        %get3A_976 = vector.shape_cast %get3A_975 : vector<1x1x16xf32> to vector<16xf32>
        %mul3A_977 = arith.mulf %get3A_970, %get3A_976 : vector<16xf32>
        %add3A_978 = arith.addf %add3A_906, %mul3A_977 : vector<16xf32>
        %get3A_979 = arith.constant 0 : i32
        %get3A_980 = arith.index_cast %get3A_979 : i32 to index
        %get3A_981 = arith.index_cast %add3A_966 : i32 to index
        %get3A_982 = arith.constant 16 : index
        %get3A_983 = tpu.vector_load %arg8[%get3A_980, %get3A_981, %get3A_982] {strides = array<i32>} : memref<4x200x32xf32, #tpu.memory_space<vmem>>, vector<1x1x16xf32>,
        %get3A_984 = vector.shape_cast %get3A_983 : vector<1x1x16xf32> to vector<16xf32>
        %mul3A_985 = arith.mulf %get3A_970, %get3A_984 : vector<16xf32>
        %add3A_986 = arith.addf %add3A_914, %mul3A_985 : vector<16xf32>
        %get3A_987 = arith.constant 1 : i32
        %get3A_988 = arith.index_cast %get3A_987 : i32 to index
        %get3A_989 = arith.index_cast %add3A_966 : i32 to index
        %get3A_990 = arith.constant 0 : index
        %get3A_991 = tpu.vector_load %arg8[%get3A_988, %get3A_989, %get3A_990] {strides = array<i32>} : memref<4x200x32xf32, #tpu.memory_space<vmem>>, vector<1x1x16xf32>,
        %get3A_992 = vector.shape_cast %get3A_991 : vector<1x1x16xf32> to vector<16xf32>
        %mul3A_993 = arith.mulf %get3A_970, %get3A_992 : vector<16xf32>
        %add3A_994 = arith.addf %add3A_922, %mul3A_993 : vector<16xf32>
        %get3A_995 = arith.constant 1 : i32
        %get3A_996 = arith.index_cast %get3A_995 : i32 to index
        %get3A_997 = arith.index_cast %add3A_966 : i32 to index
        %get3A_998 = arith.constant 16 : index
        %get3A_999 = tpu.vector_load %arg8[%get3A_996, %get3A_997, %get3A_998] {strides = array<i32>} : memref<4x200x32xf32, #tpu.memory_space<vmem>>, vector<1x1x16xf32>,
        %get3A_1000 = vector.shape_cast %get3A_999 : vector<1x1x16xf32> to vector<16xf32>
        %mul3A_1001 = arith.mulf %get3A_970, %get3A_1000 : vector<16xf32>
        %add3A_1002 = arith.addf %add3A_930, %mul3A_1001 : vector<16xf32>
        %get3A_1003 = arith.constant 2 : i32
        %get3A_1004 = arith.index_cast %get3A_1003 : i32 to index
        %get3A_1005 = arith.index_cast %add3A_966 : i32 to index
        %get3A_1006 = arith.constant 0 : index
        %get3A_1007 = tpu.vector_load %arg8[%get3A_1004, %get3A_1005, %get3A_1006] {strides = array<i32>} : memref<4x200x32xf32, #tpu.memory_space<vmem>>, vector<1x1x16xf32>,
        %get3A_1008 = vector.shape_cast %get3A_1007 : vector<1x1x16xf32> to vector<16xf32>
        %mul3A_1009 = arith.mulf %get3A_970, %get3A_1008 : vector<16xf32>
        %add3A_1010 = arith.addf %add3A_938, %mul3A_1009 : vector<16xf32>
        %get3A_1011 = arith.constant 2 : i32
        %get3A_1012 = arith.index_cast %get3A_1011 : i32 to index
        %get3A_1013 = arith.index_cast %add3A_966 : i32 to index
        %get3A_1014 = arith.constant 16 : index
        %get3A_1015 = tpu.vector_load %arg8[%get3A_1012, %get3A_1013, %get3A_1014] {strides = array<i32>} : memref<4x200x32xf32, #tpu.memory_space<vmem>>, vector<1x1x16xf32>,
        %get3A_1016 = vector.shape_cast %get3A_1015 : vector<1x1x16xf32> to vector<16xf32>
        %mul3A_1017 = arith.mulf %get3A_970, %get3A_1016 : vector<16xf32>
        %add3A_1018 = arith.addf %add3A_946, %mul3A_1017 : vector<16xf32>
        %get3A_1019 = arith.constant 3 : i32
        %get3A_1020 = arith.index_cast %get3A_1019 : i32 to index
        %get3A_1021 = arith.index_cast %add3A_966 : i32 to index
        %get3A_1022 = arith.constant 0 : index
        %get3A_1023 = tpu.vector_load %arg8[%get3A_1020, %get3A_1021, %get3A_1022] {strides = array<i32>} : memref<4x200x32xf32, #tpu.memory_space<vmem>>, vector<1x1x16xf32>,
        %get3A_1024 = vector.shape_cast %get3A_1023 : vector<1x1x16xf32> to vector<16xf32>
        %mul3A_1025 = arith.mulf %get3A_970, %get3A_1024 : vector<16xf32>
        %add3A_1026 = arith.addf %add3A_954, %mul3A_1025 : vector<16xf32>
        %get3A_1027 = arith.constant 3 : i32
        %get3A_1028 = arith.index_cast %get3A_1027 : i32 to index
        %get3A_1029 = arith.index_cast %add3A_966 : i32 to index
        %get3A_1030 = arith.constant 16 : index
        %get3A_1031 = tpu.vector_load %arg8[%get3A_1028, %get3A_1029, %get3A_1030] {strides = array<i32>} : memref<4x200x32xf32, #tpu.memory_space<vmem>>, vector<1x1x16xf32>,
        %get3A_1032 = vector.shape_cast %get3A_1031 : vector<1x1x16xf32> to vector<16xf32>
        %mul3A_1033 = arith.mulf %get3A_970, %get3A_1032 : vector<16xf32>
        %add3A_1034 = arith.addf %add3A_962, %mul3A_1033 : vector<16xf32>
        %mul3A_1035 = arith.constant 8 : i32
        %mul3A_1036 = arith.muli %scan3A_739, %mul3A_1035 : i32
        %add3A_1037 = arith.constant 4 : i32
        %add3A_1038 = arith.addi %mul3A_1036, %add3A_1037 : i32
        %get3A_1039 = arith.index_cast %add3A_1038 : i32 to index
        %get3A_1040 = arith.constant 0 : index
        %get3A_1041 = tpu.vector_load %arg7[%get3A_1039, %get3A_1040] {strides = array<i32>} : memref<200x16xf32, #tpu.memory_space<vmem>>, vector<1x16xf32>,
        %get3A_1042 = vector.shape_cast %get3A_1041 : vector<1x16xf32> to vector<16xf32>
        %get3A_1043 = arith.constant 0 : i32
        %get3A_1044 = arith.index_cast %get3A_1043 : i32 to index
        %get3A_1045 = arith.index_cast %add3A_1038 : i32 to index
        %get3A_1046 = arith.constant 0 : index
        %get3A_1047 = tpu.vector_load %arg8[%get3A_1044, %get3A_1045, %get3A_1046] {strides = array<i32>} : memref<4x200x32xf32, #tpu.memory_space<vmem>>, vector<1x1x16xf32>,
        %get3A_1048 = vector.shape_cast %get3A_1047 : vector<1x1x16xf32> to vector<16xf32>
        %mul3A_1049 = arith.mulf %get3A_1042, %get3A_1048 : vector<16xf32>
        %add3A_1050 = arith.addf %add3A_978, %mul3A_1049 : vector<16xf32>
        %get3A_1051 = arith.constant 0 : i32
        %get3A_1052 = arith.index_cast %get3A_1051 : i32 to index
        %get3A_1053 = arith.index_cast %add3A_1038 : i32 to index
        %get3A_1054 = arith.constant 16 : index
        %get3A_1055 = tpu.vector_load %arg8[%get3A_1052, %get3A_1053, %get3A_1054] {strides = array<i32>} : memref<4x200x32xf32, #tpu.memory_space<vmem>>, vector<1x1x16xf32>,
        %get3A_1056 = vector.shape_cast %get3A_1055 : vector<1x1x16xf32> to vector<16xf32>
        %mul3A_1057 = arith.mulf %get3A_1042, %get3A_1056 : vector<16xf32>
        %add3A_1058 = arith.addf %add3A_986, %mul3A_1057 : vector<16xf32>
        %get3A_1059 = arith.constant 1 : i32
        %get3A_1060 = arith.index_cast %get3A_1059 : i32 to index
        %get3A_1061 = arith.index_cast %add3A_1038 : i32 to index
        %get3A_1062 = arith.constant 0 : index
        %get3A_1063 = tpu.vector_load %arg8[%get3A_1060, %get3A_1061, %get3A_1062] {strides = array<i32>} : memref<4x200x32xf32, #tpu.memory_space<vmem>>, vector<1x1x16xf32>,
        %get3A_1064 = vector.shape_cast %get3A_1063 : vector<1x1x16xf32> to vector<16xf32>
        %mul3A_1065 = arith.mulf %get3A_1042, %get3A_1064 : vector<16xf32>
        %add3A_1066 = arith.addf %add3A_994, %mul3A_1065 : vector<16xf32>
        %get3A_1067 = arith.constant 1 : i32
        %get3A_1068 = arith.index_cast %get3A_1067 : i32 to index
        %get3A_1069 = arith.index_cast %add3A_1038 : i32 to index
        %get3A_1070 = arith.constant 16 : index
        %get3A_1071 = tpu.vector_load %arg8[%get3A_1068, %get3A_1069, %get3A_1070] {strides = array<i32>} : memref<4x200x32xf32, #tpu.memory_space<vmem>>, vector<1x1x16xf32>,
        %get3A_1072 = vector.shape_cast %get3A_1071 : vector<1x1x16xf32> to vector<16xf32>
        %mul3A_1073 = arith.mulf %get3A_1042, %get3A_1072 : vector<16xf32>
        %add3A_1074 = arith.addf %add3A_1002, %mul3A_1073 : vector<16xf32>
        %get3A_1075 = arith.constant 2 : i32
        %get3A_1076 = arith.index_cast %get3A_1075 : i32 to index
        %get3A_1077 = arith.index_cast %add3A_1038 : i32 to index
        %get3A_1078 = arith.constant 0 : index
        %get3A_1079 = tpu.vector_load %arg8[%get3A_1076, %get3A_1077, %get3A_1078] {strides = array<i32>} : memref<4x200x32xf32, #tpu.memory_space<vmem>>, vector<1x1x16xf32>,
        %get3A_1080 = vector.shape_cast %get3A_1079 : vector<1x1x16xf32> to vector<16xf32>
        %mul3A_1081 = arith.mulf %get3A_1042, %get3A_1080 : vector<16xf32>
        %add3A_1082 = arith.addf %add3A_1010, %mul3A_1081 : vector<16xf32>
        %get3A_1083 = arith.constant 2 : i32
        %get3A_1084 = arith.index_cast %get3A_1083 : i32 to index
        %get3A_1085 = arith.index_cast %add3A_1038 : i32 to index
        %get3A_1086 = arith.constant 16 : index
        %get3A_1087 = tpu.vector_load %arg8[%get3A_1084, %get3A_1085, %get3A_1086] {strides = array<i32>} : memref<4x200x32xf32, #tpu.memory_space<vmem>>, vector<1x1x16xf32>,
        %get3A_1088 = vector.shape_cast %get3A_1087 : vector<1x1x16xf32> to vector<16xf32>
        %mul3A_1089 = arith.mulf %get3A_1042, %get3A_1088 : vector<16xf32>
        %add3A_1090 = arith.addf %add3A_1018, %mul3A_1089 : vector<16xf32>
        %get3A_1091 = arith.constant 3 : i32
        %get3A_1092 = arith.index_cast %get3A_1091 : i32 to index
        %get3A_1093 = arith.index_cast %add3A_1038 : i32 to index
        %get3A_1094 = arith.constant 0 : index
        %get3A_1095 = tpu.vector_load %arg8[%get3A_1092, %get3A_1093, %get3A_1094] {strides = array<i32>} : memref<4x200x32xf32, #tpu.memory_space<vmem>>, vector<1x1x16xf32>,
        %get3A_1096 = vector.shape_cast %get3A_1095 : vector<1x1x16xf32> to vector<16xf32>
        %mul3A_1097 = arith.mulf %get3A_1042, %get3A_1096 : vector<16xf32>
        %add3A_1098 = arith.addf %add3A_1026, %mul3A_1097 : vector<16xf32>
        %get3A_1099 = arith.constant 3 : i32
        %get3A_1100 = arith.index_cast %get3A_1099 : i32 to index
        %get3A_1101 = arith.index_cast %add3A_1038 : i32 to index
        %get3A_1102 = arith.constant 16 : index
        %get3A_1103 = tpu.vector_load %arg8[%get3A_1100, %get3A_1101, %get3A_1102] {strides = array<i32>} : memref<4x200x32xf32, #tpu.memory_space<vmem>>, vector<1x1x16xf32>,
        %get3A_1104 = vector.shape_cast %get3A_1103 : vector<1x1x16xf32> to vector<16xf32>
        %mul3A_1105 = arith.mulf %get3A_1042, %get3A_1104 : vector<16xf32>
        %add3A_1106 = arith.addf %add3A_1034, %mul3A_1105 : vector<16xf32>
        %mul3A_1107 = arith.constant 8 : i32
        %mul3A_1108 = arith.muli %scan3A_739, %mul3A_1107 : i32
        %add3A_1109 = arith.constant 5 : i32
        %add3A_1110 = arith.addi %mul3A_1108, %add3A_1109 : i32
        %get3A_1111 = arith.index_cast %add3A_1110 : i32 to index
        %get3A_1112 = arith.constant 0 : index
        %get3A_1113 = tpu.vector_load %arg7[%get3A_1111, %get3A_1112] {strides = array<i32>} : memref<200x16xf32, #tpu.memory_space<vmem>>, vector<1x16xf32>,
        %get3A_1114 = vector.shape_cast %get3A_1113 : vector<1x16xf32> to vector<16xf32>
        %get3A_1115 = arith.constant 0 : i32
        %get3A_1116 = arith.index_cast %get3A_1115 : i32 to index
        %get3A_1117 = arith.index_cast %add3A_1110 : i32 to index
        %get3A_1118 = arith.constant 0 : index
        %get3A_1119 = tpu.vector_load %arg8[%get3A_1116, %get3A_1117, %get3A_1118] {strides = array<i32>} : memref<4x200x32xf32, #tpu.memory_space<vmem>>, vector<1x1x16xf32>,
        %get3A_1120 = vector.shape_cast %get3A_1119 : vector<1x1x16xf32> to vector<16xf32>
        %mul3A_1121 = arith.mulf %get3A_1114, %get3A_1120 : vector<16xf32>
        %add3A_1122 = arith.addf %add3A_1050, %mul3A_1121 : vector<16xf32>
        %get3A_1123 = arith.constant 0 : i32
        %get3A_1124 = arith.index_cast %get3A_1123 : i32 to index
        %get3A_1125 = arith.index_cast %add3A_1110 : i32 to index
        %get3A_1126 = arith.constant 16 : index
        %get3A_1127 = tpu.vector_load %arg8[%get3A_1124, %get3A_1125, %get3A_1126] {strides = array<i32>} : memref<4x200x32xf32, #tpu.memory_space<vmem>>, vector<1x1x16xf32>,
        %get3A_1128 = vector.shape_cast %get3A_1127 : vector<1x1x16xf32> to vector<16xf32>
        %mul3A_1129 = arith.mulf %get3A_1114, %get3A_1128 : vector<16xf32>
        %add3A_1130 = arith.addf %add3A_1058, %mul3A_1129 : vector<16xf32>
        %get3A_1131 = arith.constant 1 : i32
        %get3A_1132 = arith.index_cast %get3A_1131 : i32 to index
        %get3A_1133 = arith.index_cast %add3A_1110 : i32 to index
        %get3A_1134 = arith.constant 0 : index
        %get3A_1135 = tpu.vector_load %arg8[%get3A_1132, %get3A_1133, %get3A_1134] {strides = array<i32>} : memref<4x200x32xf32, #tpu.memory_space<vmem>>, vector<1x1x16xf32>,
        %get3A_1136 = vector.shape_cast %get3A_1135 : vector<1x1x16xf32> to vector<16xf32>
        %mul3A_1137 = arith.mulf %get3A_1114, %get3A_1136 : vector<16xf32>
        %add3A_1138 = arith.addf %add3A_1066, %mul3A_1137 : vector<16xf32>
        %get3A_1139 = arith.constant 1 : i32
        %get3A_1140 = arith.index_cast %get3A_1139 : i32 to index
        %get3A_1141 = arith.index_cast %add3A_1110 : i32 to index
        %get3A_1142 = arith.constant 16 : index
        %get3A_1143 = tpu.vector_load %arg8[%get3A_1140, %get3A_1141, %get3A_1142] {strides = array<i32>} : memref<4x200x32xf32, #tpu.memory_space<vmem>>, vector<1x1x16xf32>,
        %get3A_1144 = vector.shape_cast %get3A_1143 : vector<1x1x16xf32> to vector<16xf32>
        %mul3A_1145 = arith.mulf %get3A_1114, %get3A_1144 : vector<16xf32>
        %add3A_1146 = arith.addf %add3A_1074, %mul3A_1145 : vector<16xf32>
        %get3A_1147 = arith.constant 2 : i32
        %get3A_1148 = arith.index_cast %get3A_1147 : i32 to index
        %get3A_1149 = arith.index_cast %add3A_1110 : i32 to index
        %get3A_1150 = arith.constant 0 : index
        %get3A_1151 = tpu.vector_load %arg8[%get3A_1148, %get3A_1149, %get3A_1150] {strides = array<i32>} : memref<4x200x32xf32, #tpu.memory_space<vmem>>, vector<1x1x16xf32>,
        %get3A_1152 = vector.shape_cast %get3A_1151 : vector<1x1x16xf32> to vector<16xf32>
        %mul3A_1153 = arith.mulf %get3A_1114, %get3A_1152 : vector<16xf32>
        %add3A_1154 = arith.addf %add3A_1082, %mul3A_1153 : vector<16xf32>
        %get3A_1155 = arith.constant 2 : i32
        %get3A_1156 = arith.index_cast %get3A_1155 : i32 to index
        %get3A_1157 = arith.index_cast %add3A_1110 : i32 to index
        %get3A_1158 = arith.constant 16 : index
        %get3A_1159 = tpu.vector_load %arg8[%get3A_1156, %get3A_1157, %get3A_1158] {strides = array<i32>} : memref<4x200x32xf32, #tpu.memory_space<vmem>>, vector<1x1x16xf32>,
        %get3A_1160 = vector.shape_cast %get3A_1159 : vector<1x1x16xf32> to vector<16xf32>
        %mul3A_1161 = arith.mulf %get3A_1114, %get3A_1160 : vector<16xf32>
        %add3A_1162 = arith.addf %add3A_1090, %mul3A_1161 : vector<16xf32>
        %get3A_1163 = arith.constant 3 : i32
        %get3A_1164 = arith.index_cast %get3A_1163 : i32 to index
        %get3A_1165 = arith.index_cast %add3A_1110 : i32 to index
        %get3A_1166 = arith.constant 0 : index
        %get3A_1167 = tpu.vector_load %arg8[%get3A_1164, %get3A_1165, %get3A_1166] {strides = array<i32>} : memref<4x200x32xf32, #tpu.memory_space<vmem>>, vector<1x1x16xf32>,
        %get3A_1168 = vector.shape_cast %get3A_1167 : vector<1x1x16xf32> to vector<16xf32>
        %mul3A_1169 = arith.mulf %get3A_1114, %get3A_1168 : vector<16xf32>
        %add3A_1170 = arith.addf %add3A_1098, %mul3A_1169 : vector<16xf32>
        %get3A_1171 = arith.constant 3 : i32
        %get3A_1172 = arith.index_cast %get3A_1171 : i32 to index
        %get3A_1173 = arith.index_cast %add3A_1110 : i32 to index
        %get3A_1174 = arith.constant 16 : index
        %get3A_1175 = tpu.vector_load %arg8[%get3A_1172, %get3A_1173, %get3A_1174] {strides = array<i32>} : memref<4x200x32xf32, #tpu.memory_space<vmem>>, vector<1x1x16xf32>,
        %get3A_1176 = vector.shape_cast %get3A_1175 : vector<1x1x16xf32> to vector<16xf32>
        %mul3A_1177 = arith.mulf %get3A_1114, %get3A_1176 : vector<16xf32>
        %add3A_1178 = arith.addf %add3A_1106, %mul3A_1177 : vector<16xf32>
        %mul3A_1179 = arith.constant 8 : i32
        %mul3A_1180 = arith.muli %scan3A_739, %mul3A_1179 : i32
        %add3A_1181 = arith.constant 6 : i32
        %add3A_1182 = arith.addi %mul3A_1180, %add3A_1181 : i32
        %get3A_1183 = arith.index_cast %add3A_1182 : i32 to index
        %get3A_1184 = arith.constant 0 : index
        %get3A_1185 = tpu.vector_load %arg7[%get3A_1183, %get3A_1184] {strides = array<i32>} : memref<200x16xf32, #tpu.memory_space<vmem>>, vector<1x16xf32>,
        %get3A_1186 = vector.shape_cast %get3A_1185 : vector<1x16xf32> to vector<16xf32>
        %get3A_1187 = arith.constant 0 : i32
        %get3A_1188 = arith.index_cast %get3A_1187 : i32 to index
        %get3A_1189 = arith.index_cast %add3A_1182 : i32 to index
        %get3A_1190 = arith.constant 0 : index
        %get3A_1191 = tpu.vector_load %arg8[%get3A_1188, %get3A_1189, %get3A_1190] {strides = array<i32>} : memref<4x200x32xf32, #tpu.memory_space<vmem>>, vector<1x1x16xf32>,
        %get3A_1192 = vector.shape_cast %get3A_1191 : vector<1x1x16xf32> to vector<16xf32>
        %mul3A_1193 = arith.mulf %get3A_1186, %get3A_1192 : vector<16xf32>
        %add3A_1194 = arith.addf %add3A_1122, %mul3A_1193 : vector<16xf32>
        %get3A_1195 = arith.constant 0 : i32
        %get3A_1196 = arith.index_cast %get3A_1195 : i32 to index
        %get3A_1197 = arith.index_cast %add3A_1182 : i32 to index
        %get3A_1198 = arith.constant 16 : index
        %get3A_1199 = tpu.vector_load %arg8[%get3A_1196, %get3A_1197, %get3A_1198] {strides = array<i32>} : memref<4x200x32xf32, #tpu.memory_space<vmem>>, vector<1x1x16xf32>,
        %get3A_1200 = vector.shape_cast %get3A_1199 : vector<1x1x16xf32> to vector<16xf32>
        %mul3A_1201 = arith.mulf %get3A_1186, %get3A_1200 : vector<16xf32>
        %add3A_1202 = arith.addf %add3A_1130, %mul3A_1201 : vector<16xf32>
        %get3A_1203 = arith.constant 1 : i32
        %get3A_1204 = arith.index_cast %get3A_1203 : i32 to index
        %get3A_1205 = arith.index_cast %add3A_1182 : i32 to index
        %get3A_1206 = arith.constant 0 : index
        %get3A_1207 = tpu.vector_load %arg8[%get3A_1204, %get3A_1205, %get3A_1206] {strides = array<i32>} : memref<4x200x32xf32, #tpu.memory_space<vmem>>, vector<1x1x16xf32>,
        %get3A_1208 = vector.shape_cast %get3A_1207 : vector<1x1x16xf32> to vector<16xf32>
        %mul3A_1209 = arith.mulf %get3A_1186, %get3A_1208 : vector<16xf32>
        %add3A_1210 = arith.addf %add3A_1138, %mul3A_1209 : vector<16xf32>
        %get3A_1211 = arith.constant 1 : i32
        %get3A_1212 = arith.index_cast %get3A_1211 : i32 to index
        %get3A_1213 = arith.index_cast %add3A_1182 : i32 to index
        %get3A_1214 = arith.constant 16 : index
        %get3A_1215 = tpu.vector_load %arg8[%get3A_1212, %get3A_1213, %get3A_1214] {strides = array<i32>} : memref<4x200x32xf32, #tpu.memory_space<vmem>>, vector<1x1x16xf32>,
        %get3A_1216 = vector.shape_cast %get3A_1215 : vector<1x1x16xf32> to vector<16xf32>
        %mul3A_1217 = arith.mulf %get3A_1186, %get3A_1216 : vector<16xf32>
        %add3A_1218 = arith.addf %add3A_1146, %mul3A_1217 : vector<16xf32>
        %get3A_1219 = arith.constant 2 : i32
        %get3A_1220 = arith.index_cast %get3A_1219 : i32 to index
        %get3A_1221 = arith.index_cast %add3A_1182 : i32 to index
        %get3A_1222 = arith.constant 0 : index
        %get3A_1223 = tpu.vector_load %arg8[%get3A_1220, %get3A_1221, %get3A_1222] {strides = array<i32>} : memref<4x200x32xf32, #tpu.memory_space<vmem>>, vector<1x1x16xf32>,
        %get3A_1224 = vector.shape_cast %get3A_1223 : vector<1x1x16xf32> to vector<16xf32>
        %mul3A_1225 = arith.mulf %get3A_1186, %get3A_1224 : vector<16xf32>
        %add3A_1226 = arith.addf %add3A_1154, %mul3A_1225 : vector<16xf32>
        %get3A_1227 = arith.constant 2 : i32
        %get3A_1228 = arith.index_cast %get3A_1227 : i32 to index
        %get3A_1229 = arith.index_cast %add3A_1182 : i32 to index
        %get3A_1230 = arith.constant 16 : index
        %get3A_1231 = tpu.vector_load %arg8[%get3A_1228, %get3A_1229, %get3A_1230] {strides = array<i32>} : memref<4x200x32xf32, #tpu.memory_space<vmem>>, vector<1x1x16xf32>,
        %get3A_1232 = vector.shape_cast %get3A_1231 : vector<1x1x16xf32> to vector<16xf32>
        %mul3A_1233 = arith.mulf %get3A_1186, %get3A_1232 : vector<16xf32>
        %add3A_1234 = arith.addf %add3A_1162, %mul3A_1233 : vector<16xf32>
        %get3A_1235 = arith.constant 3 : i32
        %get3A_1236 = arith.index_cast %get3A_1235 : i32 to index
        %get3A_1237 = arith.index_cast %add3A_1182 : i32 to index
        %get3A_1238 = arith.constant 0 : index
        %get3A_1239 = tpu.vector_load %arg8[%get3A_1236, %get3A_1237, %get3A_1238] {strides = array<i32>} : memref<4x200x32xf32, #tpu.memory_space<vmem>>, vector<1x1x16xf32>,
        %get3A_1240 = vector.shape_cast %get3A_1239 : vector<1x1x16xf32> to vector<16xf32>
        %mul3A_1241 = arith.mulf %get3A_1186, %get3A_1240 : vector<16xf32>
        %add3A_1242 = arith.addf %add3A_1170, %mul3A_1241 : vector<16xf32>
        %get3A_1243 = arith.constant 3 : i32
        %get3A_1244 = arith.index_cast %get3A_1243 : i32 to index
        %get3A_1245 = arith.index_cast %add3A_1182 : i32 to index
        %get3A_1246 = arith.constant 16 : index
        %get3A_1247 = tpu.vector_load %arg8[%get3A_1244, %get3A_1245, %get3A_1246] {strides = array<i32>} : memref<4x200x32xf32, #tpu.memory_space<vmem>>, vector<1x1x16xf32>,
        %get3A_1248 = vector.shape_cast %get3A_1247 : vector<1x1x16xf32> to vector<16xf32>
        %mul3A_1249 = arith.mulf %get3A_1186, %get3A_1248 : vector<16xf32>
        %add3A_1250 = arith.addf %add3A_1178, %mul3A_1249 : vector<16xf32>
        %mul3A_1251 = arith.constant 8 : i32
        %mul3A_1252 = arith.muli %scan3A_739, %mul3A_1251 : i32
        %add3A_1253 = arith.constant 7 : i32
        %add3A_1254 = arith.addi %mul3A_1252, %add3A_1253 : i32
        %get3A_1255 = arith.index_cast %add3A_1254 : i32 to index
        %get3A_1256 = arith.constant 0 : index
        %get3A_1257 = tpu.vector_load %arg7[%get3A_1255, %get3A_1256] {strides = array<i32>} : memref<200x16xf32, #tpu.memory_space<vmem>>, vector<1x16xf32>,
        %get3A_1258 = vector.shape_cast %get3A_1257 : vector<1x16xf32> to vector<16xf32>
        %get3A_1259 = arith.constant 0 : i32
        %get3A_1260 = arith.index_cast %get3A_1259 : i32 to index
        %get3A_1261 = arith.index_cast %add3A_1254 : i32 to index
        %get3A_1262 = arith.constant 0 : index
        %get3A_1263 = tpu.vector_load %arg8[%get3A_1260, %get3A_1261, %get3A_1262] {strides = array<i32>} : memref<4x200x32xf32, #tpu.memory_space<vmem>>, vector<1x1x16xf32>,
        %get3A_1264 = vector.shape_cast %get3A_1263 : vector<1x1x16xf32> to vector<16xf32>
        %mul3A_1265 = arith.mulf %get3A_1258, %get3A_1264 : vector<16xf32>
        %add3A_1266 = arith.addf %add3A_1194, %mul3A_1265 : vector<16xf32>
        %get3A_1267 = arith.constant 0 : i32
        %get3A_1268 = arith.index_cast %get3A_1267 : i32 to index
        %get3A_1269 = arith.index_cast %add3A_1254 : i32 to index
        %get3A_1270 = arith.constant 16 : index
        %get3A_1271 = tpu.vector_load %arg8[%get3A_1268, %get3A_1269, %get3A_1270] {strides = array<i32>} : memref<4x200x32xf32, #tpu.memory_space<vmem>>, vector<1x1x16xf32>,
        %get3A_1272 = vector.shape_cast %get3A_1271 : vector<1x1x16xf32> to vector<16xf32>
        %mul3A_1273 = arith.mulf %get3A_1258, %get3A_1272 : vector<16xf32>
        %add3A_1274 = arith.addf %add3A_1202, %mul3A_1273 : vector<16xf32>
        %get3A_1275 = arith.constant 1 : i32
        %get3A_1276 = arith.index_cast %get3A_1275 : i32 to index
        %get3A_1277 = arith.index_cast %add3A_1254 : i32 to index
        %get3A_1278 = arith.constant 0 : index
        %get3A_1279 = tpu.vector_load %arg8[%get3A_1276, %get3A_1277, %get3A_1278] {strides = array<i32>} : memref<4x200x32xf32, #tpu.memory_space<vmem>>, vector<1x1x16xf32>,
        %get3A_1280 = vector.shape_cast %get3A_1279 : vector<1x1x16xf32> to vector<16xf32>
        %mul3A_1281 = arith.mulf %get3A_1258, %get3A_1280 : vector<16xf32>
        %add3A_1282 = arith.addf %add3A_1210, %mul3A_1281 : vector<16xf32>
        %get3A_1283 = arith.constant 1 : i32
        %get3A_1284 = arith.index_cast %get3A_1283 : i32 to index
        %get3A_1285 = arith.index_cast %add3A_1254 : i32 to index
        %get3A_1286 = arith.constant 16 : index
        %get3A_1287 = tpu.vector_load %arg8[%get3A_1284, %get3A_1285, %get3A_1286] {strides = array<i32>} : memref<4x200x32xf32, #tpu.memory_space<vmem>>, vector<1x1x16xf32>,
        %get3A_1288 = vector.shape_cast %get3A_1287 : vector<1x1x16xf32> to vector<16xf32>
        %mul3A_1289 = arith.mulf %get3A_1258, %get3A_1288 : vector<16xf32>
        %add3A_1290 = arith.addf %add3A_1218, %mul3A_1289 : vector<16xf32>
        %get3A_1291 = arith.constant 2 : i32
        %get3A_1292 = arith.index_cast %get3A_1291 : i32 to index
        %get3A_1293 = arith.index_cast %add3A_1254 : i32 to index
        %get3A_1294 = arith.constant 0 : index
        %get3A_1295 = tpu.vector_load %arg8[%get3A_1292, %get3A_1293, %get3A_1294] {strides = array<i32>} : memref<4x200x32xf32, #tpu.memory_space<vmem>>, vector<1x1x16xf32>,
        %get3A_1296 = vector.shape_cast %get3A_1295 : vector<1x1x16xf32> to vector<16xf32>
        %mul3A_1297 = arith.mulf %get3A_1258, %get3A_1296 : vector<16xf32>
        %add3A_1298 = arith.addf %add3A_1226, %mul3A_1297 : vector<16xf32>
        %get3A_1299 = arith.constant 2 : i32
        %get3A_1300 = arith.index_cast %get3A_1299 : i32 to index
        %get3A_1301 = arith.index_cast %add3A_1254 : i32 to index
        %get3A_1302 = arith.constant 16 : index
        %get3A_1303 = tpu.vector_load %arg8[%get3A_1300, %get3A_1301, %get3A_1302] {strides = array<i32>} : memref<4x200x32xf32, #tpu.memory_space<vmem>>, vector<1x1x16xf32>,
        %get3A_1304 = vector.shape_cast %get3A_1303 : vector<1x1x16xf32> to vector<16xf32>
        %mul3A_1305 = arith.mulf %get3A_1258, %get3A_1304 : vector<16xf32>
        %add3A_1306 = arith.addf %add3A_1234, %mul3A_1305 : vector<16xf32>
        %get3A_1307 = arith.constant 3 : i32
        %get3A_1308 = arith.index_cast %get3A_1307 : i32 to index
        %get3A_1309 = arith.index_cast %add3A_1254 : i32 to index
        %get3A_1310 = arith.constant 0 : index
        %get3A_1311 = tpu.vector_load %arg8[%get3A_1308, %get3A_1309, %get3A_1310] {strides = array<i32>} : memref<4x200x32xf32, #tpu.memory_space<vmem>>, vector<1x1x16xf32>,
        %get3A_1312 = vector.shape_cast %get3A_1311 : vector<1x1x16xf32> to vector<16xf32>
        %mul3A_1313 = arith.mulf %get3A_1258, %get3A_1312 : vector<16xf32>
        %add3A_1314 = arith.addf %add3A_1242, %mul3A_1313 : vector<16xf32>
        %get3A_1315 = arith.constant 3 : i32
        %get3A_1316 = arith.index_cast %get3A_1315 : i32 to index
        %get3A_1317 = arith.index_cast %add3A_1254 : i32 to index
        %get3A_1318 = arith.constant 16 : index
        %get3A_1319 = tpu.vector_load %arg8[%get3A_1316, %get3A_1317, %get3A_1318] {strides = array<i32>} : memref<4x200x32xf32, #tpu.memory_space<vmem>>, vector<1x1x16xf32>,
        %get3A_1320 = vector.shape_cast %get3A_1319 : vector<1x1x16xf32> to vector<16xf32>
        %mul3A_1321 = arith.mulf %get3A_1258, %get3A_1320 : vector<16xf32>
        %add3A_1322 = arith.addf %add3A_1250, %mul3A_1321 : vector<16xf32>
        scf.yield %add3A_1266, %add3A_1274, %add3A_1282, %add3A_1290, %add3A_1298, %add3A_1306, %add3A_1314, %add3A_1322 : vector<16xf32>, vector<16xf32>, vector<16xf32>, vector<16xf32>, vector<16xf32>, vector<16xf32>, vector<16xf32>, vector<16xf32>
      }
      %scan3A_208 = arith.constant 25 : i32
      %mul3A_209 = arith.constant 4 : i32
      %mul3A_210 = arith.muli %add3A_94, %mul3A_209 : i32
      %add3A_211 = arith.constant 0 : i32
      %add3A_212 = arith.addi %mul3A_210, %add3A_211 : i32
      %abs3A = math.absf %scan3A_207#0 : vector<16xf32>
      %mul3A_213 = arith.constant -2.000000e+00 : f32
      %mul3A_214 = vector.broadcast %mul3A_213 : f32 to vector<16xf32>
      %mul3A_215 = arith.mulf %mul3A_214, %abs3A : vector<16xf32>
      %exp3A = math.exp %mul3A_215 : vector<16xf32>
      %sub3A = arith.constant 1.000000e+00 : f32
      %sub3A_216 = vector.broadcast %sub3A : f32 to vector<16xf32>
      %sub3A_217 = arith.subf %sub3A_216, %exp3A : vector<16xf32>
      %add3A_218 = arith.constant 1.000000e+00 : f32
      %add3A_219 = vector.broadcast %add3A_218 : f32 to vector<16xf32>
      %add3A_220 = arith.addf %add3A_219, %exp3A : vector<16xf32>
      %div3A = arith.divf %sub3A_217, %add3A_220 : vector<16xf32>
      %lt3A_221 = arith.constant 0.000000e+00 : f32
      %lt3A_222 = vector.broadcast %lt3A_221 : f32 to vector<16xf32>
      %lt3A_223 = arith.cmpf olt, %scan3A_207#0, %lt3A_222 : vector<16xf32>
      %neg3A = arith.constant 0.000000e+00 : f32
      %neg3A_224 = vector.broadcast %neg3A : f32 to vector<16xf32>
      %neg3A_225 = arith.subf %neg3A_224, %div3A : vector<16xf32>
      %select_n3A = arith.select %lt3A_223, %neg3A_225, %div3A : vector<16xi1>, vector<16xf32>
      %swap3A = arith.index_cast %add3A_212 : i32 to index
      %swap3A_226 = arith.constant 0 : index
      %swap3A_227 = tpu.vector_load %arg10[%swap3A, %swap3A_226] {strides = array<i32>} : memref<128x32xf32, #tpu.memory_space<vmem>>, vector<1x16xf32>,
      %swap3A_228 = vector.shape_cast %swap3A_227 : vector<1x16xf32> to vector<16xf32>
      %swap3A_229 = vector.shape_cast %select_n3A : vector<16xf32> to vector<1x16xf32>
      tpu.vector_store %arg10[%swap3A, %swap3A_226], %swap3A_229 {strides = array<i32>} : memref<128x32xf32, #tpu.memory_space<vmem>>, vector<1x16xf32>,
      %abs3A_230 = math.absf %scan3A_207#1 : vector<16xf32>
      %mul3A_231 = arith.constant -2.000000e+00 : f32
      %mul3A_232 = vector.broadcast %mul3A_231 : f32 to vector<16xf32>
      %mul3A_233 = arith.mulf %mul3A_232, %abs3A_230 : vector<16xf32>
      %exp3A_234 = math.exp %mul3A_233 : vector<16xf32>
      %sub3A_235 = arith.constant 1.000000e+00 : f32
      %sub3A_236 = vector.broadcast %sub3A_235 : f32 to vector<16xf32>
      %sub3A_237 = arith.subf %sub3A_236, %exp3A_234 : vector<16xf32>
      %add3A_238 = arith.constant 1.000000e+00 : f32
      %add3A_239 = vector.broadcast %add3A_238 : f32 to vector<16xf32>
      %add3A_240 = arith.addf %add3A_239, %exp3A_234 : vector<16xf32>
      %div3A_241 = arith.divf %sub3A_237, %add3A_240 : vector<16xf32>
      %lt3A_242 = arith.constant 0.000000e+00 : f32
      %lt3A_243 = vector.broadcast %lt3A_242 : f32 to vector<16xf32>
      %lt3A_244 = arith.cmpf olt, %scan3A_207#1, %lt3A_243 : vector<16xf32>
      %neg3A_245 = arith.constant 0.000000e+00 : f32
      %neg3A_246 = vector.broadcast %neg3A_245 : f32 to vector<16xf32>
      %neg3A_247 = arith.subf %neg3A_246, %div3A_241 : vector<16xf32>
      %select_n3A_248 = arith.select %lt3A_244, %neg3A_247, %div3A_241 : vector<16xi1>, vector<16xf32>
      %swap3A_249 = arith.index_cast %add3A_212 : i32 to index
      %swap3A_250 = arith.constant 16 : index
      %swap3A_251 = tpu.vector_load %arg10[%swap3A_249, %swap3A_250] {strides = array<i32>} : memref<128x32xf32, #tpu.memory_space<vmem>>, vector<1x16xf32>,
      %swap3A_252 = vector.shape_cast %swap3A_251 : vector<1x16xf32> to vector<16xf32>
      %swap3A_253 = vector.shape_cast %select_n3A_248 : vector<16xf32> to vector<1x16xf32>
      tpu.vector_store %arg10[%swap3A_249, %swap3A_250], %swap3A_253 {strides = array<i32>} : memref<128x32xf32, #tpu.memory_space<vmem>>, vector<1x16xf32>,
      %mul3A_254 = arith.constant 4 : i32
      %mul3A_255 = arith.muli %add3A_94, %mul3A_254 : i32
      %add3A_256 = arith.constant 1 : i32
      %add3A_257 = arith.addi %mul3A_255, %add3A_256 : i32
      %abs3A_258 = math.absf %scan3A_207#2 : vector<16xf32>
      %mul3A_259 = arith.constant -2.000000e+00 : f32
      %mul3A_260 = vector.broadcast %mul3A_259 : f32 to vector<16xf32>
      %mul3A_261 = arith.mulf %mul3A_260, %abs3A_258 : vector<16xf32>
      %exp3A_262 = math.exp %mul3A_261 : vector<16xf32>
      %sub3A_263 = arith.constant 1.000000e+00 : f32
      %sub3A_264 = vector.broadcast %sub3A_263 : f32 to vector<16xf32>
      %sub3A_265 = arith.subf %sub3A_264, %exp3A_262 : vector<16xf32>
      %add3A_266 = arith.constant 1.000000e+00 : f32
      %add3A_267 = vector.broadcast %add3A_266 : f32 to vector<16xf32>
      %add3A_268 = arith.addf %add3A_267, %exp3A_262 : vector<16xf32>
      %div3A_269 = arith.divf %sub3A_265, %add3A_268 : vector<16xf32>
      %lt3A_270 = arith.constant 0.000000e+00 : f32
      %lt3A_271 = vector.broadcast %lt3A_270 : f32 to vector<16xf32>
      %lt3A_272 = arith.cmpf olt, %scan3A_207#2, %lt3A_271 : vector<16xf32>
      %neg3A_273 = arith.constant 0.000000e+00 : f32
      %neg3A_274 = vector.broadcast %neg3A_273 : f32 to vector<16xf32>
      %neg3A_275 = arith.subf %neg3A_274, %div3A_269 : vector<16xf32>
      %select_n3A_276 = arith.select %lt3A_272, %neg3A_275, %div3A_269 : vector<16xi1>, vector<16xf32>
      %swap3A_277 = arith.index_cast %add3A_257 : i32 to index
      %swap3A_278 = arith.constant 0 : index
      %swap3A_279 = tpu.vector_load %arg10[%swap3A_277, %swap3A_278] {strides = array<i32>} : memref<128x32xf32, #tpu.memory_space<vmem>>, vector<1x16xf32>,
      %swap3A_280 = vector.shape_cast %swap3A_279 : vector<1x16xf32> to vector<16xf32>
      %swap3A_281 = vector.shape_cast %select_n3A_276 : vector<16xf32> to vector<1x16xf32>
      tpu.vector_store %arg10[%swap3A_277, %swap3A_278], %swap3A_281 {strides = array<i32>} : memref<128x32xf32, #tpu.memory_space<vmem>>, vector<1x16xf32>,
      %abs3A_282 = math.absf %scan3A_207#3 : vector<16xf32>
      %mul3A_283 = arith.constant -2.000000e+00 : f32
      %mul3A_284 = vector.broadcast %mul3A_283 : f32 to vector<16xf32>
      %mul3A_285 = arith.mulf %mul3A_284, %abs3A_282 : vector<16xf32>
      %exp3A_286 = math.exp %mul3A_285 : vector<16xf32>
      %sub3A_287 = arith.constant 1.000000e+00 : f32
      %sub3A_288 = vector.broadcast %sub3A_287 : f32 to vector<16xf32>
      %sub3A_289 = arith.subf %sub3A_288, %exp3A_286 : vector<16xf32>
      %add3A_290 = arith.constant 1.000000e+00 : f32
      %add3A_291 = vector.broadcast %add3A_290 : f32 to vector<16xf32>
      %add3A_292 = arith.addf %add3A_291, %exp3A_286 : vector<16xf32>
      %div3A_293 = arith.divf %sub3A_289, %add3A_292 : vector<16xf32>
      %lt3A_294 = arith.constant 0.000000e+00 : f32
      %lt3A_295 = vector.broadcast %lt3A_294 : f32 to vector<16xf32>
      %lt3A_296 = arith.cmpf olt, %scan3A_207#3, %lt3A_295 : vector<16xf32>
      %neg3A_297 = arith.constant 0.000000e+00 : f32
      %neg3A_298 = vector.broadcast %neg3A_297 : f32 to vector<16xf32>
      %neg3A_299 = arith.subf %neg3A_298, %div3A_293 : vector<16xf32>
      %select_n3A_300 = arith.select %lt3A_296, %neg3A_299, %div3A_293 : vector<16xi1>, vector<16xf32>
      %swap3A_301 = arith.index_cast %add3A_257 : i32 to index
      %swap3A_302 = arith.constant 16 : index
      %swap3A_303 = tpu.vector_load %arg10[%swap3A_301, %swap3A_302] {strides = array<i32>} : memref<128x32xf32, #tpu.memory_space<vmem>>, vector<1x16xf32>,
      %swap3A_304 = vector.shape_cast %swap3A_303 : vector<1x16xf32> to vector<16xf32>
      %swap3A_305 = vector.shape_cast %select_n3A_300 : vector<16xf32> to vector<1x16xf32>
      tpu.vector_store %arg10[%swap3A_301, %swap3A_302], %swap3A_305 {strides = array<i32>} : memref<128x32xf32, #tpu.memory_space<vmem>>, vector<1x16xf32>,
      %mul3A_306 = arith.constant 4 : i32
      %mul3A_307 = arith.muli %add3A_94, %mul3A_306 : i32
      %add3A_308 = arith.constant 2 : i32
      %add3A_309 = arith.addi %mul3A_307, %add3A_308 : i32
      %abs3A_310 = math.absf %scan3A_207#4 : vector<16xf32>
      %mul3A_311 = arith.constant -2.000000e+00 : f32
      %mul3A_312 = vector.broadcast %mul3A_311 : f32 to vector<16xf32>
      %mul3A_313 = arith.mulf %mul3A_312, %abs3A_310 : vector<16xf32>
      %exp3A_314 = math.exp %mul3A_313 : vector<16xf32>
      %sub3A_315 = arith.constant 1.000000e+00 : f32
      %sub3A_316 = vector.broadcast %sub3A_315 : f32 to vector<16xf32>
      %sub3A_317 = arith.subf %sub3A_316, %exp3A_314 : vector<16xf32>
      %add3A_318 = arith.constant 1.000000e+00 : f32
      %add3A_319 = vector.broadcast %add3A_318 : f32 to vector<16xf32>
      %add3A_320 = arith.addf %add3A_319, %exp3A_314 : vector<16xf32>
      %div3A_321 = arith.divf %sub3A_317, %add3A_320 : vector<16xf32>
      %lt3A_322 = arith.constant 0.000000e+00 : f32
      %lt3A_323 = vector.broadcast %lt3A_322 : f32 to vector<16xf32>
      %lt3A_324 = arith.cmpf olt, %scan3A_207#4, %lt3A_323 : vector<16xf32>
      %neg3A_325 = arith.constant 0.000000e+00 : f32
      %neg3A_326 = vector.broadcast %neg3A_325 : f32 to vector<16xf32>
      %neg3A_327 = arith.subf %neg3A_326, %div3A_321 : vector<16xf32>
      %select_n3A_328 = arith.select %lt3A_324, %neg3A_327, %div3A_321 : vector<16xi1>, vector<16xf32>
      %swap3A_329 = arith.index_cast %add3A_309 : i32 to index
      %swap3A_330 = arith.constant 0 : index
      %swap3A_331 = tpu.vector_load %arg10[%swap3A_329, %swap3A_330] {strides = array<i32>} : memref<128x32xf32, #tpu.memory_space<vmem>>, vector<1x16xf32>,
      %swap3A_332 = vector.shape_cast %swap3A_331 : vector<1x16xf32> to vector<16xf32>
      %swap3A_333 = vector.shape_cast %select_n3A_328 : vector<16xf32> to vector<1x16xf32>
      tpu.vector_store %arg10[%swap3A_329, %swap3A_330], %swap3A_333 {strides = array<i32>} : memref<128x32xf32, #tpu.memory_space<vmem>>, vector<1x16xf32>,
      %abs3A_334 = math.absf %scan3A_207#5 : vector<16xf32>
      %mul3A_335 = arith.constant -2.000000e+00 : f32
      %mul3A_336 = vector.broadcast %mul3A_335 : f32 to vector<16xf32>
      %mul3A_337 = arith.mulf %mul3A_336, %abs3A_334 : vector<16xf32>
      %exp3A_338 = math.exp %mul3A_337 : vector<16xf32>
      %sub3A_339 = arith.constant 1.000000e+00 : f32
      %sub3A_340 = vector.broadcast %sub3A_339 : f32 to vector<16xf32>
      %sub3A_341 = arith.subf %sub3A_340, %exp3A_338 : vector<16xf32>
      %add3A_342 = arith.constant 1.000000e+00 : f32
      %add3A_343 = vector.broadcast %add3A_342 : f32 to vector<16xf32>
      %add3A_344 = arith.addf %add3A_343, %exp3A_338 : vector<16xf32>
      %div3A_345 = arith.divf %sub3A_341, %add3A_344 : vector<16xf32>
      %lt3A_346 = arith.constant 0.000000e+00 : f32
      %lt3A_347 = vector.broadcast %lt3A_346 : f32 to vector<16xf32>
      %lt3A_348 = arith.cmpf olt, %scan3A_207#5, %lt3A_347 : vector<16xf32>
      %neg3A_349 = arith.constant 0.000000e+00 : f32
      %neg3A_350 = vector.broadcast %neg3A_349 : f32 to vector<16xf32>
      %neg3A_351 = arith.subf %neg3A_350, %div3A_345 : vector<16xf32>
      %select_n3A_352 = arith.select %lt3A_348, %neg3A_351, %div3A_345 : vector<16xi1>, vector<16xf32>
      %swap3A_353 = arith.index_cast %add3A_309 : i32 to index
      %swap3A_354 = arith.constant 16 : index
      %swap3A_355 = tpu.vector_load %arg10[%swap3A_353, %swap3A_354] {strides = array<i32>} : memref<128x32xf32, #tpu.memory_space<vmem>>, vector<1x16xf32>,
      %swap3A_356 = vector.shape_cast %swap3A_355 : vector<1x16xf32> to vector<16xf32>
      %swap3A_357 = vector.shape_cast %select_n3A_352 : vector<16xf32> to vector<1x16xf32>
      tpu.vector_store %arg10[%swap3A_353, %swap3A_354], %swap3A_357 {strides = array<i32>} : memref<128x32xf32, #tpu.memory_space<vmem>>, vector<1x16xf32>,
      %mul3A_358 = arith.constant 4 : i32
      %mul3A_359 = arith.muli %add3A_94, %mul3A_358 : i32
      %add3A_360 = arith.constant 3 : i32
      %add3A_361 = arith.addi %mul3A_359, %add3A_360 : i32
      %abs3A_362 = math.absf %scan3A_207#6 : vector<16xf32>
      %mul3A_363 = arith.constant -2.000000e+00 : f32
      %mul3A_364 = vector.broadcast %mul3A_363 : f32 to vector<16xf32>
      %mul3A_365 = arith.mulf %mul3A_364, %abs3A_362 : vector<16xf32>
      %exp3A_366 = math.exp %mul3A_365 : vector<16xf32>
      %sub3A_367 = arith.constant 1.000000e+00 : f32
      %sub3A_368 = vector.broadcast %sub3A_367 : f32 to vector<16xf32>
      %sub3A_369 = arith.subf %sub3A_368, %exp3A_366 : vector<16xf32>
      %add3A_370 = arith.constant 1.000000e+00 : f32
      %add3A_371 = vector.broadcast %add3A_370 : f32 to vector<16xf32>
      %add3A_372 = arith.addf %add3A_371, %exp3A_366 : vector<16xf32>
      %div3A_373 = arith.divf %sub3A_369, %add3A_372 : vector<16xf32>
      %lt3A_374 = arith.constant 0.000000e+00 : f32
      %lt3A_375 = vector.broadcast %lt3A_374 : f32 to vector<16xf32>
      %lt3A_376 = arith.cmpf olt, %scan3A_207#6, %lt3A_375 : vector<16xf32>
      %neg3A_377 = arith.constant 0.000000e+00 : f32
      %neg3A_378 = vector.broadcast %neg3A_377 : f32 to vector<16xf32>
      %neg3A_379 = arith.subf %neg3A_378, %div3A_373 : vector<16xf32>
      %select_n3A_380 = arith.select %lt3A_376, %neg3A_379, %div3A_373 : vector<16xi1>, vector<16xf32>
      %swap3A_381 = arith.index_cast %add3A_361 : i32 to index
      %swap3A_382 = arith.constant 0 : index
      %swap3A_383 = tpu.vector_load %arg10[%swap3A_381, %swap3A_382] {strides = array<i32>} : memref<128x32xf32, #tpu.memory_space<vmem>>, vector<1x16xf32>,
      %swap3A_384 = vector.shape_cast %swap3A_383 : vector<1x16xf32> to vector<16xf32>
      %swap3A_385 = vector.shape_cast %select_n3A_380 : vector<16xf32> to vector<1x16xf32>
      tpu.vector_store %arg10[%swap3A_381, %swap3A_382], %swap3A_385 {strides = array<i32>} : memref<128x32xf32, #tpu.memory_space<vmem>>, vector<1x16xf32>,
      %abs3A_386 = math.absf %scan3A_207#7 : vector<16xf32>
      %mul3A_387 = arith.constant -2.000000e+00 : f32
      %mul3A_388 = vector.broadcast %mul3A_387 : f32 to vector<16xf32>
      %mul3A_389 = arith.mulf %mul3A_388, %abs3A_386 : vector<16xf32>
      %exp3A_390 = math.exp %mul3A_389 : vector<16xf32>
      %sub3A_391 = arith.constant 1.000000e+00 : f32
      %sub3A_392 = vector.broadcast %sub3A_391 : f32 to vector<16xf32>
      %sub3A_393 = arith.subf %sub3A_392, %exp3A_390 : vector<16xf32>
      %add3A_394 = arith.constant 1.000000e+00 : f32
      %add3A_395 = vector.broadcast %add3A_394 : f32 to vector<16xf32>
      %add3A_396 = arith.addf %add3A_395, %exp3A_390 : vector<16xf32>
      %div3A_397 = arith.divf %sub3A_393, %add3A_396 : vector<16xf32>
      %lt3A_398 = arith.constant 0.000000e+00 : f32
      %lt3A_399 = vector.broadcast %lt3A_398 : f32 to vector<16xf32>
      %lt3A_400 = arith.cmpf olt, %scan3A_207#7, %lt3A_399 : vector<16xf32>
      %neg3A_401 = arith.constant 0.000000e+00 : f32
      %neg3A_402 = vector.broadcast %neg3A_401 : f32 to vector<16xf32>
      %neg3A_403 = arith.subf %neg3A_402, %div3A_397 : vector<16xf32>
      %select_n3A_404 = arith.select %lt3A_400, %neg3A_403, %div3A_397 : vector<16xi1>, vector<16xf32>
      %swap3A_405 = arith.index_cast %add3A_361 : i32 to index
      %swap3A_406 = arith.constant 16 : index
      %swap3A_407 = tpu.vector_load %arg10[%swap3A_405, %swap3A_406] {strides = array<i32>} : memref<128x32xf32, #tpu.memory_space<vmem>>, vector<1x16xf32>,
      %swap3A_408 = vector.shape_cast %swap3A_407 : vector<1x16xf32> to vector<16xf32>
      %swap3A_409 = vector.shape_cast %select_n3A_404 : vector<16xf32> to vector<1x16xf32>
      tpu.vector_store %arg10[%swap3A_405, %swap3A_406], %swap3A_409 {strides = array<i32>} : memref<128x32xf32, #tpu.memory_space<vmem>>, vector<1x16xf32>,
      %add3A_410 = arith.constant 1 : i32
      %add3A_411 = arith.addi %add3A_92, %add3A_410 : i32
      %mul3A_412 = arith.constant 4 : i32
      %mul3A_413 = arith.muli %add3A_411, %mul3A_412 : i32
      %add3A_414 = arith.constant 0 : i32
      %add3A_415 = arith.addi %mul3A_413, %add3A_414 : i32
      %mul3A_416 = arith.constant 200 : i32
      %mul3A_417 = arith.muli %add3A_415, %mul3A_416 : i32
      %add3A_418 = arith.constant 128 : i32
      %add3A_419 = arith.addi %mul3A_417, %add3A_418 : i32
      %mul3A_420 = arith.constant 4 : i32
      %mul3A_421 = arith.muli %add3A_411, %mul3A_420 : i32
      %add3A_422 = arith.constant 1 : i32
      %add3A_423 = arith.addi %mul3A_421, %add3A_422 : i32
      %mul3A_424 = arith.constant 200 : i32
      %mul3A_425 = arith.muli %add3A_423, %mul3A_424 : i32
      %add3A_426 = arith.constant 128 : i32
      %add3A_427 = arith.addi %mul3A_425, %add3A_426 : i32
      %mul3A_428 = arith.constant 4 : i32
      %mul3A_429 = arith.muli %add3A_411, %mul3A_428 : i32
      %add3A_430 = arith.constant 2 : i32
      %add3A_431 = arith.addi %mul3A_429, %add3A_430 : i32
      %mul3A_432 = arith.constant 200 : i32
      %mul3A_433 = arith.muli %add3A_431, %mul3A_432 : i32
      %add3A_434 = arith.constant 128 : i32
      %add3A_435 = arith.addi %mul3A_433, %add3A_434 : i32
      %mul3A_436 = arith.constant 4 : i32
      %mul3A_437 = arith.muli %add3A_411, %mul3A_436 : i32
      %add3A_438 = arith.constant 3 : i32
      %add3A_439 = arith.addi %mul3A_437, %add3A_438 : i32
      %mul3A_440 = arith.constant 200 : i32
      %mul3A_441 = arith.muli %add3A_439, %mul3A_440 : i32
      %add3A_442 = arith.constant 128 : i32
      %add3A_443 = arith.addi %mul3A_441, %add3A_442 : i32
      %dma_wait3A_444 = arith.constant 0 : i32
      %dma_wait3A_445 = arith.constant 0 : i32
      %dma_wait3A_446 = arith.constant 0 : i32
      %dma_wait3A_447 = tpu.memref_slice %arg9[%dma_wait3A_444, %dma_wait3A_445, %dma_wait3A_446] : memref<4x200x32xf32, #tpu.memory_space<vmem>> -> memref<1x128x32xf32, #tpu.memory_space<vmem>>
      %dma_wait3A_448 = tpu.memref_squeeze %dma_wait3A_447 : memref<1x128x32xf32, #tpu.memory_space<vmem>> -> memref<128x32xf32, #tpu.memory_space<vmem>>
      %dma_wait3A_449 = tpu.memref_slice %arg6[%mul3A_417] : memref<25600xi32, #tpu.memory_space<vmem>> -> memref<128xi32, #tpu.memory_space<vmem>>
      %dma_wait3A_450 = arith.constant 0 : i32
      %dma_wait3A_451 = arith.constant 0 : i32
      %dma_wait3A_452 = tpu.memref_slice %arg2[%dma_wait3A_450, %dma_wait3A_451] : memref<1015808x32xf32, #tpu.memory_space<hbm>> -> memref<1015808x32xf32, #tpu.memory_space<hbm>>
      tpu.wait_indirect_dma semaphore(%arg12 : memref<!tpu.dma_semaphore, #tpu.memory_space<semaphore_mem>>) src(%dma_wait3A_452 : memref<1015808x32xf32, #tpu.memory_space<hbm>>) dst(%dma_wait3A_448 : memref<128x32xf32, #tpu.memory_space<vmem>>)
      %dma_wait3A_453 = arith.constant 0 : i32
      %dma_wait3A_454 = arith.constant 128 : i32
      %dma_wait3A_455 = arith.constant 0 : i32
      %dma_wait3A_456 = tpu.memref_slice %arg9[%dma_wait3A_453, %dma_wait3A_454, %dma_wait3A_455] : memref<4x200x32xf32, #tpu.memory_space<vmem>> -> memref<1x72x32xf32, #tpu.memory_space<vmem>>
      %dma_wait3A_457 = tpu.memref_squeeze %dma_wait3A_456 : memref<1x72x32xf32, #tpu.memory_space<vmem>> -> memref<72x32xf32, #tpu.memory_space<vmem>>
      %dma_wait3A_458 = tpu.memref_slice %arg6[%add3A_419] : memref<25600xi32, #tpu.memory_space<vmem>> -> memref<72xi32, #tpu.memory_space<vmem>>
      %dma_wait3A_459 = arith.constant 0 : i32
      %dma_wait3A_460 = arith.constant 0 : i32
      %dma_wait3A_461 = tpu.memref_slice %arg2[%dma_wait3A_459, %dma_wait3A_460] : memref<1015808x32xf32, #tpu.memory_space<hbm>> -> memref<1015808x32xf32, #tpu.memory_space<hbm>>
      tpu.wait_indirect_dma semaphore(%arg12 : memref<!tpu.dma_semaphore, #tpu.memory_space<semaphore_mem>>) src(%dma_wait3A_461 : memref<1015808x32xf32, #tpu.memory_space<hbm>>) dst(%dma_wait3A_457 : memref<72x32xf32, #tpu.memory_space<vmem>>)
      %dma_wait3A_462 = arith.constant 1 : i32
      %dma_wait3A_463 = arith.constant 0 : i32
      %dma_wait3A_464 = arith.constant 0 : i32
      %dma_wait3A_465 = tpu.memref_slice %arg9[%dma_wait3A_462, %dma_wait3A_463, %dma_wait3A_464] : memref<4x200x32xf32, #tpu.memory_space<vmem>> -> memref<1x128x32xf32, #tpu.memory_space<vmem>>
      %dma_wait3A_466 = tpu.memref_squeeze %dma_wait3A_465 : memref<1x128x32xf32, #tpu.memory_space<vmem>> -> memref<128x32xf32, #tpu.memory_space<vmem>>
      %dma_wait3A_467 = tpu.memref_slice %arg6[%mul3A_425] : memref<25600xi32, #tpu.memory_space<vmem>> -> memref<128xi32, #tpu.memory_space<vmem>>
      %dma_wait3A_468 = arith.constant 0 : i32
      %dma_wait3A_469 = arith.constant 0 : i32
      %dma_wait3A_470 = tpu.memref_slice %arg2[%dma_wait3A_468, %dma_wait3A_469] : memref<1015808x32xf32, #tpu.memory_space<hbm>> -> memref<1015808x32xf32, #tpu.memory_space<hbm>>
      tpu.wait_indirect_dma semaphore(%arg12 : memref<!tpu.dma_semaphore, #tpu.memory_space<semaphore_mem>>) src(%dma_wait3A_470 : memref<1015808x32xf32, #tpu.memory_space<hbm>>) dst(%dma_wait3A_466 : memref<128x32xf32, #tpu.memory_space<vmem>>)
      %dma_wait3A_471 = arith.constant 1 : i32
      %dma_wait3A_472 = arith.constant 128 : i32
      %dma_wait3A_473 = arith.constant 0 : i32
      %dma_wait3A_474 = tpu.memref_slice %arg9[%dma_wait3A_471, %dma_wait3A_472, %dma_wait3A_473] : memref<4x200x32xf32, #tpu.memory_space<vmem>> -> memref<1x72x32xf32, #tpu.memory_space<vmem>>
      %dma_wait3A_475 = tpu.memref_squeeze %dma_wait3A_474 : memref<1x72x32xf32, #tpu.memory_space<vmem>> -> memref<72x32xf32, #tpu.memory_space<vmem>>
      %dma_wait3A_476 = tpu.memref_slice %arg6[%add3A_427] : memref<25600xi32, #tpu.memory_space<vmem>> -> memref<72xi32, #tpu.memory_space<vmem>>
      %dma_wait3A_477 = arith.constant 0 : i32
      %dma_wait3A_478 = arith.constant 0 : i32
      %dma_wait3A_479 = tpu.memref_slice %arg2[%dma_wait3A_477, %dma_wait3A_478] : memref<1015808x32xf32, #tpu.memory_space<hbm>> -> memref<1015808x32xf32, #tpu.memory_space<hbm>>
      tpu.wait_indirect_dma semaphore(%arg12 : memref<!tpu.dma_semaphore, #tpu.memory_space<semaphore_mem>>) src(%dma_wait3A_479 : memref<1015808x32xf32, #tpu.memory_space<hbm>>) dst(%dma_wait3A_475 : memref<72x32xf32, #tpu.memory_space<vmem>>)
      %dma_wait3A_480 = arith.constant 2 : i32
      %dma_wait3A_481 = arith.constant 0 : i32
      %dma_wait3A_482 = arith.constant 0 : i32
      %dma_wait3A_483 = tpu.memref_slice %arg9[%dma_wait3A_480, %dma_wait3A_481, %dma_wait3A_482] : memref<4x200x32xf32, #tpu.memory_space<vmem>> -> memref<1x128x32xf32, #tpu.memory_space<vmem>>
      %dma_wait3A_484 = tpu.memref_squeeze %dma_wait3A_483 : memref<1x128x32xf32, #tpu.memory_space<vmem>> -> memref<128x32xf32, #tpu.memory_space<vmem>>
      %dma_wait3A_485 = tpu.memref_slice %arg6[%mul3A_433] : memref<25600xi32, #tpu.memory_space<vmem>> -> memref<128xi32, #tpu.memory_space<vmem>>
      %dma_wait3A_486 = arith.constant 0 : i32
      %dma_wait3A_487 = arith.constant 0 : i32
      %dma_wait3A_488 = tpu.memref_slice %arg2[%dma_wait3A_486, %dma_wait3A_487] : memref<1015808x32xf32, #tpu.memory_space<hbm>> -> memref<1015808x32xf32, #tpu.memory_space<hbm>>
      tpu.wait_indirect_dma semaphore(%arg12 : memref<!tpu.dma_semaphore, #tpu.memory_space<semaphore_mem>>) src(%dma_wait3A_488 : memref<1015808x32xf32, #tpu.memory_space<hbm>>) dst(%dma_wait3A_484 : memref<128x32xf32, #tpu.memory_space<vmem>>)
      %dma_wait3A_489 = arith.constant 2 : i32
      %dma_wait3A_490 = arith.constant 128 : i32
      %dma_wait3A_491 = arith.constant 0 : i32
      %dma_wait3A_492 = tpu.memref_slice %arg9[%dma_wait3A_489, %dma_wait3A_490, %dma_wait3A_491] : memref<4x200x32xf32, #tpu.memory_space<vmem>> -> memref<1x72x32xf32, #tpu.memory_space<vmem>>
      %dma_wait3A_493 = tpu.memref_squeeze %dma_wait3A_492 : memref<1x72x32xf32, #tpu.memory_space<vmem>> -> memref<72x32xf32, #tpu.memory_space<vmem>>
      %dma_wait3A_494 = tpu.memref_slice %arg6[%add3A_435] : memref<25600xi32, #tpu.memory_space<vmem>> -> memref<72xi32, #tpu.memory_space<vmem>>
      %dma_wait3A_495 = arith.constant 0 : i32
      %dma_wait3A_496 = arith.constant 0 : i32
      %dma_wait3A_497 = tpu.memref_slice %arg2[%dma_wait3A_495, %dma_wait3A_496] : memref<1015808x32xf32, #tpu.memory_space<hbm>> -> memref<1015808x32xf32, #tpu.memory_space<hbm>>
      tpu.wait_indirect_dma semaphore(%arg12 : memref<!tpu.dma_semaphore, #tpu.memory_space<semaphore_mem>>) src(%dma_wait3A_497 : memref<1015808x32xf32, #tpu.memory_space<hbm>>) dst(%dma_wait3A_493 : memref<72x32xf32, #tpu.memory_space<vmem>>)
      %dma_wait3A_498 = arith.constant 3 : i32
      %dma_wait3A_499 = arith.constant 0 : i32
      %dma_wait3A_500 = arith.constant 0 : i32
      %dma_wait3A_501 = tpu.memref_slice %arg9[%dma_wait3A_498, %dma_wait3A_499, %dma_wait3A_500] : memref<4x200x32xf32, #tpu.memory_space<vmem>> -> memref<1x128x32xf32, #tpu.memory_space<vmem>>
      %dma_wait3A_502 = tpu.memref_squeeze %dma_wait3A_501 : memref<1x128x32xf32, #tpu.memory_space<vmem>> -> memref<128x32xf32, #tpu.memory_space<vmem>>
      %dma_wait3A_503 = tpu.memref_slice %arg6[%mul3A_441] : memref<25600xi32, #tpu.memory_space<vmem>> -> memref<128xi32, #tpu.memory_space<vmem>>
      %dma_wait3A_504 = arith.constant 0 : i32
      %dma_wait3A_505 = arith.constant 0 : i32
      %dma_wait3A_506 = tpu.memref_slice %arg2[%dma_wait3A_504, %dma_wait3A_505] : memref<1015808x32xf32, #tpu.memory_space<hbm>> -> memref<1015808x32xf32, #tpu.memory_space<hbm>>
      tpu.wait_indirect_dma semaphore(%arg12 : memref<!tpu.dma_semaphore, #tpu.memory_space<semaphore_mem>>) src(%dma_wait3A_506 : memref<1015808x32xf32, #tpu.memory_space<hbm>>) dst(%dma_wait3A_502 : memref<128x32xf32, #tpu.memory_space<vmem>>)
      %dma_wait3A_507 = arith.constant 3 : i32
      %dma_wait3A_508 = arith.constant 128 : i32
      %dma_wait3A_509 = arith.constant 0 : i32
      %dma_wait3A_510 = tpu.memref_slice %arg9[%dma_wait3A_507, %dma_wait3A_508, %dma_wait3A_509] : memref<4x200x32xf32, #tpu.memory_space<vmem>> -> memref<1x72x32xf32, #tpu.memory_space<vmem>>
      %dma_wait3A_511 = tpu.memref_squeeze %dma_wait3A_510 : memref<1x72x32xf32, #tpu.memory_space<vmem>> -> memref<72x32xf32, #tpu.memory_space<vmem>>
      %dma_wait3A_512 = tpu.memref_slice %arg6[%add3A_443] : memref<25600xi32, #tpu.memory_space<vmem>> -> memref<72xi32, #tpu.memory_space<vmem>>
      %dma_wait3A_513 = arith.constant 0 : i32
      %dma_wait3A_514 = arith.constant 0 : i32
      %dma_wait3A_515 = tpu.memref_slice %arg2[%dma_wait3A_513, %dma_wait3A_514] : memref<1015808x32xf32, #tpu.memory_space<hbm>> -> memref<1015808x32xf32, #tpu.memory_space<hbm>>
      tpu.wait_indirect_dma semaphore(%arg12 : memref<!tpu.dma_semaphore, #tpu.memory_space<semaphore_mem>>) src(%dma_wait3A_515 : memref<1015808x32xf32, #tpu.memory_space<hbm>>) dst(%dma_wait3A_511 : memref<72x32xf32, #tpu.memory_space<vmem>>)
      %add3A_516 = arith.constant 1 : i32
      %add3A_517 = arith.addi %add3A_411, %add3A_516 : i32
      %lt3A_518 = arith.constant 32 : i32
      %lt3A_519 = arith.cmpi slt, %add3A_517, %lt3A_518 : i32
      %convert_element_type3A_520 = arith.extui %lt3A_519 : i1 to i32
      %cond3A_521 = arith.constant 0 : i32
      %cond3A_522 = arith.cmpi ne, %convert_element_type3A_520, %cond3A_521 : i32
      scf.if %cond3A_522 {
        %add3A_739 = arith.constant 1 : i32
        %add3A_740 = arith.addi %add3A_411, %add3A_739 : i32
        %mul3A_741 = arith.constant 4 : i32
        %mul3A_742 = arith.muli %add3A_740, %mul3A_741 : i32
        %add3A_743 = arith.constant 0 : i32
        %add3A_744 = arith.addi %mul3A_742, %add3A_743 : i32
        %mul3A_745 = arith.constant 200 : i32
        %mul3A_746 = arith.muli %add3A_744, %mul3A_745 : i32
        %add3A_747 = arith.constant 128 : i32
        %add3A_748 = arith.addi %mul3A_746, %add3A_747 : i32
        %mul3A_749 = arith.constant 4 : i32
        %mul3A_750 = arith.muli %add3A_740, %mul3A_749 : i32
        %add3A_751 = arith.constant 1 : i32
        %add3A_752 = arith.addi %mul3A_750, %add3A_751 : i32
        %mul3A_753 = arith.constant 200 : i32
        %mul3A_754 = arith.muli %add3A_752, %mul3A_753 : i32
        %add3A_755 = arith.constant 128 : i32
        %add3A_756 = arith.addi %mul3A_754, %add3A_755 : i32
        %mul3A_757 = arith.constant 4 : i32
        %mul3A_758 = arith.muli %add3A_740, %mul3A_757 : i32
        %add3A_759 = arith.constant 2 : i32
        %add3A_760 = arith.addi %mul3A_758, %add3A_759 : i32
        %mul3A_761 = arith.constant 200 : i32
        %mul3A_762 = arith.muli %add3A_760, %mul3A_761 : i32
        %add3A_763 = arith.constant 128 : i32
        %add3A_764 = arith.addi %mul3A_762, %add3A_763 : i32
        %mul3A_765 = arith.constant 4 : i32
        %mul3A_766 = arith.muli %add3A_740, %mul3A_765 : i32
        %add3A_767 = arith.constant 3 : i32
        %add3A_768 = arith.addi %mul3A_766, %add3A_767 : i32
        %mul3A_769 = arith.constant 200 : i32
        %mul3A_770 = arith.muli %add3A_768, %mul3A_769 : i32
        %add3A_771 = arith.constant 128 : i32
        %add3A_772 = arith.addi %mul3A_770, %add3A_771 : i32
        %dma_start3A_773 = arith.constant 0 : i32
        %dma_start3A_774 = arith.constant 0 : i32
        %dma_start3A_775 = arith.constant 0 : i32
        %dma_start3A_776 = tpu.memref_slice %arg8[%dma_start3A_773, %dma_start3A_774, %dma_start3A_775] : memref<4x200x32xf32, #tpu.memory_space<vmem>> -> memref<1x128x32xf32, #tpu.memory_space<vmem>>
        %dma_start3A_777 = tpu.memref_squeeze %dma_start3A_776 : memref<1x128x32xf32, #tpu.memory_space<vmem>> -> memref<128x32xf32, #tpu.memory_space<vmem>>
        %dma_start3A_778 = tpu.memref_slice %arg6[%mul3A_746] : memref<25600xi32, #tpu.memory_space<vmem>> -> memref<128xi32, #tpu.memory_space<vmem>>
        %dma_start3A_779 = arith.constant 0 : i32
        %dma_start3A_780 = arith.constant 0 : i32
        %dma_start3A_781 = tpu.memref_slice %arg2[%dma_start3A_779, %dma_start3A_780] : memref<1015808x32xf32, #tpu.memory_space<hbm>> -> memref<1015808x32xf32, #tpu.memory_space<hbm>>
        tpu.enqueue_indirect_dma source(%dma_start3A_781 : memref<1015808x32xf32, #tpu.memory_space<hbm>>) target(%dma_start3A_777 : memref<128x32xf32, #tpu.memory_space<vmem>>) offsets(%dma_start3A_778 : memref<128xi32, #tpu.memory_space<vmem>>) semaphore(%arg11 : memref<!tpu.dma_semaphore, #tpu.memory_space<semaphore_mem>>)
        %dma_start3A_782 = arith.constant 0 : i32
        %dma_start3A_783 = arith.constant 128 : i32
        %dma_start3A_784 = arith.constant 0 : i32
        %dma_start3A_785 = tpu.memref_slice %arg8[%dma_start3A_782, %dma_start3A_783, %dma_start3A_784] : memref<4x200x32xf32, #tpu.memory_space<vmem>> -> memref<1x72x32xf32, #tpu.memory_space<vmem>>
        %dma_start3A_786 = tpu.memref_squeeze %dma_start3A_785 : memref<1x72x32xf32, #tpu.memory_space<vmem>> -> memref<72x32xf32, #tpu.memory_space<vmem>>
        %dma_start3A_787 = tpu.memref_slice %arg6[%add3A_748] : memref<25600xi32, #tpu.memory_space<vmem>> -> memref<72xi32, #tpu.memory_space<vmem>>
        %dma_start3A_788 = arith.constant 0 : i32
        %dma_start3A_789 = arith.constant 0 : i32
        %dma_start3A_790 = tpu.memref_slice %arg2[%dma_start3A_788, %dma_start3A_789] : memref<1015808x32xf32, #tpu.memory_space<hbm>> -> memref<1015808x32xf32, #tpu.memory_space<hbm>>
        tpu.enqueue_indirect_dma source(%dma_start3A_790 : memref<1015808x32xf32, #tpu.memory_space<hbm>>) target(%dma_start3A_786 : memref<72x32xf32, #tpu.memory_space<vmem>>) offsets(%dma_start3A_787 : memref<72xi32, #tpu.memory_space<vmem>>) semaphore(%arg11 : memref<!tpu.dma_semaphore, #tpu.memory_space<semaphore_mem>>)
        %dma_start3A_791 = arith.constant 1 : i32
        %dma_start3A_792 = arith.constant 0 : i32
        %dma_start3A_793 = arith.constant 0 : i32
        %dma_start3A_794 = tpu.memref_slice %arg8[%dma_start3A_791, %dma_start3A_792, %dma_start3A_793] : memref<4x200x32xf32, #tpu.memory_space<vmem>> -> memref<1x128x32xf32, #tpu.memory_space<vmem>>
        %dma_start3A_795 = tpu.memref_squeeze %dma_start3A_794 : memref<1x128x32xf32, #tpu.memory_space<vmem>> -> memref<128x32xf32, #tpu.memory_space<vmem>>
        %dma_start3A_796 = tpu.memref_slice %arg6[%mul3A_754] : memref<25600xi32, #tpu.memory_space<vmem>> -> memref<128xi32, #tpu.memory_space<vmem>>
        %dma_start3A_797 = arith.constant 0 : i32
        %dma_start3A_798 = arith.constant 0 : i32
        %dma_start3A_799 = tpu.memref_slice %arg2[%dma_start3A_797, %dma_start3A_798] : memref<1015808x32xf32, #tpu.memory_space<hbm>> -> memref<1015808x32xf32, #tpu.memory_space<hbm>>
        tpu.enqueue_indirect_dma source(%dma_start3A_799 : memref<1015808x32xf32, #tpu.memory_space<hbm>>) target(%dma_start3A_795 : memref<128x32xf32, #tpu.memory_space<vmem>>) offsets(%dma_start3A_796 : memref<128xi32, #tpu.memory_space<vmem>>) semaphore(%arg11 : memref<!tpu.dma_semaphore, #tpu.memory_space<semaphore_mem>>)
        %dma_start3A_800 = arith.constant 1 : i32
        %dma_start3A_801 = arith.constant 128 : i32
        %dma_start3A_802 = arith.constant 0 : i32
        %dma_start3A_803 = tpu.memref_slice %arg8[%dma_start3A_800, %dma_start3A_801, %dma_start3A_802] : memref<4x200x32xf32, #tpu.memory_space<vmem>> -> memref<1x72x32xf32, #tpu.memory_space<vmem>>
        %dma_start3A_804 = tpu.memref_squeeze %dma_start3A_803 : memref<1x72x32xf32, #tpu.memory_space<vmem>> -> memref<72x32xf32, #tpu.memory_space<vmem>>
        %dma_start3A_805 = tpu.memref_slice %arg6[%add3A_756] : memref<25600xi32, #tpu.memory_space<vmem>> -> memref<72xi32, #tpu.memory_space<vmem>>
        %dma_start3A_806 = arith.constant 0 : i32
        %dma_start3A_807 = arith.constant 0 : i32
        %dma_start3A_808 = tpu.memref_slice %arg2[%dma_start3A_806, %dma_start3A_807] : memref<1015808x32xf32, #tpu.memory_space<hbm>> -> memref<1015808x32xf32, #tpu.memory_space<hbm>>
        tpu.enqueue_indirect_dma source(%dma_start3A_808 : memref<1015808x32xf32, #tpu.memory_space<hbm>>) target(%dma_start3A_804 : memref<72x32xf32, #tpu.memory_space<vmem>>) offsets(%dma_start3A_805 : memref<72xi32, #tpu.memory_space<vmem>>) semaphore(%arg11 : memref<!tpu.dma_semaphore, #tpu.memory_space<semaphore_mem>>)
        %dma_start3A_809 = arith.constant 2 : i32
        %dma_start3A_810 = arith.constant 0 : i32
        %dma_start3A_811 = arith.constant 0 : i32
        %dma_start3A_812 = tpu.memref_slice %arg8[%dma_start3A_809, %dma_start3A_810, %dma_start3A_811] : memref<4x200x32xf32, #tpu.memory_space<vmem>> -> memref<1x128x32xf32, #tpu.memory_space<vmem>>
        %dma_start3A_813 = tpu.memref_squeeze %dma_start3A_812 : memref<1x128x32xf32, #tpu.memory_space<vmem>> -> memref<128x32xf32, #tpu.memory_space<vmem>>
        %dma_start3A_814 = tpu.memref_slice %arg6[%mul3A_762] : memref<25600xi32, #tpu.memory_space<vmem>> -> memref<128xi32, #tpu.memory_space<vmem>>
        %dma_start3A_815 = arith.constant 0 : i32
        %dma_start3A_816 = arith.constant 0 : i32
        %dma_start3A_817 = tpu.memref_slice %arg2[%dma_start3A_815, %dma_start3A_816] : memref<1015808x32xf32, #tpu.memory_space<hbm>> -> memref<1015808x32xf32, #tpu.memory_space<hbm>>
        tpu.enqueue_indirect_dma source(%dma_start3A_817 : memref<1015808x32xf32, #tpu.memory_space<hbm>>) target(%dma_start3A_813 : memref<128x32xf32, #tpu.memory_space<vmem>>) offsets(%dma_start3A_814 : memref<128xi32, #tpu.memory_space<vmem>>) semaphore(%arg11 : memref<!tpu.dma_semaphore, #tpu.memory_space<semaphore_mem>>)
        %dma_start3A_818 = arith.constant 2 : i32
        %dma_start3A_819 = arith.constant 128 : i32
        %dma_start3A_820 = arith.constant 0 : i32
        %dma_start3A_821 = tpu.memref_slice %arg8[%dma_start3A_818, %dma_start3A_819, %dma_start3A_820] : memref<4x200x32xf32, #tpu.memory_space<vmem>> -> memref<1x72x32xf32, #tpu.memory_space<vmem>>
        %dma_start3A_822 = tpu.memref_squeeze %dma_start3A_821 : memref<1x72x32xf32, #tpu.memory_space<vmem>> -> memref<72x32xf32, #tpu.memory_space<vmem>>
        %dma_start3A_823 = tpu.memref_slice %arg6[%add3A_764] : memref<25600xi32, #tpu.memory_space<vmem>> -> memref<72xi32, #tpu.memory_space<vmem>>
        %dma_start3A_824 = arith.constant 0 : i32
        %dma_start3A_825 = arith.constant 0 : i32
        %dma_start3A_826 = tpu.memref_slice %arg2[%dma_start3A_824, %dma_start3A_825] : memref<1015808x32xf32, #tpu.memory_space<hbm>> -> memref<1015808x32xf32, #tpu.memory_space<hbm>>
        tpu.enqueue_indirect_dma source(%dma_start3A_826 : memref<1015808x32xf32, #tpu.memory_space<hbm>>) target(%dma_start3A_822 : memref<72x32xf32, #tpu.memory_space<vmem>>) offsets(%dma_start3A_823 : memref<72xi32, #tpu.memory_space<vmem>>) semaphore(%arg11 : memref<!tpu.dma_semaphore, #tpu.memory_space<semaphore_mem>>)
        %dma_start3A_827 = arith.constant 3 : i32
        %dma_start3A_828 = arith.constant 0 : i32
        %dma_start3A_829 = arith.constant 0 : i32
        %dma_start3A_830 = tpu.memref_slice %arg8[%dma_start3A_827, %dma_start3A_828, %dma_start3A_829] : memref<4x200x32xf32, #tpu.memory_space<vmem>> -> memref<1x128x32xf32, #tpu.memory_space<vmem>>
        %dma_start3A_831 = tpu.memref_squeeze %dma_start3A_830 : memref<1x128x32xf32, #tpu.memory_space<vmem>> -> memref<128x32xf32, #tpu.memory_space<vmem>>
        %dma_start3A_832 = tpu.memref_slice %arg6[%mul3A_770] : memref<25600xi32, #tpu.memory_space<vmem>> -> memref<128xi32, #tpu.memory_space<vmem>>
        %dma_start3A_833 = arith.constant 0 : i32
        %dma_start3A_834 = arith.constant 0 : i32
        %dma_start3A_835 = tpu.memref_slice %arg2[%dma_start3A_833, %dma_start3A_834] : memref<1015808x32xf32, #tpu.memory_space<hbm>> -> memref<1015808x32xf32, #tpu.memory_space<hbm>>
        tpu.enqueue_indirect_dma source(%dma_start3A_835 : memref<1015808x32xf32, #tpu.memory_space<hbm>>) target(%dma_start3A_831 : memref<128x32xf32, #tpu.memory_space<vmem>>) offsets(%dma_start3A_832 : memref<128xi32, #tpu.memory_space<vmem>>) semaphore(%arg11 : memref<!tpu.dma_semaphore, #tpu.memory_space<semaphore_mem>>)
        %dma_start3A_836 = arith.constant 3 : i32
        %dma_start3A_837 = arith.constant 128 : i32
        %dma_start3A_838 = arith.constant 0 : i32
        %dma_start3A_839 = tpu.memref_slice %arg8[%dma_start3A_836, %dma_start3A_837, %dma_start3A_838] : memref<4x200x32xf32, #tpu.memory_space<vmem>> -> memref<1x72x32xf32, #tpu.memory_space<vmem>>
        %dma_start3A_840 = tpu.memref_squeeze %dma_start3A_839 : memref<1x72x32xf32, #tpu.memory_space<vmem>> -> memref<72x32xf32, #tpu.memory_space<vmem>>
        %dma_start3A_841 = tpu.memref_slice %arg6[%add3A_772] : memref<25600xi32, #tpu.memory_space<vmem>> -> memref<72xi32, #tpu.memory_space<vmem>>
        %dma_start3A_842 = arith.constant 0 : i32
        %dma_start3A_843 = arith.constant 0 : i32
        %dma_start3A_844 = tpu.memref_slice %arg2[%dma_start3A_842, %dma_start3A_843] : memref<1015808x32xf32, #tpu.memory_space<hbm>> -> memref<1015808x32xf32, #tpu.memory_space<hbm>>
        tpu.enqueue_indirect_dma source(%dma_start3A_844 : memref<1015808x32xf32, #tpu.memory_space<hbm>>) target(%dma_start3A_840 : memref<72x32xf32, #tpu.memory_space<vmem>>) offsets(%dma_start3A_841 : memref<72xi32, #tpu.memory_space<vmem>>) semaphore(%arg11 : memref<!tpu.dma_semaphore, #tpu.memory_space<semaphore_mem>>)
      } else {
      }
      %broadcast_in_dim3A_523 = arith.constant 0.000000e+00 : f32
      %broadcast_in_dim3A_524 = vector.broadcast %broadcast_in_dim3A_523 : f32 to vector<16xf32>
      %scan3A_525 = arith.constant 0 : i32
      %scan3A_526 = arith.constant 25 : i32
      %scan3A_527 = arith.addi %scan3A_525, %scan3A_526 : i32
      %scan3A_528 = arith.constant 1 : i32
      %scan3A_529:8 = scf.for %scan3A_739 = %scan3A_525 to %scan3A_527 step %scan3A_528 iter_args(%scan3A_740 = %broadcast_in_dim3A_524, %scan3A_741 = %broadcast_in_dim3A_524, %scan3A_742 = %broadcast_in_dim3A_524, %scan3A_743 = %broadcast_in_dim3A_524, %scan3A_744 = %broadcast_in_dim3A_524, %scan3A_745 = %broadcast_in_dim3A_524, %scan3A_746 = %broadcast_in_dim3A_524, %scan3A_747 = %broadcast_in_dim3A_524) -> (vector<16xf32>, vector<16xf32>, vector<16xf32>, vector<16xf32>, vector<16xf32>, vector<16xf32>, vector<16xf32>, vector<16xf32>)  : i32 {
        %mul3A_748 = arith.constant 8 : i32
        %mul3A_749 = arith.muli %scan3A_739, %mul3A_748 : i32
        %add3A_750 = arith.constant 0 : i32
        %add3A_751 = arith.addi %mul3A_749, %add3A_750 : i32
        %get3A = arith.index_cast %add3A_751 : i32 to index
        %get3A_752 = arith.constant 0 : index
        %get3A_753 = tpu.vector_load %arg7[%get3A, %get3A_752] {strides = array<i32>} : memref<200x16xf32, #tpu.memory_space<vmem>>, vector<1x16xf32>,
        %get3A_754 = vector.shape_cast %get3A_753 : vector<1x16xf32> to vector<16xf32>
        %get3A_755 = arith.constant 0 : i32
        %get3A_756 = arith.index_cast %get3A_755 : i32 to index
        %get3A_757 = arith.index_cast %add3A_751 : i32 to index
        %get3A_758 = arith.constant 0 : index
        %get3A_759 = tpu.vector_load %arg9[%get3A_756, %get3A_757, %get3A_758] {strides = array<i32>} : memref<4x200x32xf32, #tpu.memory_space<vmem>>, vector<1x1x16xf32>,
        %get3A_760 = vector.shape_cast %get3A_759 : vector<1x1x16xf32> to vector<16xf32>
        %mul3A_761 = arith.mulf %get3A_754, %get3A_760 : vector<16xf32>
        %add3A_762 = arith.addf %scan3A_740, %mul3A_761 : vector<16xf32>
        %get3A_763 = arith.constant 0 : i32
        %get3A_764 = arith.index_cast %get3A_763 : i32 to index
        %get3A_765 = arith.index_cast %add3A_751 : i32 to index
        %get3A_766 = arith.constant 16 : index
        %get3A_767 = tpu.vector_load %arg9[%get3A_764, %get3A_765, %get3A_766] {strides = array<i32>} : memref<4x200x32xf32, #tpu.memory_space<vmem>>, vector<1x1x16xf32>,
        %get3A_768 = vector.shape_cast %get3A_767 : vector<1x1x16xf32> to vector<16xf32>
        %mul3A_769 = arith.mulf %get3A_754, %get3A_768 : vector<16xf32>
        %add3A_770 = arith.addf %scan3A_741, %mul3A_769 : vector<16xf32>
        %get3A_771 = arith.constant 1 : i32
        %get3A_772 = arith.index_cast %get3A_771 : i32 to index
        %get3A_773 = arith.index_cast %add3A_751 : i32 to index
        %get3A_774 = arith.constant 0 : index
        %get3A_775 = tpu.vector_load %arg9[%get3A_772, %get3A_773, %get3A_774] {strides = array<i32>} : memref<4x200x32xf32, #tpu.memory_space<vmem>>, vector<1x1x16xf32>,
        %get3A_776 = vector.shape_cast %get3A_775 : vector<1x1x16xf32> to vector<16xf32>
        %mul3A_777 = arith.mulf %get3A_754, %get3A_776 : vector<16xf32>
        %add3A_778 = arith.addf %scan3A_742, %mul3A_777 : vector<16xf32>
        %get3A_779 = arith.constant 1 : i32
        %get3A_780 = arith.index_cast %get3A_779 : i32 to index
        %get3A_781 = arith.index_cast %add3A_751 : i32 to index
        %get3A_782 = arith.constant 16 : index
        %get3A_783 = tpu.vector_load %arg9[%get3A_780, %get3A_781, %get3A_782] {strides = array<i32>} : memref<4x200x32xf32, #tpu.memory_space<vmem>>, vector<1x1x16xf32>,
        %get3A_784 = vector.shape_cast %get3A_783 : vector<1x1x16xf32> to vector<16xf32>
        %mul3A_785 = arith.mulf %get3A_754, %get3A_784 : vector<16xf32>
        %add3A_786 = arith.addf %scan3A_743, %mul3A_785 : vector<16xf32>
        %get3A_787 = arith.constant 2 : i32
        %get3A_788 = arith.index_cast %get3A_787 : i32 to index
        %get3A_789 = arith.index_cast %add3A_751 : i32 to index
        %get3A_790 = arith.constant 0 : index
        %get3A_791 = tpu.vector_load %arg9[%get3A_788, %get3A_789, %get3A_790] {strides = array<i32>} : memref<4x200x32xf32, #tpu.memory_space<vmem>>, vector<1x1x16xf32>,
        %get3A_792 = vector.shape_cast %get3A_791 : vector<1x1x16xf32> to vector<16xf32>
        %mul3A_793 = arith.mulf %get3A_754, %get3A_792 : vector<16xf32>
        %add3A_794 = arith.addf %scan3A_744, %mul3A_793 : vector<16xf32>
        %get3A_795 = arith.constant 2 : i32
        %get3A_796 = arith.index_cast %get3A_795 : i32 to index
        %get3A_797 = arith.index_cast %add3A_751 : i32 to index
        %get3A_798 = arith.constant 16 : index
        %get3A_799 = tpu.vector_load %arg9[%get3A_796, %get3A_797, %get3A_798] {strides = array<i32>} : memref<4x200x32xf32, #tpu.memory_space<vmem>>, vector<1x1x16xf32>,
        %get3A_800 = vector.shape_cast %get3A_799 : vector<1x1x16xf32> to vector<16xf32>
        %mul3A_801 = arith.mulf %get3A_754, %get3A_800 : vector<16xf32>
        %add3A_802 = arith.addf %scan3A_745, %mul3A_801 : vector<16xf32>
        %get3A_803 = arith.constant 3 : i32
        %get3A_804 = arith.index_cast %get3A_803 : i32 to index
        %get3A_805 = arith.index_cast %add3A_751 : i32 to index
        %get3A_806 = arith.constant 0 : index
        %get3A_807 = tpu.vector_load %arg9[%get3A_804, %get3A_805, %get3A_806] {strides = array<i32>} : memref<4x200x32xf32, #tpu.memory_space<vmem>>, vector<1x1x16xf32>,
        %get3A_808 = vector.shape_cast %get3A_807 : vector<1x1x16xf32> to vector<16xf32>
        %mul3A_809 = arith.mulf %get3A_754, %get3A_808 : vector<16xf32>
        %add3A_810 = arith.addf %scan3A_746, %mul3A_809 : vector<16xf32>
        %get3A_811 = arith.constant 3 : i32
        %get3A_812 = arith.index_cast %get3A_811 : i32 to index
        %get3A_813 = arith.index_cast %add3A_751 : i32 to index
        %get3A_814 = arith.constant 16 : index
        %get3A_815 = tpu.vector_load %arg9[%get3A_812, %get3A_813, %get3A_814] {strides = array<i32>} : memref<4x200x32xf32, #tpu.memory_space<vmem>>, vector<1x1x16xf32>,
        %get3A_816 = vector.shape_cast %get3A_815 : vector<1x1x16xf32> to vector<16xf32>
        %mul3A_817 = arith.mulf %get3A_754, %get3A_816 : vector<16xf32>
        %add3A_818 = arith.addf %scan3A_747, %mul3A_817 : vector<16xf32>
        %mul3A_819 = arith.constant 8 : i32
        %mul3A_820 = arith.muli %scan3A_739, %mul3A_819 : i32
        %add3A_821 = arith.constant 1 : i32
        %add3A_822 = arith.addi %mul3A_820, %add3A_821 : i32
        %get3A_823 = arith.index_cast %add3A_822 : i32 to index
        %get3A_824 = arith.constant 0 : index
        %get3A_825 = tpu.vector_load %arg7[%get3A_823, %get3A_824] {strides = array<i32>} : memref<200x16xf32, #tpu.memory_space<vmem>>, vector<1x16xf32>,
        %get3A_826 = vector.shape_cast %get3A_825 : vector<1x16xf32> to vector<16xf32>
        %get3A_827 = arith.constant 0 : i32
        %get3A_828 = arith.index_cast %get3A_827 : i32 to index
        %get3A_829 = arith.index_cast %add3A_822 : i32 to index
        %get3A_830 = arith.constant 0 : index
        %get3A_831 = tpu.vector_load %arg9[%get3A_828, %get3A_829, %get3A_830] {strides = array<i32>} : memref<4x200x32xf32, #tpu.memory_space<vmem>>, vector<1x1x16xf32>,
        %get3A_832 = vector.shape_cast %get3A_831 : vector<1x1x16xf32> to vector<16xf32>
        %mul3A_833 = arith.mulf %get3A_826, %get3A_832 : vector<16xf32>
        %add3A_834 = arith.addf %add3A_762, %mul3A_833 : vector<16xf32>
        %get3A_835 = arith.constant 0 : i32
        %get3A_836 = arith.index_cast %get3A_835 : i32 to index
        %get3A_837 = arith.index_cast %add3A_822 : i32 to index
        %get3A_838 = arith.constant 16 : index
        %get3A_839 = tpu.vector_load %arg9[%get3A_836, %get3A_837, %get3A_838] {strides = array<i32>} : memref<4x200x32xf32, #tpu.memory_space<vmem>>, vector<1x1x16xf32>,
        %get3A_840 = vector.shape_cast %get3A_839 : vector<1x1x16xf32> to vector<16xf32>
        %mul3A_841 = arith.mulf %get3A_826, %get3A_840 : vector<16xf32>
        %add3A_842 = arith.addf %add3A_770, %mul3A_841 : vector<16xf32>
        %get3A_843 = arith.constant 1 : i32
        %get3A_844 = arith.index_cast %get3A_843 : i32 to index
        %get3A_845 = arith.index_cast %add3A_822 : i32 to index
        %get3A_846 = arith.constant 0 : index
        %get3A_847 = tpu.vector_load %arg9[%get3A_844, %get3A_845, %get3A_846] {strides = array<i32>} : memref<4x200x32xf32, #tpu.memory_space<vmem>>, vector<1x1x16xf32>,
        %get3A_848 = vector.shape_cast %get3A_847 : vector<1x1x16xf32> to vector<16xf32>
        %mul3A_849 = arith.mulf %get3A_826, %get3A_848 : vector<16xf32>
        %add3A_850 = arith.addf %add3A_778, %mul3A_849 : vector<16xf32>
        %get3A_851 = arith.constant 1 : i32
        %get3A_852 = arith.index_cast %get3A_851 : i32 to index
        %get3A_853 = arith.index_cast %add3A_822 : i32 to index
        %get3A_854 = arith.constant 16 : index
        %get3A_855 = tpu.vector_load %arg9[%get3A_852, %get3A_853, %get3A_854] {strides = array<i32>} : memref<4x200x32xf32, #tpu.memory_space<vmem>>, vector<1x1x16xf32>,
        %get3A_856 = vector.shape_cast %get3A_855 : vector<1x1x16xf32> to vector<16xf32>
        %mul3A_857 = arith.mulf %get3A_826, %get3A_856 : vector<16xf32>
        %add3A_858 = arith.addf %add3A_786, %mul3A_857 : vector<16xf32>
        %get3A_859 = arith.constant 2 : i32
        %get3A_860 = arith.index_cast %get3A_859 : i32 to index
        %get3A_861 = arith.index_cast %add3A_822 : i32 to index
        %get3A_862 = arith.constant 0 : index
        %get3A_863 = tpu.vector_load %arg9[%get3A_860, %get3A_861, %get3A_862] {strides = array<i32>} : memref<4x200x32xf32, #tpu.memory_space<vmem>>, vector<1x1x16xf32>,
        %get3A_864 = vector.shape_cast %get3A_863 : vector<1x1x16xf32> to vector<16xf32>
        %mul3A_865 = arith.mulf %get3A_826, %get3A_864 : vector<16xf32>
        %add3A_866 = arith.addf %add3A_794, %mul3A_865 : vector<16xf32>
        %get3A_867 = arith.constant 2 : i32
        %get3A_868 = arith.index_cast %get3A_867 : i32 to index
        %get3A_869 = arith.index_cast %add3A_822 : i32 to index
        %get3A_870 = arith.constant 16 : index
        %get3A_871 = tpu.vector_load %arg9[%get3A_868, %get3A_869, %get3A_870] {strides = array<i32>} : memref<4x200x32xf32, #tpu.memory_space<vmem>>, vector<1x1x16xf32>,
        %get3A_872 = vector.shape_cast %get3A_871 : vector<1x1x16xf32> to vector<16xf32>
        %mul3A_873 = arith.mulf %get3A_826, %get3A_872 : vector<16xf32>
        %add3A_874 = arith.addf %add3A_802, %mul3A_873 : vector<16xf32>
        %get3A_875 = arith.constant 3 : i32
        %get3A_876 = arith.index_cast %get3A_875 : i32 to index
        %get3A_877 = arith.index_cast %add3A_822 : i32 to index
        %get3A_878 = arith.constant 0 : index
        %get3A_879 = tpu.vector_load %arg9[%get3A_876, %get3A_877, %get3A_878] {strides = array<i32>} : memref<4x200x32xf32, #tpu.memory_space<vmem>>, vector<1x1x16xf32>,
        %get3A_880 = vector.shape_cast %get3A_879 : vector<1x1x16xf32> to vector<16xf32>
        %mul3A_881 = arith.mulf %get3A_826, %get3A_880 : vector<16xf32>
        %add3A_882 = arith.addf %add3A_810, %mul3A_881 : vector<16xf32>
        %get3A_883 = arith.constant 3 : i32
        %get3A_884 = arith.index_cast %get3A_883 : i32 to index
        %get3A_885 = arith.index_cast %add3A_822 : i32 to index
        %get3A_886 = arith.constant 16 : index
        %get3A_887 = tpu.vector_load %arg9[%get3A_884, %get3A_885, %get3A_886] {strides = array<i32>} : memref<4x200x32xf32, #tpu.memory_space<vmem>>, vector<1x1x16xf32>,
        %get3A_888 = vector.shape_cast %get3A_887 : vector<1x1x16xf32> to vector<16xf32>
        %mul3A_889 = arith.mulf %get3A_826, %get3A_888 : vector<16xf32>
        %add3A_890 = arith.addf %add3A_818, %mul3A_889 : vector<16xf32>
        %mul3A_891 = arith.constant 8 : i32
        %mul3A_892 = arith.muli %scan3A_739, %mul3A_891 : i32
        %add3A_893 = arith.constant 2 : i32
        %add3A_894 = arith.addi %mul3A_892, %add3A_893 : i32
        %get3A_895 = arith.index_cast %add3A_894 : i32 to index
        %get3A_896 = arith.constant 0 : index
        %get3A_897 = tpu.vector_load %arg7[%get3A_895, %get3A_896] {strides = array<i32>} : memref<200x16xf32, #tpu.memory_space<vmem>>, vector<1x16xf32>,
        %get3A_898 = vector.shape_cast %get3A_897 : vector<1x16xf32> to vector<16xf32>
        %get3A_899 = arith.constant 0 : i32
        %get3A_900 = arith.index_cast %get3A_899 : i32 to index
        %get3A_901 = arith.index_cast %add3A_894 : i32 to index
        %get3A_902 = arith.constant 0 : index
        %get3A_903 = tpu.vector_load %arg9[%get3A_900, %get3A_901, %get3A_902] {strides = array<i32>} : memref<4x200x32xf32, #tpu.memory_space<vmem>>, vector<1x1x16xf32>,
        %get3A_904 = vector.shape_cast %get3A_903 : vector<1x1x16xf32> to vector<16xf32>
        %mul3A_905 = arith.mulf %get3A_898, %get3A_904 : vector<16xf32>
        %add3A_906 = arith.addf %add3A_834, %mul3A_905 : vector<16xf32>
        %get3A_907 = arith.constant 0 : i32
        %get3A_908 = arith.index_cast %get3A_907 : i32 to index
        %get3A_909 = arith.index_cast %add3A_894 : i32 to index
        %get3A_910 = arith.constant 16 : index
        %get3A_911 = tpu.vector_load %arg9[%get3A_908, %get3A_909, %get3A_910] {strides = array<i32>} : memref<4x200x32xf32, #tpu.memory_space<vmem>>, vector<1x1x16xf32>,
        %get3A_912 = vector.shape_cast %get3A_911 : vector<1x1x16xf32> to vector<16xf32>
        %mul3A_913 = arith.mulf %get3A_898, %get3A_912 : vector<16xf32>
        %add3A_914 = arith.addf %add3A_842, %mul3A_913 : vector<16xf32>
        %get3A_915 = arith.constant 1 : i32
        %get3A_916 = arith.index_cast %get3A_915 : i32 to index
        %get3A_917 = arith.index_cast %add3A_894 : i32 to index
        %get3A_918 = arith.constant 0 : index
        %get3A_919 = tpu.vector_load %arg9[%get3A_916, %get3A_917, %get3A_918] {strides = array<i32>} : memref<4x200x32xf32, #tpu.memory_space<vmem>>, vector<1x1x16xf32>,
        %get3A_920 = vector.shape_cast %get3A_919 : vector<1x1x16xf32> to vector<16xf32>
        %mul3A_921 = arith.mulf %get3A_898, %get3A_920 : vector<16xf32>
        %add3A_922 = arith.addf %add3A_850, %mul3A_921 : vector<16xf32>
        %get3A_923 = arith.constant 1 : i32
        %get3A_924 = arith.index_cast %get3A_923 : i32 to index
        %get3A_925 = arith.index_cast %add3A_894 : i32 to index
        %get3A_926 = arith.constant 16 : index
        %get3A_927 = tpu.vector_load %arg9[%get3A_924, %get3A_925, %get3A_926] {strides = array<i32>} : memref<4x200x32xf32, #tpu.memory_space<vmem>>, vector<1x1x16xf32>,
        %get3A_928 = vector.shape_cast %get3A_927 : vector<1x1x16xf32> to vector<16xf32>
        %mul3A_929 = arith.mulf %get3A_898, %get3A_928 : vector<16xf32>
        %add3A_930 = arith.addf %add3A_858, %mul3A_929 : vector<16xf32>
        %get3A_931 = arith.constant 2 : i32
        %get3A_932 = arith.index_cast %get3A_931 : i32 to index
        %get3A_933 = arith.index_cast %add3A_894 : i32 to index
        %get3A_934 = arith.constant 0 : index
        %get3A_935 = tpu.vector_load %arg9[%get3A_932, %get3A_933, %get3A_934] {strides = array<i32>} : memref<4x200x32xf32, #tpu.memory_space<vmem>>, vector<1x1x16xf32>,
        %get3A_936 = vector.shape_cast %get3A_935 : vector<1x1x16xf32> to vector<16xf32>
        %mul3A_937 = arith.mulf %get3A_898, %get3A_936 : vector<16xf32>
        %add3A_938 = arith.addf %add3A_866, %mul3A_937 : vector<16xf32>
        %get3A_939 = arith.constant 2 : i32
        %get3A_940 = arith.index_cast %get3A_939 : i32 to index
        %get3A_941 = arith.index_cast %add3A_894 : i32 to index
        %get3A_942 = arith.constant 16 : index
        %get3A_943 = tpu.vector_load %arg9[%get3A_940, %get3A_941, %get3A_942] {strides = array<i32>} : memref<4x200x32xf32, #tpu.memory_space<vmem>>, vector<1x1x16xf32>,
        %get3A_944 = vector.shape_cast %get3A_943 : vector<1x1x16xf32> to vector<16xf32>
        %mul3A_945 = arith.mulf %get3A_898, %get3A_944 : vector<16xf32>
        %add3A_946 = arith.addf %add3A_874, %mul3A_945 : vector<16xf32>
        %get3A_947 = arith.constant 3 : i32
        %get3A_948 = arith.index_cast %get3A_947 : i32 to index
        %get3A_949 = arith.index_cast %add3A_894 : i32 to index
        %get3A_950 = arith.constant 0 : index
        %get3A_951 = tpu.vector_load %arg9[%get3A_948, %get3A_949, %get3A_950] {strides = array<i32>} : memref<4x200x32xf32, #tpu.memory_space<vmem>>, vector<1x1x16xf32>,
        %get3A_952 = vector.shape_cast %get3A_951 : vector<1x1x16xf32> to vector<16xf32>
        %mul3A_953 = arith.mulf %get3A_898, %get3A_952 : vector<16xf32>
        %add3A_954 = arith.addf %add3A_882, %mul3A_953 : vector<16xf32>
        %get3A_955 = arith.constant 3 : i32
        %get3A_956 = arith.index_cast %get3A_955 : i32 to index
        %get3A_957 = arith.index_cast %add3A_894 : i32 to index
        %get3A_958 = arith.constant 16 : index
        %get3A_959 = tpu.vector_load %arg9[%get3A_956, %get3A_957, %get3A_958] {strides = array<i32>} : memref<4x200x32xf32, #tpu.memory_space<vmem>>, vector<1x1x16xf32>,
        %get3A_960 = vector.shape_cast %get3A_959 : vector<1x1x16xf32> to vector<16xf32>
        %mul3A_961 = arith.mulf %get3A_898, %get3A_960 : vector<16xf32>
        %add3A_962 = arith.addf %add3A_890, %mul3A_961 : vector<16xf32>
        %mul3A_963 = arith.constant 8 : i32
        %mul3A_964 = arith.muli %scan3A_739, %mul3A_963 : i32
        %add3A_965 = arith.constant 3 : i32
        %add3A_966 = arith.addi %mul3A_964, %add3A_965 : i32
        %get3A_967 = arith.index_cast %add3A_966 : i32 to index
        %get3A_968 = arith.constant 0 : index
        %get3A_969 = tpu.vector_load %arg7[%get3A_967, %get3A_968] {strides = array<i32>} : memref<200x16xf32, #tpu.memory_space<vmem>>, vector<1x16xf32>,
        %get3A_970 = vector.shape_cast %get3A_969 : vector<1x16xf32> to vector<16xf32>
        %get3A_971 = arith.constant 0 : i32
        %get3A_972 = arith.index_cast %get3A_971 : i32 to index
        %get3A_973 = arith.index_cast %add3A_966 : i32 to index
        %get3A_974 = arith.constant 0 : index
        %get3A_975 = tpu.vector_load %arg9[%get3A_972, %get3A_973, %get3A_974] {strides = array<i32>} : memref<4x200x32xf32, #tpu.memory_space<vmem>>, vector<1x1x16xf32>,
        %get3A_976 = vector.shape_cast %get3A_975 : vector<1x1x16xf32> to vector<16xf32>
        %mul3A_977 = arith.mulf %get3A_970, %get3A_976 : vector<16xf32>
        %add3A_978 = arith.addf %add3A_906, %mul3A_977 : vector<16xf32>
        %get3A_979 = arith.constant 0 : i32
        %get3A_980 = arith.index_cast %get3A_979 : i32 to index
        %get3A_981 = arith.index_cast %add3A_966 : i32 to index
        %get3A_982 = arith.constant 16 : index
        %get3A_983 = tpu.vector_load %arg9[%get3A_980, %get3A_981, %get3A_982] {strides = array<i32>} : memref<4x200x32xf32, #tpu.memory_space<vmem>>, vector<1x1x16xf32>,
        %get3A_984 = vector.shape_cast %get3A_983 : vector<1x1x16xf32> to vector<16xf32>
        %mul3A_985 = arith.mulf %get3A_970, %get3A_984 : vector<16xf32>
        %add3A_986 = arith.addf %add3A_914, %mul3A_985 : vector<16xf32>
        %get3A_987 = arith.constant 1 : i32
        %get3A_988 = arith.index_cast %get3A_987 : i32 to index
        %get3A_989 = arith.index_cast %add3A_966 : i32 to index
        %get3A_990 = arith.constant 0 : index
        %get3A_991 = tpu.vector_load %arg9[%get3A_988, %get3A_989, %get3A_990] {strides = array<i32>} : memref<4x200x32xf32, #tpu.memory_space<vmem>>, vector<1x1x16xf32>,
        %get3A_992 = vector.shape_cast %get3A_991 : vector<1x1x16xf32> to vector<16xf32>
        %mul3A_993 = arith.mulf %get3A_970, %get3A_992 : vector<16xf32>
        %add3A_994 = arith.addf %add3A_922, %mul3A_993 : vector<16xf32>
        %get3A_995 = arith.constant 1 : i32
        %get3A_996 = arith.index_cast %get3A_995 : i32 to index
        %get3A_997 = arith.index_cast %add3A_966 : i32 to index
        %get3A_998 = arith.constant 16 : index
        %get3A_999 = tpu.vector_load %arg9[%get3A_996, %get3A_997, %get3A_998] {strides = array<i32>} : memref<4x200x32xf32, #tpu.memory_space<vmem>>, vector<1x1x16xf32>,
        %get3A_1000 = vector.shape_cast %get3A_999 : vector<1x1x16xf32> to vector<16xf32>
        %mul3A_1001 = arith.mulf %get3A_970, %get3A_1000 : vector<16xf32>
        %add3A_1002 = arith.addf %add3A_930, %mul3A_1001 : vector<16xf32>
        %get3A_1003 = arith.constant 2 : i32
        %get3A_1004 = arith.index_cast %get3A_1003 : i32 to index
        %get3A_1005 = arith.index_cast %add3A_966 : i32 to index
        %get3A_1006 = arith.constant 0 : index
        %get3A_1007 = tpu.vector_load %arg9[%get3A_1004, %get3A_1005, %get3A_1006] {strides = array<i32>} : memref<4x200x32xf32, #tpu.memory_space<vmem>>, vector<1x1x16xf32>,
        %get3A_1008 = vector.shape_cast %get3A_1007 : vector<1x1x16xf32> to vector<16xf32>
        %mul3A_1009 = arith.mulf %get3A_970, %get3A_1008 : vector<16xf32>
        %add3A_1010 = arith.addf %add3A_938, %mul3A_1009 : vector<16xf32>
        %get3A_1011 = arith.constant 2 : i32
        %get3A_1012 = arith.index_cast %get3A_1011 : i32 to index
        %get3A_1013 = arith.index_cast %add3A_966 : i32 to index
        %get3A_1014 = arith.constant 16 : index
        %get3A_1015 = tpu.vector_load %arg9[%get3A_1012, %get3A_1013, %get3A_1014] {strides = array<i32>} : memref<4x200x32xf32, #tpu.memory_space<vmem>>, vector<1x1x16xf32>,
        %get3A_1016 = vector.shape_cast %get3A_1015 : vector<1x1x16xf32> to vector<16xf32>
        %mul3A_1017 = arith.mulf %get3A_970, %get3A_1016 : vector<16xf32>
        %add3A_1018 = arith.addf %add3A_946, %mul3A_1017 : vector<16xf32>
        %get3A_1019 = arith.constant 3 : i32
        %get3A_1020 = arith.index_cast %get3A_1019 : i32 to index
        %get3A_1021 = arith.index_cast %add3A_966 : i32 to index
        %get3A_1022 = arith.constant 0 : index
        %get3A_1023 = tpu.vector_load %arg9[%get3A_1020, %get3A_1021, %get3A_1022] {strides = array<i32>} : memref<4x200x32xf32, #tpu.memory_space<vmem>>, vector<1x1x16xf32>,
        %get3A_1024 = vector.shape_cast %get3A_1023 : vector<1x1x16xf32> to vector<16xf32>
        %mul3A_1025 = arith.mulf %get3A_970, %get3A_1024 : vector<16xf32>
        %add3A_1026 = arith.addf %add3A_954, %mul3A_1025 : vector<16xf32>
        %get3A_1027 = arith.constant 3 : i32
        %get3A_1028 = arith.index_cast %get3A_1027 : i32 to index
        %get3A_1029 = arith.index_cast %add3A_966 : i32 to index
        %get3A_1030 = arith.constant 16 : index
        %get3A_1031 = tpu.vector_load %arg9[%get3A_1028, %get3A_1029, %get3A_1030] {strides = array<i32>} : memref<4x200x32xf32, #tpu.memory_space<vmem>>, vector<1x1x16xf32>,
        %get3A_1032 = vector.shape_cast %get3A_1031 : vector<1x1x16xf32> to vector<16xf32>
        %mul3A_1033 = arith.mulf %get3A_970, %get3A_1032 : vector<16xf32>
        %add3A_1034 = arith.addf %add3A_962, %mul3A_1033 : vector<16xf32>
        %mul3A_1035 = arith.constant 8 : i32
        %mul3A_1036 = arith.muli %scan3A_739, %mul3A_1035 : i32
        %add3A_1037 = arith.constant 4 : i32
        %add3A_1038 = arith.addi %mul3A_1036, %add3A_1037 : i32
        %get3A_1039 = arith.index_cast %add3A_1038 : i32 to index
        %get3A_1040 = arith.constant 0 : index
        %get3A_1041 = tpu.vector_load %arg7[%get3A_1039, %get3A_1040] {strides = array<i32>} : memref<200x16xf32, #tpu.memory_space<vmem>>, vector<1x16xf32>,
        %get3A_1042 = vector.shape_cast %get3A_1041 : vector<1x16xf32> to vector<16xf32>
        %get3A_1043 = arith.constant 0 : i32
        %get3A_1044 = arith.index_cast %get3A_1043 : i32 to index
        %get3A_1045 = arith.index_cast %add3A_1038 : i32 to index
        %get3A_1046 = arith.constant 0 : index
        %get3A_1047 = tpu.vector_load %arg9[%get3A_1044, %get3A_1045, %get3A_1046] {strides = array<i32>} : memref<4x200x32xf32, #tpu.memory_space<vmem>>, vector<1x1x16xf32>,
        %get3A_1048 = vector.shape_cast %get3A_1047 : vector<1x1x16xf32> to vector<16xf32>
        %mul3A_1049 = arith.mulf %get3A_1042, %get3A_1048 : vector<16xf32>
        %add3A_1050 = arith.addf %add3A_978, %mul3A_1049 : vector<16xf32>
        %get3A_1051 = arith.constant 0 : i32
        %get3A_1052 = arith.index_cast %get3A_1051 : i32 to index
        %get3A_1053 = arith.index_cast %add3A_1038 : i32 to index
        %get3A_1054 = arith.constant 16 : index
        %get3A_1055 = tpu.vector_load %arg9[%get3A_1052, %get3A_1053, %get3A_1054] {strides = array<i32>} : memref<4x200x32xf32, #tpu.memory_space<vmem>>, vector<1x1x16xf32>,
        %get3A_1056 = vector.shape_cast %get3A_1055 : vector<1x1x16xf32> to vector<16xf32>
        %mul3A_1057 = arith.mulf %get3A_1042, %get3A_1056 : vector<16xf32>
        %add3A_1058 = arith.addf %add3A_986, %mul3A_1057 : vector<16xf32>
        %get3A_1059 = arith.constant 1 : i32
        %get3A_1060 = arith.index_cast %get3A_1059 : i32 to index
        %get3A_1061 = arith.index_cast %add3A_1038 : i32 to index
        %get3A_1062 = arith.constant 0 : index
        %get3A_1063 = tpu.vector_load %arg9[%get3A_1060, %get3A_1061, %get3A_1062] {strides = array<i32>} : memref<4x200x32xf32, #tpu.memory_space<vmem>>, vector<1x1x16xf32>,
        %get3A_1064 = vector.shape_cast %get3A_1063 : vector<1x1x16xf32> to vector<16xf32>
        %mul3A_1065 = arith.mulf %get3A_1042, %get3A_1064 : vector<16xf32>
        %add3A_1066 = arith.addf %add3A_994, %mul3A_1065 : vector<16xf32>
        %get3A_1067 = arith.constant 1 : i32
        %get3A_1068 = arith.index_cast %get3A_1067 : i32 to index
        %get3A_1069 = arith.index_cast %add3A_1038 : i32 to index
        %get3A_1070 = arith.constant 16 : index
        %get3A_1071 = tpu.vector_load %arg9[%get3A_1068, %get3A_1069, %get3A_1070] {strides = array<i32>} : memref<4x200x32xf32, #tpu.memory_space<vmem>>, vector<1x1x16xf32>,
        %get3A_1072 = vector.shape_cast %get3A_1071 : vector<1x1x16xf32> to vector<16xf32>
        %mul3A_1073 = arith.mulf %get3A_1042, %get3A_1072 : vector<16xf32>
        %add3A_1074 = arith.addf %add3A_1002, %mul3A_1073 : vector<16xf32>
        %get3A_1075 = arith.constant 2 : i32
        %get3A_1076 = arith.index_cast %get3A_1075 : i32 to index
        %get3A_1077 = arith.index_cast %add3A_1038 : i32 to index
        %get3A_1078 = arith.constant 0 : index
        %get3A_1079 = tpu.vector_load %arg9[%get3A_1076, %get3A_1077, %get3A_1078] {strides = array<i32>} : memref<4x200x32xf32, #tpu.memory_space<vmem>>, vector<1x1x16xf32>,
        %get3A_1080 = vector.shape_cast %get3A_1079 : vector<1x1x16xf32> to vector<16xf32>
        %mul3A_1081 = arith.mulf %get3A_1042, %get3A_1080 : vector<16xf32>
        %add3A_1082 = arith.addf %add3A_1010, %mul3A_1081 : vector<16xf32>
        %get3A_1083 = arith.constant 2 : i32
        %get3A_1084 = arith.index_cast %get3A_1083 : i32 to index
        %get3A_1085 = arith.index_cast %add3A_1038 : i32 to index
        %get3A_1086 = arith.constant 16 : index
        %get3A_1087 = tpu.vector_load %arg9[%get3A_1084, %get3A_1085, %get3A_1086] {strides = array<i32>} : memref<4x200x32xf32, #tpu.memory_space<vmem>>, vector<1x1x16xf32>,
        %get3A_1088 = vector.shape_cast %get3A_1087 : vector<1x1x16xf32> to vector<16xf32>
        %mul3A_1089 = arith.mulf %get3A_1042, %get3A_1088 : vector<16xf32>
        %add3A_1090 = arith.addf %add3A_1018, %mul3A_1089 : vector<16xf32>
        %get3A_1091 = arith.constant 3 : i32
        %get3A_1092 = arith.index_cast %get3A_1091 : i32 to index
        %get3A_1093 = arith.index_cast %add3A_1038 : i32 to index
        %get3A_1094 = arith.constant 0 : index
        %get3A_1095 = tpu.vector_load %arg9[%get3A_1092, %get3A_1093, %get3A_1094] {strides = array<i32>} : memref<4x200x32xf32, #tpu.memory_space<vmem>>, vector<1x1x16xf32>,
        %get3A_1096 = vector.shape_cast %get3A_1095 : vector<1x1x16xf32> to vector<16xf32>
        %mul3A_1097 = arith.mulf %get3A_1042, %get3A_1096 : vector<16xf32>
        %add3A_1098 = arith.addf %add3A_1026, %mul3A_1097 : vector<16xf32>
        %get3A_1099 = arith.constant 3 : i32
        %get3A_1100 = arith.index_cast %get3A_1099 : i32 to index
        %get3A_1101 = arith.index_cast %add3A_1038 : i32 to index
        %get3A_1102 = arith.constant 16 : index
        %get3A_1103 = tpu.vector_load %arg9[%get3A_1100, %get3A_1101, %get3A_1102] {strides = array<i32>} : memref<4x200x32xf32, #tpu.memory_space<vmem>>, vector<1x1x16xf32>,
        %get3A_1104 = vector.shape_cast %get3A_1103 : vector<1x1x16xf32> to vector<16xf32>
        %mul3A_1105 = arith.mulf %get3A_1042, %get3A_1104 : vector<16xf32>
        %add3A_1106 = arith.addf %add3A_1034, %mul3A_1105 : vector<16xf32>
        %mul3A_1107 = arith.constant 8 : i32
        %mul3A_1108 = arith.muli %scan3A_739, %mul3A_1107 : i32
        %add3A_1109 = arith.constant 5 : i32
        %add3A_1110 = arith.addi %mul3A_1108, %add3A_1109 : i32
        %get3A_1111 = arith.index_cast %add3A_1110 : i32 to index
        %get3A_1112 = arith.constant 0 : index
        %get3A_1113 = tpu.vector_load %arg7[%get3A_1111, %get3A_1112] {strides = array<i32>} : memref<200x16xf32, #tpu.memory_space<vmem>>, vector<1x16xf32>,
        %get3A_1114 = vector.shape_cast %get3A_1113 : vector<1x16xf32> to vector<16xf32>
        %get3A_1115 = arith.constant 0 : i32
        %get3A_1116 = arith.index_cast %get3A_1115 : i32 to index
        %get3A_1117 = arith.index_cast %add3A_1110 : i32 to index
        %get3A_1118 = arith.constant 0 : index
        %get3A_1119 = tpu.vector_load %arg9[%get3A_1116, %get3A_1117, %get3A_1118] {strides = array<i32>} : memref<4x200x32xf32, #tpu.memory_space<vmem>>, vector<1x1x16xf32>,
        %get3A_1120 = vector.shape_cast %get3A_1119 : vector<1x1x16xf32> to vector<16xf32>
        %mul3A_1121 = arith.mulf %get3A_1114, %get3A_1120 : vector<16xf32>
        %add3A_1122 = arith.addf %add3A_1050, %mul3A_1121 : vector<16xf32>
        %get3A_1123 = arith.constant 0 : i32
        %get3A_1124 = arith.index_cast %get3A_1123 : i32 to index
        %get3A_1125 = arith.index_cast %add3A_1110 : i32 to index
        %get3A_1126 = arith.constant 16 : index
        %get3A_1127 = tpu.vector_load %arg9[%get3A_1124, %get3A_1125, %get3A_1126] {strides = array<i32>} : memref<4x200x32xf32, #tpu.memory_space<vmem>>, vector<1x1x16xf32>,
        %get3A_1128 = vector.shape_cast %get3A_1127 : vector<1x1x16xf32> to vector<16xf32>
        %mul3A_1129 = arith.mulf %get3A_1114, %get3A_1128 : vector<16xf32>
        %add3A_1130 = arith.addf %add3A_1058, %mul3A_1129 : vector<16xf32>
        %get3A_1131 = arith.constant 1 : i32
        %get3A_1132 = arith.index_cast %get3A_1131 : i32 to index
        %get3A_1133 = arith.index_cast %add3A_1110 : i32 to index
        %get3A_1134 = arith.constant 0 : index
        %get3A_1135 = tpu.vector_load %arg9[%get3A_1132, %get3A_1133, %get3A_1134] {strides = array<i32>} : memref<4x200x32xf32, #tpu.memory_space<vmem>>, vector<1x1x16xf32>,
        %get3A_1136 = vector.shape_cast %get3A_1135 : vector<1x1x16xf32> to vector<16xf32>
        %mul3A_1137 = arith.mulf %get3A_1114, %get3A_1136 : vector<16xf32>
        %add3A_1138 = arith.addf %add3A_1066, %mul3A_1137 : vector<16xf32>
        %get3A_1139 = arith.constant 1 : i32
        %get3A_1140 = arith.index_cast %get3A_1139 : i32 to index
        %get3A_1141 = arith.index_cast %add3A_1110 : i32 to index
        %get3A_1142 = arith.constant 16 : index
        %get3A_1143 = tpu.vector_load %arg9[%get3A_1140, %get3A_1141, %get3A_1142] {strides = array<i32>} : memref<4x200x32xf32, #tpu.memory_space<vmem>>, vector<1x1x16xf32>,
        %get3A_1144 = vector.shape_cast %get3A_1143 : vector<1x1x16xf32> to vector<16xf32>
        %mul3A_1145 = arith.mulf %get3A_1114, %get3A_1144 : vector<16xf32>
        %add3A_1146 = arith.addf %add3A_1074, %mul3A_1145 : vector<16xf32>
        %get3A_1147 = arith.constant 2 : i32
        %get3A_1148 = arith.index_cast %get3A_1147 : i32 to index
        %get3A_1149 = arith.index_cast %add3A_1110 : i32 to index
        %get3A_1150 = arith.constant 0 : index
        %get3A_1151 = tpu.vector_load %arg9[%get3A_1148, %get3A_1149, %get3A_1150] {strides = array<i32>} : memref<4x200x32xf32, #tpu.memory_space<vmem>>, vector<1x1x16xf32>,
        %get3A_1152 = vector.shape_cast %get3A_1151 : vector<1x1x16xf32> to vector<16xf32>
        %mul3A_1153 = arith.mulf %get3A_1114, %get3A_1152 : vector<16xf32>
        %add3A_1154 = arith.addf %add3A_1082, %mul3A_1153 : vector<16xf32>
        %get3A_1155 = arith.constant 2 : i32
        %get3A_1156 = arith.index_cast %get3A_1155 : i32 to index
        %get3A_1157 = arith.index_cast %add3A_1110 : i32 to index
        %get3A_1158 = arith.constant 16 : index
        %get3A_1159 = tpu.vector_load %arg9[%get3A_1156, %get3A_1157, %get3A_1158] {strides = array<i32>} : memref<4x200x32xf32, #tpu.memory_space<vmem>>, vector<1x1x16xf32>,
        %get3A_1160 = vector.shape_cast %get3A_1159 : vector<1x1x16xf32> to vector<16xf32>
        %mul3A_1161 = arith.mulf %get3A_1114, %get3A_1160 : vector<16xf32>
        %add3A_1162 = arith.addf %add3A_1090, %mul3A_1161 : vector<16xf32>
        %get3A_1163 = arith.constant 3 : i32
        %get3A_1164 = arith.index_cast %get3A_1163 : i32 to index
        %get3A_1165 = arith.index_cast %add3A_1110 : i32 to index
        %get3A_1166 = arith.constant 0 : index
        %get3A_1167 = tpu.vector_load %arg9[%get3A_1164, %get3A_1165, %get3A_1166] {strides = array<i32>} : memref<4x200x32xf32, #tpu.memory_space<vmem>>, vector<1x1x16xf32>,
        %get3A_1168 = vector.shape_cast %get3A_1167 : vector<1x1x16xf32> to vector<16xf32>
        %mul3A_1169 = arith.mulf %get3A_1114, %get3A_1168 : vector<16xf32>
        %add3A_1170 = arith.addf %add3A_1098, %mul3A_1169 : vector<16xf32>
        %get3A_1171 = arith.constant 3 : i32
        %get3A_1172 = arith.index_cast %get3A_1171 : i32 to index
        %get3A_1173 = arith.index_cast %add3A_1110 : i32 to index
        %get3A_1174 = arith.constant 16 : index
        %get3A_1175 = tpu.vector_load %arg9[%get3A_1172, %get3A_1173, %get3A_1174] {strides = array<i32>} : memref<4x200x32xf32, #tpu.memory_space<vmem>>, vector<1x1x16xf32>,
        %get3A_1176 = vector.shape_cast %get3A_1175 : vector<1x1x16xf32> to vector<16xf32>
        %mul3A_1177 = arith.mulf %get3A_1114, %get3A_1176 : vector<16xf32>
        %add3A_1178 = arith.addf %add3A_1106, %mul3A_1177 : vector<16xf32>
        %mul3A_1179 = arith.constant 8 : i32
        %mul3A_1180 = arith.muli %scan3A_739, %mul3A_1179 : i32
        %add3A_1181 = arith.constant 6 : i32
        %add3A_1182 = arith.addi %mul3A_1180, %add3A_1181 : i32
        %get3A_1183 = arith.index_cast %add3A_1182 : i32 to index
        %get3A_1184 = arith.constant 0 : index
        %get3A_1185 = tpu.vector_load %arg7[%get3A_1183, %get3A_1184] {strides = array<i32>} : memref<200x16xf32, #tpu.memory_space<vmem>>, vector<1x16xf32>,
        %get3A_1186 = vector.shape_cast %get3A_1185 : vector<1x16xf32> to vector<16xf32>
        %get3A_1187 = arith.constant 0 : i32
        %get3A_1188 = arith.index_cast %get3A_1187 : i32 to index
        %get3A_1189 = arith.index_cast %add3A_1182 : i32 to index
        %get3A_1190 = arith.constant 0 : index
        %get3A_1191 = tpu.vector_load %arg9[%get3A_1188, %get3A_1189, %get3A_1190] {strides = array<i32>} : memref<4x200x32xf32, #tpu.memory_space<vmem>>, vector<1x1x16xf32>,
        %get3A_1192 = vector.shape_cast %get3A_1191 : vector<1x1x16xf32> to vector<16xf32>
        %mul3A_1193 = arith.mulf %get3A_1186, %get3A_1192 : vector<16xf32>
        %add3A_1194 = arith.addf %add3A_1122, %mul3A_1193 : vector<16xf32>
        %get3A_1195 = arith.constant 0 : i32
        %get3A_1196 = arith.index_cast %get3A_1195 : i32 to index
        %get3A_1197 = arith.index_cast %add3A_1182 : i32 to index
        %get3A_1198 = arith.constant 16 : index
        %get3A_1199 = tpu.vector_load %arg9[%get3A_1196, %get3A_1197, %get3A_1198] {strides = array<i32>} : memref<4x200x32xf32, #tpu.memory_space<vmem>>, vector<1x1x16xf32>,
        %get3A_1200 = vector.shape_cast %get3A_1199 : vector<1x1x16xf32> to vector<16xf32>
        %mul3A_1201 = arith.mulf %get3A_1186, %get3A_1200 : vector<16xf32>
        %add3A_1202 = arith.addf %add3A_1130, %mul3A_1201 : vector<16xf32>
        %get3A_1203 = arith.constant 1 : i32
        %get3A_1204 = arith.index_cast %get3A_1203 : i32 to index
        %get3A_1205 = arith.index_cast %add3A_1182 : i32 to index
        %get3A_1206 = arith.constant 0 : index
        %get3A_1207 = tpu.vector_load %arg9[%get3A_1204, %get3A_1205, %get3A_1206] {strides = array<i32>} : memref<4x200x32xf32, #tpu.memory_space<vmem>>, vector<1x1x16xf32>,
        %get3A_1208 = vector.shape_cast %get3A_1207 : vector<1x1x16xf32> to vector<16xf32>
        %mul3A_1209 = arith.mulf %get3A_1186, %get3A_1208 : vector<16xf32>
        %add3A_1210 = arith.addf %add3A_1138, %mul3A_1209 : vector<16xf32>
        %get3A_1211 = arith.constant 1 : i32
        %get3A_1212 = arith.index_cast %get3A_1211 : i32 to index
        %get3A_1213 = arith.index_cast %add3A_1182 : i32 to index
        %get3A_1214 = arith.constant 16 : index
        %get3A_1215 = tpu.vector_load %arg9[%get3A_1212, %get3A_1213, %get3A_1214] {strides = array<i32>} : memref<4x200x32xf32, #tpu.memory_space<vmem>>, vector<1x1x16xf32>,
        %get3A_1216 = vector.shape_cast %get3A_1215 : vector<1x1x16xf32> to vector<16xf32>
        %mul3A_1217 = arith.mulf %get3A_1186, %get3A_1216 : vector<16xf32>
        %add3A_1218 = arith.addf %add3A_1146, %mul3A_1217 : vector<16xf32>
        %get3A_1219 = arith.constant 2 : i32
        %get3A_1220 = arith.index_cast %get3A_1219 : i32 to index
        %get3A_1221 = arith.index_cast %add3A_1182 : i32 to index
        %get3A_1222 = arith.constant 0 : index
        %get3A_1223 = tpu.vector_load %arg9[%get3A_1220, %get3A_1221, %get3A_1222] {strides = array<i32>} : memref<4x200x32xf32, #tpu.memory_space<vmem>>, vector<1x1x16xf32>,
        %get3A_1224 = vector.shape_cast %get3A_1223 : vector<1x1x16xf32> to vector<16xf32>
        %mul3A_1225 = arith.mulf %get3A_1186, %get3A_1224 : vector<16xf32>
        %add3A_1226 = arith.addf %add3A_1154, %mul3A_1225 : vector<16xf32>
        %get3A_1227 = arith.constant 2 : i32
        %get3A_1228 = arith.index_cast %get3A_1227 : i32 to index
        %get3A_1229 = arith.index_cast %add3A_1182 : i32 to index
        %get3A_1230 = arith.constant 16 : index
        %get3A_1231 = tpu.vector_load %arg9[%get3A_1228, %get3A_1229, %get3A_1230] {strides = array<i32>} : memref<4x200x32xf32, #tpu.memory_space<vmem>>, vector<1x1x16xf32>,
        %get3A_1232 = vector.shape_cast %get3A_1231 : vector<1x1x16xf32> to vector<16xf32>
        %mul3A_1233 = arith.mulf %get3A_1186, %get3A_1232 : vector<16xf32>
        %add3A_1234 = arith.addf %add3A_1162, %mul3A_1233 : vector<16xf32>
        %get3A_1235 = arith.constant 3 : i32
        %get3A_1236 = arith.index_cast %get3A_1235 : i32 to index
        %get3A_1237 = arith.index_cast %add3A_1182 : i32 to index
        %get3A_1238 = arith.constant 0 : index
        %get3A_1239 = tpu.vector_load %arg9[%get3A_1236, %get3A_1237, %get3A_1238] {strides = array<i32>} : memref<4x200x32xf32, #tpu.memory_space<vmem>>, vector<1x1x16xf32>,
        %get3A_1240 = vector.shape_cast %get3A_1239 : vector<1x1x16xf32> to vector<16xf32>
        %mul3A_1241 = arith.mulf %get3A_1186, %get3A_1240 : vector<16xf32>
        %add3A_1242 = arith.addf %add3A_1170, %mul3A_1241 : vector<16xf32>
        %get3A_1243 = arith.constant 3 : i32
        %get3A_1244 = arith.index_cast %get3A_1243 : i32 to index
        %get3A_1245 = arith.index_cast %add3A_1182 : i32 to index
        %get3A_1246 = arith.constant 16 : index
        %get3A_1247 = tpu.vector_load %arg9[%get3A_1244, %get3A_1245, %get3A_1246] {strides = array<i32>} : memref<4x200x32xf32, #tpu.memory_space<vmem>>, vector<1x1x16xf32>,
        %get3A_1248 = vector.shape_cast %get3A_1247 : vector<1x1x16xf32> to vector<16xf32>
        %mul3A_1249 = arith.mulf %get3A_1186, %get3A_1248 : vector<16xf32>
        %add3A_1250 = arith.addf %add3A_1178, %mul3A_1249 : vector<16xf32>
        %mul3A_1251 = arith.constant 8 : i32
        %mul3A_1252 = arith.muli %scan3A_739, %mul3A_1251 : i32
        %add3A_1253 = arith.constant 7 : i32
        %add3A_1254 = arith.addi %mul3A_1252, %add3A_1253 : i32
        %get3A_1255 = arith.index_cast %add3A_1254 : i32 to index
        %get3A_1256 = arith.constant 0 : index
        %get3A_1257 = tpu.vector_load %arg7[%get3A_1255, %get3A_1256] {strides = array<i32>} : memref<200x16xf32, #tpu.memory_space<vmem>>, vector<1x16xf32>,
        %get3A_1258 = vector.shape_cast %get3A_1257 : vector<1x16xf32> to vector<16xf32>
        %get3A_1259 = arith.constant 0 : i32
        %get3A_1260 = arith.index_cast %get3A_1259 : i32 to index
        %get3A_1261 = arith.index_cast %add3A_1254 : i32 to index
        %get3A_1262 = arith.constant 0 : index
        %get3A_1263 = tpu.vector_load %arg9[%get3A_1260, %get3A_1261, %get3A_1262] {strides = array<i32>} : memref<4x200x32xf32, #tpu.memory_space<vmem>>, vector<1x1x16xf32>,
        %get3A_1264 = vector.shape_cast %get3A_1263 : vector<1x1x16xf32> to vector<16xf32>
        %mul3A_1265 = arith.mulf %get3A_1258, %get3A_1264 : vector<16xf32>
        %add3A_1266 = arith.addf %add3A_1194, %mul3A_1265 : vector<16xf32>
        %get3A_1267 = arith.constant 0 : i32
        %get3A_1268 = arith.index_cast %get3A_1267 : i32 to index
        %get3A_1269 = arith.index_cast %add3A_1254 : i32 to index
        %get3A_1270 = arith.constant 16 : index
        %get3A_1271 = tpu.vector_load %arg9[%get3A_1268, %get3A_1269, %get3A_1270] {strides = array<i32>} : memref<4x200x32xf32, #tpu.memory_space<vmem>>, vector<1x1x16xf32>,
        %get3A_1272 = vector.shape_cast %get3A_1271 : vector<1x1x16xf32> to vector<16xf32>
        %mul3A_1273 = arith.mulf %get3A_1258, %get3A_1272 : vector<16xf32>
        %add3A_1274 = arith.addf %add3A_1202, %mul3A_1273 : vector<16xf32>
        %get3A_1275 = arith.constant 1 : i32
        %get3A_1276 = arith.index_cast %get3A_1275 : i32 to index
        %get3A_1277 = arith.index_cast %add3A_1254 : i32 to index
        %get3A_1278 = arith.constant 0 : index
        %get3A_1279 = tpu.vector_load %arg9[%get3A_1276, %get3A_1277, %get3A_1278] {strides = array<i32>} : memref<4x200x32xf32, #tpu.memory_space<vmem>>, vector<1x1x16xf32>,
        %get3A_1280 = vector.shape_cast %get3A_1279 : vector<1x1x16xf32> to vector<16xf32>
        %mul3A_1281 = arith.mulf %get3A_1258, %get3A_1280 : vector<16xf32>
        %add3A_1282 = arith.addf %add3A_1210, %mul3A_1281 : vector<16xf32>
        %get3A_1283 = arith.constant 1 : i32
        %get3A_1284 = arith.index_cast %get3A_1283 : i32 to index
        %get3A_1285 = arith.index_cast %add3A_1254 : i32 to index
        %get3A_1286 = arith.constant 16 : index
        %get3A_1287 = tpu.vector_load %arg9[%get3A_1284, %get3A_1285, %get3A_1286] {strides = array<i32>} : memref<4x200x32xf32, #tpu.memory_space<vmem>>, vector<1x1x16xf32>,
        %get3A_1288 = vector.shape_cast %get3A_1287 : vector<1x1x16xf32> to vector<16xf32>
        %mul3A_1289 = arith.mulf %get3A_1258, %get3A_1288 : vector<16xf32>
        %add3A_1290 = arith.addf %add3A_1218, %mul3A_1289 : vector<16xf32>
        %get3A_1291 = arith.constant 2 : i32
        %get3A_1292 = arith.index_cast %get3A_1291 : i32 to index
        %get3A_1293 = arith.index_cast %add3A_1254 : i32 to index
        %get3A_1294 = arith.constant 0 : index
        %get3A_1295 = tpu.vector_load %arg9[%get3A_1292, %get3A_1293, %get3A_1294] {strides = array<i32>} : memref<4x200x32xf32, #tpu.memory_space<vmem>>, vector<1x1x16xf32>,
        %get3A_1296 = vector.shape_cast %get3A_1295 : vector<1x1x16xf32> to vector<16xf32>
        %mul3A_1297 = arith.mulf %get3A_1258, %get3A_1296 : vector<16xf32>
        %add3A_1298 = arith.addf %add3A_1226, %mul3A_1297 : vector<16xf32>
        %get3A_1299 = arith.constant 2 : i32
        %get3A_1300 = arith.index_cast %get3A_1299 : i32 to index
        %get3A_1301 = arith.index_cast %add3A_1254 : i32 to index
        %get3A_1302 = arith.constant 16 : index
        %get3A_1303 = tpu.vector_load %arg9[%get3A_1300, %get3A_1301, %get3A_1302] {strides = array<i32>} : memref<4x200x32xf32, #tpu.memory_space<vmem>>, vector<1x1x16xf32>,
        %get3A_1304 = vector.shape_cast %get3A_1303 : vector<1x1x16xf32> to vector<16xf32>
        %mul3A_1305 = arith.mulf %get3A_1258, %get3A_1304 : vector<16xf32>
        %add3A_1306 = arith.addf %add3A_1234, %mul3A_1305 : vector<16xf32>
        %get3A_1307 = arith.constant 3 : i32
        %get3A_1308 = arith.index_cast %get3A_1307 : i32 to index
        %get3A_1309 = arith.index_cast %add3A_1254 : i32 to index
        %get3A_1310 = arith.constant 0 : index
        %get3A_1311 = tpu.vector_load %arg9[%get3A_1308, %get3A_1309, %get3A_1310] {strides = array<i32>} : memref<4x200x32xf32, #tpu.memory_space<vmem>>, vector<1x1x16xf32>,
        %get3A_1312 = vector.shape_cast %get3A_1311 : vector<1x1x16xf32> to vector<16xf32>
        %mul3A_1313 = arith.mulf %get3A_1258, %get3A_1312 : vector<16xf32>
        %add3A_1314 = arith.addf %add3A_1242, %mul3A_1313 : vector<16xf32>
        %get3A_1315 = arith.constant 3 : i32
        %get3A_1316 = arith.index_cast %get3A_1315 : i32 to index
        %get3A_1317 = arith.index_cast %add3A_1254 : i32 to index
        %get3A_1318 = arith.constant 16 : index
        %get3A_1319 = tpu.vector_load %arg9[%get3A_1316, %get3A_1317, %get3A_1318] {strides = array<i32>} : memref<4x200x32xf32, #tpu.memory_space<vmem>>, vector<1x1x16xf32>,
        %get3A_1320 = vector.shape_cast %get3A_1319 : vector<1x1x16xf32> to vector<16xf32>
        %mul3A_1321 = arith.mulf %get3A_1258, %get3A_1320 : vector<16xf32>
        %add3A_1322 = arith.addf %add3A_1250, %mul3A_1321 : vector<16xf32>
        scf.yield %add3A_1266, %add3A_1274, %add3A_1282, %add3A_1290, %add3A_1298, %add3A_1306, %add3A_1314, %add3A_1322 : vector<16xf32>, vector<16xf32>, vector<16xf32>, vector<16xf32>, vector<16xf32>, vector<16xf32>, vector<16xf32>, vector<16xf32>
      }
      %scan3A_530 = arith.constant 25 : i32
      %mul3A_531 = arith.constant 4 : i32
      %mul3A_532 = arith.muli %add3A_411, %mul3A_531 : i32
      %add3A_533 = arith.constant 0 : i32
      %add3A_534 = arith.addi %mul3A_532, %add3A_533 : i32
      %abs3A_535 = math.absf %scan3A_529#0 : vector<16xf32>
      %mul3A_536 = arith.constant -2.000000e+00 : f32
      %mul3A_537 = vector.broadcast %mul3A_536 : f32 to vector<16xf32>
      %mul3A_538 = arith.mulf %mul3A_537, %abs3A_535 : vector<16xf32>
      %exp3A_539 = math.exp %mul3A_538 : vector<16xf32>
      %sub3A_540 = arith.constant 1.000000e+00 : f32
      %sub3A_541 = vector.broadcast %sub3A_540 : f32 to vector<16xf32>
      %sub3A_542 = arith.subf %sub3A_541, %exp3A_539 : vector<16xf32>
      %add3A_543 = arith.constant 1.000000e+00 : f32
      %add3A_544 = vector.broadcast %add3A_543 : f32 to vector<16xf32>
      %add3A_545 = arith.addf %add3A_544, %exp3A_539 : vector<16xf32>
      %div3A_546 = arith.divf %sub3A_542, %add3A_545 : vector<16xf32>
      %lt3A_547 = arith.constant 0.000000e+00 : f32
      %lt3A_548 = vector.broadcast %lt3A_547 : f32 to vector<16xf32>
      %lt3A_549 = arith.cmpf olt, %scan3A_529#0, %lt3A_548 : vector<16xf32>
      %neg3A_550 = arith.constant 0.000000e+00 : f32
      %neg3A_551 = vector.broadcast %neg3A_550 : f32 to vector<16xf32>
      %neg3A_552 = arith.subf %neg3A_551, %div3A_546 : vector<16xf32>
      %select_n3A_553 = arith.select %lt3A_549, %neg3A_552, %div3A_546 : vector<16xi1>, vector<16xf32>
      %swap3A_554 = arith.index_cast %add3A_534 : i32 to index
      %swap3A_555 = arith.constant 0 : index
      %swap3A_556 = tpu.vector_load %arg10[%swap3A_554, %swap3A_555] {strides = array<i32>} : memref<128x32xf32, #tpu.memory_space<vmem>>, vector<1x16xf32>,
      %swap3A_557 = vector.shape_cast %swap3A_556 : vector<1x16xf32> to vector<16xf32>
      %swap3A_558 = vector.shape_cast %select_n3A_553 : vector<16xf32> to vector<1x16xf32>
      tpu.vector_store %arg10[%swap3A_554, %swap3A_555], %swap3A_558 {strides = array<i32>} : memref<128x32xf32, #tpu.memory_space<vmem>>, vector<1x16xf32>,
      %abs3A_559 = math.absf %scan3A_529#1 : vector<16xf32>
      %mul3A_560 = arith.constant -2.000000e+00 : f32
      %mul3A_561 = vector.broadcast %mul3A_560 : f32 to vector<16xf32>
      %mul3A_562 = arith.mulf %mul3A_561, %abs3A_559 : vector<16xf32>
      %exp3A_563 = math.exp %mul3A_562 : vector<16xf32>
      %sub3A_564 = arith.constant 1.000000e+00 : f32
      %sub3A_565 = vector.broadcast %sub3A_564 : f32 to vector<16xf32>
      %sub3A_566 = arith.subf %sub3A_565, %exp3A_563 : vector<16xf32>
      %add3A_567 = arith.constant 1.000000e+00 : f32
      %add3A_568 = vector.broadcast %add3A_567 : f32 to vector<16xf32>
      %add3A_569 = arith.addf %add3A_568, %exp3A_563 : vector<16xf32>
      %div3A_570 = arith.divf %sub3A_566, %add3A_569 : vector<16xf32>
      %lt3A_571 = arith.constant 0.000000e+00 : f32
      %lt3A_572 = vector.broadcast %lt3A_571 : f32 to vector<16xf32>
      %lt3A_573 = arith.cmpf olt, %scan3A_529#1, %lt3A_572 : vector<16xf32>
      %neg3A_574 = arith.constant 0.000000e+00 : f32
      %neg3A_575 = vector.broadcast %neg3A_574 : f32 to vector<16xf32>
      %neg3A_576 = arith.subf %neg3A_575, %div3A_570 : vector<16xf32>
      %select_n3A_577 = arith.select %lt3A_573, %neg3A_576, %div3A_570 : vector<16xi1>, vector<16xf32>
      %swap3A_578 = arith.index_cast %add3A_534 : i32 to index
      %swap3A_579 = arith.constant 16 : index
      %swap3A_580 = tpu.vector_load %arg10[%swap3A_578, %swap3A_579] {strides = array<i32>} : memref<128x32xf32, #tpu.memory_space<vmem>>, vector<1x16xf32>,
      %swap3A_581 = vector.shape_cast %swap3A_580 : vector<1x16xf32> to vector<16xf32>
      %swap3A_582 = vector.shape_cast %select_n3A_577 : vector<16xf32> to vector<1x16xf32>
      tpu.vector_store %arg10[%swap3A_578, %swap3A_579], %swap3A_582 {strides = array<i32>} : memref<128x32xf32, #tpu.memory_space<vmem>>, vector<1x16xf32>,
      %mul3A_583 = arith.constant 4 : i32
      %mul3A_584 = arith.muli %add3A_411, %mul3A_583 : i32
      %add3A_585 = arith.constant 1 : i32
      %add3A_586 = arith.addi %mul3A_584, %add3A_585 : i32
      %abs3A_587 = math.absf %scan3A_529#2 : vector<16xf32>
      %mul3A_588 = arith.constant -2.000000e+00 : f32
      %mul3A_589 = vector.broadcast %mul3A_588 : f32 to vector<16xf32>
      %mul3A_590 = arith.mulf %mul3A_589, %abs3A_587 : vector<16xf32>
      %exp3A_591 = math.exp %mul3A_590 : vector<16xf32>
      %sub3A_592 = arith.constant 1.000000e+00 : f32
      %sub3A_593 = vector.broadcast %sub3A_592 : f32 to vector<16xf32>
      %sub3A_594 = arith.subf %sub3A_593, %exp3A_591 : vector<16xf32>
      %add3A_595 = arith.constant 1.000000e+00 : f32
      %add3A_596 = vector.broadcast %add3A_595 : f32 to vector<16xf32>
      %add3A_597 = arith.addf %add3A_596, %exp3A_591 : vector<16xf32>
      %div3A_598 = arith.divf %sub3A_594, %add3A_597 : vector<16xf32>
      %lt3A_599 = arith.constant 0.000000e+00 : f32
      %lt3A_600 = vector.broadcast %lt3A_599 : f32 to vector<16xf32>
      %lt3A_601 = arith.cmpf olt, %scan3A_529#2, %lt3A_600 : vector<16xf32>
      %neg3A_602 = arith.constant 0.000000e+00 : f32
      %neg3A_603 = vector.broadcast %neg3A_602 : f32 to vector<16xf32>
      %neg3A_604 = arith.subf %neg3A_603, %div3A_598 : vector<16xf32>
      %select_n3A_605 = arith.select %lt3A_601, %neg3A_604, %div3A_598 : vector<16xi1>, vector<16xf32>
      %swap3A_606 = arith.index_cast %add3A_586 : i32 to index
      %swap3A_607 = arith.constant 0 : index
      %swap3A_608 = tpu.vector_load %arg10[%swap3A_606, %swap3A_607] {strides = array<i32>} : memref<128x32xf32, #tpu.memory_space<vmem>>, vector<1x16xf32>,
      %swap3A_609 = vector.shape_cast %swap3A_608 : vector<1x16xf32> to vector<16xf32>
      %swap3A_610 = vector.shape_cast %select_n3A_605 : vector<16xf32> to vector<1x16xf32>
      tpu.vector_store %arg10[%swap3A_606, %swap3A_607], %swap3A_610 {strides = array<i32>} : memref<128x32xf32, #tpu.memory_space<vmem>>, vector<1x16xf32>,
      %abs3A_611 = math.absf %scan3A_529#3 : vector<16xf32>
      %mul3A_612 = arith.constant -2.000000e+00 : f32
      %mul3A_613 = vector.broadcast %mul3A_612 : f32 to vector<16xf32>
      %mul3A_614 = arith.mulf %mul3A_613, %abs3A_611 : vector<16xf32>
      %exp3A_615 = math.exp %mul3A_614 : vector<16xf32>
      %sub3A_616 = arith.constant 1.000000e+00 : f32
      %sub3A_617 = vector.broadcast %sub3A_616 : f32 to vector<16xf32>
      %sub3A_618 = arith.subf %sub3A_617, %exp3A_615 : vector<16xf32>
      %add3A_619 = arith.constant 1.000000e+00 : f32
      %add3A_620 = vector.broadcast %add3A_619 : f32 to vector<16xf32>
      %add3A_621 = arith.addf %add3A_620, %exp3A_615 : vector<16xf32>
      %div3A_622 = arith.divf %sub3A_618, %add3A_621 : vector<16xf32>
      %lt3A_623 = arith.constant 0.000000e+00 : f32
      %lt3A_624 = vector.broadcast %lt3A_623 : f32 to vector<16xf32>
      %lt3A_625 = arith.cmpf olt, %scan3A_529#3, %lt3A_624 : vector<16xf32>
      %neg3A_626 = arith.constant 0.000000e+00 : f32
      %neg3A_627 = vector.broadcast %neg3A_626 : f32 to vector<16xf32>
      %neg3A_628 = arith.subf %neg3A_627, %div3A_622 : vector<16xf32>
      %select_n3A_629 = arith.select %lt3A_625, %neg3A_628, %div3A_622 : vector<16xi1>, vector<16xf32>
      %swap3A_630 = arith.index_cast %add3A_586 : i32 to index
      %swap3A_631 = arith.constant 16 : index
      %swap3A_632 = tpu.vector_load %arg10[%swap3A_630, %swap3A_631] {strides = array<i32>} : memref<128x32xf32, #tpu.memory_space<vmem>>, vector<1x16xf32>,
      %swap3A_633 = vector.shape_cast %swap3A_632 : vector<1x16xf32> to vector<16xf32>
      %swap3A_634 = vector.shape_cast %select_n3A_629 : vector<16xf32> to vector<1x16xf32>
      tpu.vector_store %arg10[%swap3A_630, %swap3A_631], %swap3A_634 {strides = array<i32>} : memref<128x32xf32, #tpu.memory_space<vmem>>, vector<1x16xf32>,
      %mul3A_635 = arith.constant 4 : i32
      %mul3A_636 = arith.muli %add3A_411, %mul3A_635 : i32
      %add3A_637 = arith.constant 2 : i32
      %add3A_638 = arith.addi %mul3A_636, %add3A_637 : i32
      %abs3A_639 = math.absf %scan3A_529#4 : vector<16xf32>
      %mul3A_640 = arith.constant -2.000000e+00 : f32
      %mul3A_641 = vector.broadcast %mul3A_640 : f32 to vector<16xf32>
      %mul3A_642 = arith.mulf %mul3A_641, %abs3A_639 : vector<16xf32>
      %exp3A_643 = math.exp %mul3A_642 : vector<16xf32>
      %sub3A_644 = arith.constant 1.000000e+00 : f32
      %sub3A_645 = vector.broadcast %sub3A_644 : f32 to vector<16xf32>
      %sub3A_646 = arith.subf %sub3A_645, %exp3A_643 : vector<16xf32>
      %add3A_647 = arith.constant 1.000000e+00 : f32
      %add3A_648 = vector.broadcast %add3A_647 : f32 to vector<16xf32>
      %add3A_649 = arith.addf %add3A_648, %exp3A_643 : vector<16xf32>
      %div3A_650 = arith.divf %sub3A_646, %add3A_649 : vector<16xf32>
      %lt3A_651 = arith.constant 0.000000e+00 : f32
      %lt3A_652 = vector.broadcast %lt3A_651 : f32 to vector<16xf32>
      %lt3A_653 = arith.cmpf olt, %scan3A_529#4, %lt3A_652 : vector<16xf32>
      %neg3A_654 = arith.constant 0.000000e+00 : f32
      %neg3A_655 = vector.broadcast %neg3A_654 : f32 to vector<16xf32>
      %neg3A_656 = arith.subf %neg3A_655, %div3A_650 : vector<16xf32>
      %select_n3A_657 = arith.select %lt3A_653, %neg3A_656, %div3A_650 : vector<16xi1>, vector<16xf32>
      %swap3A_658 = arith.index_cast %add3A_638 : i32 to index
      %swap3A_659 = arith.constant 0 : index
      %swap3A_660 = tpu.vector_load %arg10[%swap3A_658, %swap3A_659] {strides = array<i32>} : memref<128x32xf32, #tpu.memory_space<vmem>>, vector<1x16xf32>,
      %swap3A_661 = vector.shape_cast %swap3A_660 : vector<1x16xf32> to vector<16xf32>
      %swap3A_662 = vector.shape_cast %select_n3A_657 : vector<16xf32> to vector<1x16xf32>
      tpu.vector_store %arg10[%swap3A_658, %swap3A_659], %swap3A_662 {strides = array<i32>} : memref<128x32xf32, #tpu.memory_space<vmem>>, vector<1x16xf32>,
      %abs3A_663 = math.absf %scan3A_529#5 : vector<16xf32>
      %mul3A_664 = arith.constant -2.000000e+00 : f32
      %mul3A_665 = vector.broadcast %mul3A_664 : f32 to vector<16xf32>
      %mul3A_666 = arith.mulf %mul3A_665, %abs3A_663 : vector<16xf32>
      %exp3A_667 = math.exp %mul3A_666 : vector<16xf32>
      %sub3A_668 = arith.constant 1.000000e+00 : f32
      %sub3A_669 = vector.broadcast %sub3A_668 : f32 to vector<16xf32>
      %sub3A_670 = arith.subf %sub3A_669, %exp3A_667 : vector<16xf32>
      %add3A_671 = arith.constant 1.000000e+00 : f32
      %add3A_672 = vector.broadcast %add3A_671 : f32 to vector<16xf32>
      %add3A_673 = arith.addf %add3A_672, %exp3A_667 : vector<16xf32>
      %div3A_674 = arith.divf %sub3A_670, %add3A_673 : vector<16xf32>
      %lt3A_675 = arith.constant 0.000000e+00 : f32
      %lt3A_676 = vector.broadcast %lt3A_675 : f32 to vector<16xf32>
      %lt3A_677 = arith.cmpf olt, %scan3A_529#5, %lt3A_676 : vector<16xf32>
      %neg3A_678 = arith.constant 0.000000e+00 : f32
      %neg3A_679 = vector.broadcast %neg3A_678 : f32 to vector<16xf32>
      %neg3A_680 = arith.subf %neg3A_679, %div3A_674 : vector<16xf32>
      %select_n3A_681 = arith.select %lt3A_677, %neg3A_680, %div3A_674 : vector<16xi1>, vector<16xf32>
      %swap3A_682 = arith.index_cast %add3A_638 : i32 to index
      %swap3A_683 = arith.constant 16 : index
      %swap3A_684 = tpu.vector_load %arg10[%swap3A_682, %swap3A_683] {strides = array<i32>} : memref<128x32xf32, #tpu.memory_space<vmem>>, vector<1x16xf32>,
      %swap3A_685 = vector.shape_cast %swap3A_684 : vector<1x16xf32> to vector<16xf32>
      %swap3A_686 = vector.shape_cast %select_n3A_681 : vector<16xf32> to vector<1x16xf32>
      tpu.vector_store %arg10[%swap3A_682, %swap3A_683], %swap3A_686 {strides = array<i32>} : memref<128x32xf32, #tpu.memory_space<vmem>>, vector<1x16xf32>,
      %mul3A_687 = arith.constant 4 : i32
      %mul3A_688 = arith.muli %add3A_411, %mul3A_687 : i32
      %add3A_689 = arith.constant 3 : i32
      %add3A_690 = arith.addi %mul3A_688, %add3A_689 : i32
      %abs3A_691 = math.absf %scan3A_529#6 : vector<16xf32>
      %mul3A_692 = arith.constant -2.000000e+00 : f32
      %mul3A_693 = vector.broadcast %mul3A_692 : f32 to vector<16xf32>
      %mul3A_694 = arith.mulf %mul3A_693, %abs3A_691 : vector<16xf32>
      %exp3A_695 = math.exp %mul3A_694 : vector<16xf32>
      %sub3A_696 = arith.constant 1.000000e+00 : f32
      %sub3A_697 = vector.broadcast %sub3A_696 : f32 to vector<16xf32>
      %sub3A_698 = arith.subf %sub3A_697, %exp3A_695 : vector<16xf32>
      %add3A_699 = arith.constant 1.000000e+00 : f32
      %add3A_700 = vector.broadcast %add3A_699 : f32 to vector<16xf32>
      %add3A_701 = arith.addf %add3A_700, %exp3A_695 : vector<16xf32>
      %div3A_702 = arith.divf %sub3A_698, %add3A_701 : vector<16xf32>
      %lt3A_703 = arith.constant 0.000000e+00 : f32
      %lt3A_704 = vector.broadcast %lt3A_703 : f32 to vector<16xf32>
      %lt3A_705 = arith.cmpf olt, %scan3A_529#6, %lt3A_704 : vector<16xf32>
      %neg3A_706 = arith.constant 0.000000e+00 : f32
      %neg3A_707 = vector.broadcast %neg3A_706 : f32 to vector<16xf32>
      %neg3A_708 = arith.subf %neg3A_707, %div3A_702 : vector<16xf32>
      %select_n3A_709 = arith.select %lt3A_705, %neg3A_708, %div3A_702 : vector<16xi1>, vector<16xf32>
      %swap3A_710 = arith.index_cast %add3A_690 : i32 to index
      %swap3A_711 = arith.constant 0 : index
      %swap3A_712 = tpu.vector_load %arg10[%swap3A_710, %swap3A_711] {strides = array<i32>} : memref<128x32xf32, #tpu.memory_space<vmem>>, vector<1x16xf32>,
      %swap3A_713 = vector.shape_cast %swap3A_712 : vector<1x16xf32> to vector<16xf32>
      %swap3A_714 = vector.shape_cast %select_n3A_709 : vector<16xf32> to vector<1x16xf32>
      tpu.vector_store %arg10[%swap3A_710, %swap3A_711], %swap3A_714 {strides = array<i32>} : memref<128x32xf32, #tpu.memory_space<vmem>>, vector<1x16xf32>,
      %abs3A_715 = math.absf %scan3A_529#7 : vector<16xf32>
      %mul3A_716 = arith.constant -2.000000e+00 : f32
      %mul3A_717 = vector.broadcast %mul3A_716 : f32 to vector<16xf32>
      %mul3A_718 = arith.mulf %mul3A_717, %abs3A_715 : vector<16xf32>
      %exp3A_719 = math.exp %mul3A_718 : vector<16xf32>
      %sub3A_720 = arith.constant 1.000000e+00 : f32
      %sub3A_721 = vector.broadcast %sub3A_720 : f32 to vector<16xf32>
      %sub3A_722 = arith.subf %sub3A_721, %exp3A_719 : vector<16xf32>
      %add3A_723 = arith.constant 1.000000e+00 : f32
      %add3A_724 = vector.broadcast %add3A_723 : f32 to vector<16xf32>
      %add3A_725 = arith.addf %add3A_724, %exp3A_719 : vector<16xf32>
      %div3A_726 = arith.divf %sub3A_722, %add3A_725 : vector<16xf32>
      %lt3A_727 = arith.constant 0.000000e+00 : f32
      %lt3A_728 = vector.broadcast %lt3A_727 : f32 to vector<16xf32>
      %lt3A_729 = arith.cmpf olt, %scan3A_529#7, %lt3A_728 : vector<16xf32>
      %neg3A_730 = arith.constant 0.000000e+00 : f32
      %neg3A_731 = vector.broadcast %neg3A_730 : f32 to vector<16xf32>
      %neg3A_732 = arith.subf %neg3A_731, %div3A_726 : vector<16xf32>
      %select_n3A_733 = arith.select %lt3A_729, %neg3A_732, %div3A_726 : vector<16xi1>, vector<16xf32>
      %swap3A_734 = arith.index_cast %add3A_690 : i32 to index
      %swap3A_735 = arith.constant 16 : index
      %swap3A_736 = tpu.vector_load %arg10[%swap3A_734, %swap3A_735] {strides = array<i32>} : memref<128x32xf32, #tpu.memory_space<vmem>>, vector<1x16xf32>,
      %swap3A_737 = vector.shape_cast %swap3A_736 : vector<1x16xf32> to vector<16xf32>
      %swap3A_738 = vector.shape_cast %select_n3A_733 : vector<16xf32> to vector<1x16xf32>
      tpu.vector_store %arg10[%swap3A_734, %swap3A_735], %swap3A_738 {strides = array<i32>} : memref<128x32xf32, #tpu.memory_space<vmem>>, vector<1x16xf32>,
    }
    %scan3A_87 = arith.constant 16 : i32
    "tpu.region"() ({
      %run_scoped3A = tpu.sem_alloc : memref<!tpu.dma_semaphore, #tpu.memory_space<semaphore_mem>>
      %dma_start3A_88 = arith.constant 0 : i32
      %dma_start3A_89 = tpu.memref_slice %arg5[%mul3A_2, %dma_start3A_88] : memref<4096x32xf32, #tpu.memory_space<hbm>> -> memref<128x32xf32, #tpu.memory_space<hbm>>
      %dma_start3A_90 = arith.constant 0 : i32
      %dma_start3A_91 = tpu.memref_slice %arg5[%mul3A_2, %dma_start3A_90] : memref<4096x32xf32, #tpu.memory_space<hbm>> -> memref<128x32xf32, #tpu.memory_space<hbm>>
      tpu.enqueue_dma source(%arg10 : memref<128x32xf32, #tpu.memory_space<vmem>>) target(%dma_start3A_91 : memref<128x32xf32, #tpu.memory_space<hbm>>) target_semaphore(%run_scoped3A : memref<!tpu.dma_semaphore, #tpu.memory_space<semaphore_mem>>)
      %dma_wait3A = arith.constant 0 : i32
      %dma_wait3A_92 = tpu.memref_slice %arg5[%mul3A_2, %dma_wait3A] : memref<4096x32xf32, #tpu.memory_space<hbm>> -> memref<128x32xf32, #tpu.memory_space<hbm>>
      %dma_wait3A_93 = arith.constant 0 : i32
      %dma_wait3A_94 = tpu.memref_slice %arg5[%mul3A_2, %dma_wait3A_93] : memref<4096x32xf32, #tpu.memory_space<hbm>> -> memref<128x32xf32, #tpu.memory_space<hbm>>
      tpu.wait_dma2 semaphore(%run_scoped3A : memref<!tpu.dma_semaphore, #tpu.memory_space<semaphore_mem>>) src(%arg10 : memref<128x32xf32, #tpu.memory_space<vmem>>) dst(%dma_wait3A_94 : memref<128x32xf32, #tpu.memory_space<hbm>>)
      tpu.yield
    }) : () -> ()
    return
  }
}

module attributes {stable_mosaic.version = 14 : i64} {
  func.func @_transpose_body(%arg0: i32, %arg1: memref<32x16384xf32, #tpu.memory_space<vmem>>, %arg2: memref<4096x128xf32, #tpu.memory_space<vmem>>) attributes {dimension_semantics = [#tpu.dimension_semantics<arbitrary>], iteration_bounds = array<i64: 62>, scalar_prefetch = 0 : i64, scratch_operands = 0 : i64, tpu.core_type = #tpu.core_type<tc>, window_params = [{transform_indices = @transform_0, window_bounds = array<i64: 32, 16384>}, {transform_indices = @transform_1, window_bounds = array<i64: 4096, 128>}]} {
    %get3A = arith.constant 0 : index
    %get3A_0 = arith.constant 0 : index
    %get3A_1 = vector.load %arg1[%get3A, %get3A_0] : memref<32x16384xf32, #tpu.memory_space<vmem>>, vector<32x16384xf32>
    %slice3A = vector.extract_strided_slice %get3A_1 {offsets = [0, 0], sizes = [32, 512], strides = [1, 1]} : vector<32x16384xf32> to vector<32x512xf32>
    %transpose3A = tpu.transpose %slice3A, [1, 0] : vector<32x512xf32> -> vector<512x32xf32>
    %slice3A_2 = vector.extract_strided_slice %get3A_1 {offsets = [0, 512], sizes = [32, 512], strides = [1, 1]} : vector<32x16384xf32> to vector<32x512xf32>
    %transpose3A_3 = tpu.transpose %slice3A_2, [1, 0] : vector<32x512xf32> -> vector<512x32xf32>
    %slice3A_4 = vector.extract_strided_slice %get3A_1 {offsets = [0, 1024], sizes = [32, 512], strides = [1, 1]} : vector<32x16384xf32> to vector<32x512xf32>
    %transpose3A_5 = tpu.transpose %slice3A_4, [1, 0] : vector<32x512xf32> -> vector<512x32xf32>
    %slice3A_6 = vector.extract_strided_slice %get3A_1 {offsets = [0, 1536], sizes = [32, 512], strides = [1, 1]} : vector<32x16384xf32> to vector<32x512xf32>
    %transpose3A_7 = tpu.transpose %slice3A_6, [1, 0] : vector<32x512xf32> -> vector<512x32xf32>
    %slice3A_8 = vector.extract_strided_slice %get3A_1 {offsets = [0, 2048], sizes = [32, 512], strides = [1, 1]} : vector<32x16384xf32> to vector<32x512xf32>
    %transpose3A_9 = tpu.transpose %slice3A_8, [1, 0] : vector<32x512xf32> -> vector<512x32xf32>
    %slice3A_10 = vector.extract_strided_slice %get3A_1 {offsets = [0, 2560], sizes = [32, 512], strides = [1, 1]} : vector<32x16384xf32> to vector<32x512xf32>
    %transpose3A_11 = tpu.transpose %slice3A_10, [1, 0] : vector<32x512xf32> -> vector<512x32xf32>
    %slice3A_12 = vector.extract_strided_slice %get3A_1 {offsets = [0, 3072], sizes = [32, 512], strides = [1, 1]} : vector<32x16384xf32> to vector<32x512xf32>
    %transpose3A_13 = tpu.transpose %slice3A_12, [1, 0] : vector<32x512xf32> -> vector<512x32xf32>
    %slice3A_14 = vector.extract_strided_slice %get3A_1 {offsets = [0, 3584], sizes = [32, 512], strides = [1, 1]} : vector<32x16384xf32> to vector<32x512xf32>
    %transpose3A_15 = tpu.transpose %slice3A_14, [1, 0] : vector<32x512xf32> -> vector<512x32xf32>
    %slice3A_16 = vector.extract_strided_slice %get3A_1 {offsets = [0, 4096], sizes = [32, 512], strides = [1, 1]} : vector<32x16384xf32> to vector<32x512xf32>
    %transpose3A_17 = tpu.transpose %slice3A_16, [1, 0] : vector<32x512xf32> -> vector<512x32xf32>
    %slice3A_18 = vector.extract_strided_slice %get3A_1 {offsets = [0, 4608], sizes = [32, 512], strides = [1, 1]} : vector<32x16384xf32> to vector<32x512xf32>
    %transpose3A_19 = tpu.transpose %slice3A_18, [1, 0] : vector<32x512xf32> -> vector<512x32xf32>
    %slice3A_20 = vector.extract_strided_slice %get3A_1 {offsets = [0, 5120], sizes = [32, 512], strides = [1, 1]} : vector<32x16384xf32> to vector<32x512xf32>
    %transpose3A_21 = tpu.transpose %slice3A_20, [1, 0] : vector<32x512xf32> -> vector<512x32xf32>
    %slice3A_22 = vector.extract_strided_slice %get3A_1 {offsets = [0, 5632], sizes = [32, 512], strides = [1, 1]} : vector<32x16384xf32> to vector<32x512xf32>
    %transpose3A_23 = tpu.transpose %slice3A_22, [1, 0] : vector<32x512xf32> -> vector<512x32xf32>
    %slice3A_24 = vector.extract_strided_slice %get3A_1 {offsets = [0, 6144], sizes = [32, 512], strides = [1, 1]} : vector<32x16384xf32> to vector<32x512xf32>
    %transpose3A_25 = tpu.transpose %slice3A_24, [1, 0] : vector<32x512xf32> -> vector<512x32xf32>
    %slice3A_26 = vector.extract_strided_slice %get3A_1 {offsets = [0, 6656], sizes = [32, 512], strides = [1, 1]} : vector<32x16384xf32> to vector<32x512xf32>
    %transpose3A_27 = tpu.transpose %slice3A_26, [1, 0] : vector<32x512xf32> -> vector<512x32xf32>
    %slice3A_28 = vector.extract_strided_slice %get3A_1 {offsets = [0, 7168], sizes = [32, 512], strides = [1, 1]} : vector<32x16384xf32> to vector<32x512xf32>
    %transpose3A_29 = tpu.transpose %slice3A_28, [1, 0] : vector<32x512xf32> -> vector<512x32xf32>
    %slice3A_30 = vector.extract_strided_slice %get3A_1 {offsets = [0, 7680], sizes = [32, 512], strides = [1, 1]} : vector<32x16384xf32> to vector<32x512xf32>
    %transpose3A_31 = tpu.transpose %slice3A_30, [1, 0] : vector<32x512xf32> -> vector<512x32xf32>
    %slice3A_32 = vector.extract_strided_slice %get3A_1 {offsets = [0, 8192], sizes = [32, 512], strides = [1, 1]} : vector<32x16384xf32> to vector<32x512xf32>
    %transpose3A_33 = tpu.transpose %slice3A_32, [1, 0] : vector<32x512xf32> -> vector<512x32xf32>
    %slice3A_34 = vector.extract_strided_slice %get3A_1 {offsets = [0, 8704], sizes = [32, 512], strides = [1, 1]} : vector<32x16384xf32> to vector<32x512xf32>
    %transpose3A_35 = tpu.transpose %slice3A_34, [1, 0] : vector<32x512xf32> -> vector<512x32xf32>
    %slice3A_36 = vector.extract_strided_slice %get3A_1 {offsets = [0, 9216], sizes = [32, 512], strides = [1, 1]} : vector<32x16384xf32> to vector<32x512xf32>
    %transpose3A_37 = tpu.transpose %slice3A_36, [1, 0] : vector<32x512xf32> -> vector<512x32xf32>
    %slice3A_38 = vector.extract_strided_slice %get3A_1 {offsets = [0, 9728], sizes = [32, 512], strides = [1, 1]} : vector<32x16384xf32> to vector<32x512xf32>
    %transpose3A_39 = tpu.transpose %slice3A_38, [1, 0] : vector<32x512xf32> -> vector<512x32xf32>
    %slice3A_40 = vector.extract_strided_slice %get3A_1 {offsets = [0, 10240], sizes = [32, 512], strides = [1, 1]} : vector<32x16384xf32> to vector<32x512xf32>
    %transpose3A_41 = tpu.transpose %slice3A_40, [1, 0] : vector<32x512xf32> -> vector<512x32xf32>
    %slice3A_42 = vector.extract_strided_slice %get3A_1 {offsets = [0, 10752], sizes = [32, 512], strides = [1, 1]} : vector<32x16384xf32> to vector<32x512xf32>
    %transpose3A_43 = tpu.transpose %slice3A_42, [1, 0] : vector<32x512xf32> -> vector<512x32xf32>
    %slice3A_44 = vector.extract_strided_slice %get3A_1 {offsets = [0, 11264], sizes = [32, 512], strides = [1, 1]} : vector<32x16384xf32> to vector<32x512xf32>
    %transpose3A_45 = tpu.transpose %slice3A_44, [1, 0] : vector<32x512xf32> -> vector<512x32xf32>
    %slice3A_46 = vector.extract_strided_slice %get3A_1 {offsets = [0, 11776], sizes = [32, 512], strides = [1, 1]} : vector<32x16384xf32> to vector<32x512xf32>
    %transpose3A_47 = tpu.transpose %slice3A_46, [1, 0] : vector<32x512xf32> -> vector<512x32xf32>
    %slice3A_48 = vector.extract_strided_slice %get3A_1 {offsets = [0, 12288], sizes = [32, 512], strides = [1, 1]} : vector<32x16384xf32> to vector<32x512xf32>
    %transpose3A_49 = tpu.transpose %slice3A_48, [1, 0] : vector<32x512xf32> -> vector<512x32xf32>
    %slice3A_50 = vector.extract_strided_slice %get3A_1 {offsets = [0, 12800], sizes = [32, 512], strides = [1, 1]} : vector<32x16384xf32> to vector<32x512xf32>
    %transpose3A_51 = tpu.transpose %slice3A_50, [1, 0] : vector<32x512xf32> -> vector<512x32xf32>
    %slice3A_52 = vector.extract_strided_slice %get3A_1 {offsets = [0, 13312], sizes = [32, 512], strides = [1, 1]} : vector<32x16384xf32> to vector<32x512xf32>
    %transpose3A_53 = tpu.transpose %slice3A_52, [1, 0] : vector<32x512xf32> -> vector<512x32xf32>
    %slice3A_54 = vector.extract_strided_slice %get3A_1 {offsets = [0, 13824], sizes = [32, 512], strides = [1, 1]} : vector<32x16384xf32> to vector<32x512xf32>
    %transpose3A_55 = tpu.transpose %slice3A_54, [1, 0] : vector<32x512xf32> -> vector<512x32xf32>
    %slice3A_56 = vector.extract_strided_slice %get3A_1 {offsets = [0, 14336], sizes = [32, 512], strides = [1, 1]} : vector<32x16384xf32> to vector<32x512xf32>
    %transpose3A_57 = tpu.transpose %slice3A_56, [1, 0] : vector<32x512xf32> -> vector<512x32xf32>
    %slice3A_58 = vector.extract_strided_slice %get3A_1 {offsets = [0, 14848], sizes = [32, 512], strides = [1, 1]} : vector<32x16384xf32> to vector<32x512xf32>
    %transpose3A_59 = tpu.transpose %slice3A_58, [1, 0] : vector<32x512xf32> -> vector<512x32xf32>
    %slice3A_60 = vector.extract_strided_slice %get3A_1 {offsets = [0, 15360], sizes = [32, 512], strides = [1, 1]} : vector<32x16384xf32> to vector<32x512xf32>
    %transpose3A_61 = tpu.transpose %slice3A_60, [1, 0] : vector<32x512xf32> -> vector<512x32xf32>
    %slice3A_62 = vector.extract_strided_slice %get3A_1 {offsets = [0, 15872], sizes = [32, 512], strides = [1, 1]} : vector<32x16384xf32> to vector<32x512xf32>
    %transpose3A_63 = tpu.transpose %slice3A_62, [1, 0] : vector<32x512xf32> -> vector<512x32xf32>
    %concatenate3A = tpu.concatenate %transpose3A, %transpose3A_3, %transpose3A_5, %transpose3A_7 in 1 : vector<512x32xf32>, vector<512x32xf32>, vector<512x32xf32>, vector<512x32xf32> -> vector<512x128xf32>
    %concatenate3A_64 = tpu.concatenate %transpose3A_9, %transpose3A_11, %transpose3A_13, %transpose3A_15 in 1 : vector<512x32xf32>, vector<512x32xf32>, vector<512x32xf32>, vector<512x32xf32> -> vector<512x128xf32>
    %concatenate3A_65 = tpu.concatenate %transpose3A_17, %transpose3A_19, %transpose3A_21, %transpose3A_23 in 1 : vector<512x32xf32>, vector<512x32xf32>, vector<512x32xf32>, vector<512x32xf32> -> vector<512x128xf32>
    %concatenate3A_66 = tpu.concatenate %transpose3A_25, %transpose3A_27, %transpose3A_29, %transpose3A_31 in 1 : vector<512x32xf32>, vector<512x32xf32>, vector<512x32xf32>, vector<512x32xf32> -> vector<512x128xf32>
    %concatenate3A_67 = tpu.concatenate %transpose3A_33, %transpose3A_35, %transpose3A_37, %transpose3A_39 in 1 : vector<512x32xf32>, vector<512x32xf32>, vector<512x32xf32>, vector<512x32xf32> -> vector<512x128xf32>
    %concatenate3A_68 = tpu.concatenate %transpose3A_41, %transpose3A_43, %transpose3A_45, %transpose3A_47 in 1 : vector<512x32xf32>, vector<512x32xf32>, vector<512x32xf32>, vector<512x32xf32> -> vector<512x128xf32>
    %concatenate3A_69 = tpu.concatenate %transpose3A_49, %transpose3A_51, %transpose3A_53, %transpose3A_55 in 1 : vector<512x32xf32>, vector<512x32xf32>, vector<512x32xf32>, vector<512x32xf32> -> vector<512x128xf32>
    %concatenate3A_70 = tpu.concatenate %transpose3A_57, %transpose3A_59, %transpose3A_61, %transpose3A_63 in 1 : vector<512x32xf32>, vector<512x32xf32>, vector<512x32xf32>, vector<512x32xf32> -> vector<512x128xf32>
    %concatenate3A_71 = tpu.concatenate %concatenate3A, %concatenate3A_64, %concatenate3A_65, %concatenate3A_66, %concatenate3A_67, %concatenate3A_68, %concatenate3A_69, %concatenate3A_70 in 0 : vector<512x128xf32>, vector<512x128xf32>, vector<512x128xf32>, vector<512x128xf32>, vector<512x128xf32>, vector<512x128xf32>, vector<512x128xf32>, vector<512x128xf32> -> vector<4096x128xf32>
    %swap3A = arith.constant 0 : index
    %swap3A_72 = arith.constant 0 : index
    %swap3A_73 = vector.load %arg2[%swap3A, %swap3A_72] : memref<4096x128xf32, #tpu.memory_space<vmem>>, vector<4096x128xf32>
    tpu.vector_store %arg2[%swap3A, %swap3A_72], %concatenate3A_71 {strides = array<i32>} : memref<4096x128xf32, #tpu.memory_space<vmem>>, vector<4096x128xf32>,
    return
  }
  func.func @transform_0(%arg0: i32) -> (i32, i32) {
    %c0_i32 = arith.constant 0 : i32
    %c0_i32_0 = arith.constant 0 : i32
    return %c0_i32, %arg0 : i32, i32
  }
  func.func @transform_1(%arg0: i32) -> (i32, i32) {
    %c0_i32 = arith.constant 0 : i32
    %c0_i32_0 = arith.constant 0 : i32
    return %arg0, %c0_i32 : i32, i32
  }
}

</mosaic_0001>

<sc_bundles>
// kernel: kernel.4.cloned.1.call-start
scs
__scs_entry_jumppad:
0x0: {  	(pc) =	sbr.rel $0x88, $3  }
0x1: {  	(tag) =	ssettag $0x0;
	lr =	simm.s32 $0x1  }
0x2: {  	[smem:$0x3F9E] =	sst lr;
	_ =	strace $0xD0000000  }
0x3: {  	_ = 	snop  }
0x4: {  	_ = 	snop  }
0x5: {  	_ = 	snop  }
0x6: {  	_ = 	snop  }
0x7: {  	_ = 	snop  }
__scs_overlays_trampoline_lowered:
0x8: {  	[smem:$0x3FAD] =	sst s0  }
0x9: {  	[smem:$0x3FAE] =	sst s1  }
0xa: {  	[smem:$0x3FAF] =	sst s2  }
0xb: {  	[smem:$0x3FB0] =	sst s3  }
0xc: {  	[smem:$0x3FB1] =	sst s4  }
0xd: {  	[smem:$0x3FB2] =	sst s5  }
0xe: {  	[smem:$0x3FB3] =	sst s6  }
0xf: {  	[smem:$0x3FB4] =	sst s7  }
0x10: {  	[smem:$0x3FB5] =	sst s8  }
0x11: {  	[smem:$0x3FB6] =	sst s9;
	s0 =	simm.s32 @!p0 $0x0  }
0x12: {  	s1 =	sld [smem:$0x3F9C];
	s0 =	simm.s32 @p0 $0x1  }
0x13: {  	[smem:$0x3FB7] =	sst s0;
	s0 =	simm.s32 @!p1 $0x0  }
0x14: {  	s2 =	sld [smem:$0x3F9B];
	s0 =	simm.s32 @p1 $0x1  }
0x15: {  	[smem:$0x3FB8] =	sst s0;
	s0 =	simm.s32 @!p2 $0x0  }
0x16: {  	s3 =	sld [smem:$0x3FDB];
	s0 =	simm.s32 @p2 $0x1  }
0x17: {  	s4 =	simm.s32 $0x1BF5;
	[smem:$0x3FBA] =	sst s0  }
0x18: {  	s0 =	sld [smem:$0x3F9D];
	_ =	swait.ge [sflag:s4], $0x0  }
0x19: {  	s7 =	sld [smem:$0x3F9E]  }
0x1a: {  	s8 =	sadd.s32 $0xFFFFE003, lr  }
0x1b: {  	s9 =	sadd.s32 $0xFFFFFEF7, lr;
	s5 =	simm.s32 $0xFFFFFFFF;
	p2 =	slt.u32 s8, $0xFFFFF086  }
0x1c: {  	p1 =	slt.u32 s9, $0xF7A;
	s5 =	simm.s32 @!p2 $0x0  }
0x1d: {  	s5 =	simm.s32 @p1 $0x1;
	p0 =	seq.s32 s7, s2  }
0x1e: {  	s7 =	smul.u32 @!p0 $0xF7A, s2;
	p2 =	seq.s32 @!p0 s5, $0x0  }
0x1f: {  	s9 =	smul.u32 $0xF7A, s1;
	s8 =	simm.s32 @!p0 $0x1BF5;
	p2 =	por !p2, p0  }
0x20: {  	[sflag:s8] =	ssyncset.s32 @!p0 $0xFFFFF086;
	s6 =	sadd.s32 @!p0 s3, s7;
	s7 =	simm.s32 @!p0 $0x108  }
0x21: {  	s3 =	sadd.s32 s3, s9;
	s6 =	sadd.s32 @!p0 $0x88, s6;
	s7 =	simm.s32 @p2 $0x1082  }
0x22: {  	[simem:s7], [sflag:s8] =	dma.local @!p0 [hbm:s6], $0xF7A  }
0x23: {  	s9 =	sor.u32 $0xD0000000, s2;
	s6 =	simm.s32 $0x108;
	_ =	swait.ge @!p0 [sflag:s8], $0x0  }
0x24: {  	s3 =	sadd.s32 $0x88, s3;
	s6 =	simm.s32 @!p1 $0x1082;
	[sflag:s4] =	ssyncset.s32 $0xFFFFF086  }
0x25: {  	[simem:s6], [sflag:s4] =	dma.local [hbm:s3], $0xF7A  }
0x26: {  	[smem:$0x3F9E] =	sst s1;
	(tag) =	ssettag s2;
	_ =	strace s9  }
0x27: {  	s1 =	sld [smem:$0x3FAE]  }
0x28: {  	s2 =	sld [smem:$0x3FAF]  }
0x29: {  	s4 =	sld [smem:$0x3FB1]  }
0x2a: {  	p0 =	seq.s32 s5, $0x0;
	s5 =	sld [smem:$0x3FB2]  }
0x2b: {  	s6 =	sld [smem:$0x3FB3]  }
0x2c: {  	s7 =	sld [smem:$0x3FB4]  }
0x2d: {  	s3 =	simm.s32 $0x108;
	s8 =	sld [smem:$0x3FB5]  }
0x2e: {  	s3 =	simm.s32 @!p0 $0x1082;
	s9 =	sld [smem:$0x3FB6]  }
0x2f: {  	lr =	sadd.s32 s0, s3;
	s0 =	sld [smem:$0x3FAD]  }
0x30: {  	s3 =	sld [smem:$0x3FB0]  }
0x31: {  	[smem:$0x3FB9] =	sst s10  }
0x32: {  	s10 =	sld [smem:$0x3FB7];
	_ =	sdelay $0x3  }
0x33: {  	p0 =	seq.s32 s10, $0x1;
	s10 =	sld [smem:$0x3FB9];
	_ =	sdelay $0x3  }
0x34: {  	[smem:$0x3FB9] =	sst s10  }
0x35: {  	s10 =	sld [smem:$0x3FB8];
	_ =	sdelay $0x3  }
0x36: {  	p1 =	seq.s32 s10, $0x1;
	s10 =	sld [smem:$0x3FB9];
	_ =	sdelay $0x3  }
0x37: {  	[smem:$0x3FB9] =	sst s10  }
0x38: {  	s10 =	sld [smem:$0x3FBA]  }
0x39: {  	_ = 	snop;
	(pc) =	sbr.ind lr, $3  }
0x3a: {  	_ = 	snop  }
0x3b: {  	_ = 	snop  }
0x3c: {  	p2 =	seq.s32 s10, $0x1;
	s10 =	sld [smem:$0x3FB9]  }
0x3d: {  	_ =	shalt  }
0x3e: {  	_ =	shalt  }
0x3f: {  	_ =	shalt  }
0x40: {  	_ =	shalt  }
0x41: {  	_ =	shalt  }
0x42: {  	_ =	shalt  }
0x43: {  	_ =	shalt  }
0x44: {  	_ =	shalt  }
0x45: {  	_ =	shalt  }
0x46: {  	_ =	shalt  }
0x47: {  	_ =	shalt  }
0x48: {  	_ =	shalt  }
0x49: {  	_ =	shalt  }
0x4a: {  	_ =	shalt  }
0x4b: {  	_ =	shalt  }
0x4c: {  	_ =	shalt  }
0x4d: {  	_ =	shalt  }
0x4e: {  	_ =	shalt  }
0x4f: {  	_ =	shalt  }
0x50: {  	_ =	shalt  }
0x51: {  	_ =	shalt  }
0x52: {  	_ =	shalt  }
0x53: {  	_ =	shalt  }
0x54: {  	_ =	shalt  }
0x55: {  	_ =	shalt  }
0x56: {  	_ =	shalt  }
0x57: {  	_ =	shalt  }
0x58: {  	_ =	shalt  }
0x59: {  	_ =	shalt  }
0x5a: {  	_ =	shalt  }
0x5b: {  	_ =	shalt  }
0x5c: {  	_ =	shalt  }
0x5d: {  	_ =	shalt  }
0x5e: {  	_ =	shalt  }
0x5f: {  	_ =	shalt  }
0x60: {  	_ =	shalt  }
0x61: {  	_ =	shalt  }
0x62: {  	_ =	shalt  }
0x63: {  	_ =	shalt  }
0x64: {  	_ =	shalt  }
0x65: {  	_ =	shalt  }
0x66: {  	_ =	shalt  }
0x67: {  	_ =	shalt  }
0x68: {  	_ =	shalt  }
0x69: {  	_ =	shalt  }
0x6a: {  	_ =	shalt  }
0x6b: {  	_ =	shalt  }
0x6c: {  	_ =	shalt  }
0x6d: {  	_ =	shalt  }
0x6e: {  	_ =	shalt  }
0x6f: {  	_ =	shalt  }
0x70: {  	_ =	shalt  }
0x71: {  	_ =	shalt  }
0x72: {  	_ =	shalt  }
0x73: {  	_ =	shalt  }
0x74: {  	_ =	shalt  }
0x75: {  	_ =	shalt  }
0x76: {  	_ =	shalt  }
0x77: {  	_ =	shalt  }
0x78: {  	_ =	shalt  }
0x79: {  	_ =	shalt  }
0x7a: {  	_ =	shalt  }
0x7b: {  	_ =	shalt  }
0x7c: {  	_ =	shalt  }
0x7d: {  	_ =	shalt  }
0x7e: {  	_ =	shalt  }
0x7f: {  	_ =	shalt  }
0x80: {  	_ =	shalt  }
0x81: {  	_ =	shalt  }
0x82: {  	_ =	shalt  }
0x83: {  	_ =	shalt  }
0x84: {  	_ =	shalt  }
0x85: {  	_ =	shalt  }
0x86: {  	_ =	shalt  }
0x87: {  	_ =	shalt  }
.Lfunc_end0:
.L_simem_size_0:
called_computation_lowered:
.L_overlay_start_0:
0x88: {  	s2 =	sld [smem:$0x3FD9]  }
0x89: {  	s3 =	sld [smem:$0x3FFE];
	_ =	sdelay $0x1  }
0x8a: {  	s1 =	srdreg.scid  }
0x8b: {  	s0 =	sand.u32 $0x1, s1  }
0x8c: {  	s17 =	sshll.u32 s0, $0xA;
	s2 =	sadd.s32 s3, s2  }
0x8d: {  	s2 =	sadd.s32 s2, s17  }
0x8e: {  	[smem:$0x3FC5] =	sst s2  }
0x8f: {  	_ = 	snop  }
0x90: {  	s2 =	sld [smem:$0x3FD0];
	(tm) =	ssettm $0x1  }
0x91: {  	s18 =	sld [smem:$0x3FFB];
	_ =	sdelay $0x3  }
0x92: {  	_ =	strace s18  }
0x93: {  	s3 =	sld [smem:$0x3FFC];
	_ =	sdelay $0x3  }
0x94: {  	_ =	strace s3  }
0x95: {  	s3 =	sld [smem:$0x3FFD];
	_ =	sdelay $0x3  }
0x96: {  	_ =	strace s3  }
0x97: {  	_ =	strace $0x8FFFFFFF  }
0x98: {  	s19 =	sld [smem:$0x3FDB];
	_ =	sdelay $0x1  }
0x99: {  	s4 =	simm.s32 $_scs_section_size  }
0x9a: {  	s5 =	simm.s32 $_size__tile_overlayer_lowered;
	s6 =	simm.s32 $_tile_overlayer_lowered  }
0x9b: {  	s22 =	simm.s32 $0x1BFF;
	s21 =	sshll.u32 s6, $0x1;
	s3 =	sadd.s32 s4, s19  }
0x9c: {  	s7 =	simm.s32 $0x0;
	s20 =	sshll.u32 s5, $0x1;
	s5 =	sadd.s32 s21, s3  }
0x9d: {  	[timem:s7], [sflag:s22] =	dma.local [hbm:s5], s20  }
0x9e: {  	_ =	swait.ge [sflag:s22], s20  }
0x9f: {  	s4 =	ssub.s32 $0x0, s20;
	[sflag:s22] =	ssyncset.done $0x0  }
0xa0: {  	[sflag:s22] =	ssyncadd.s32 s4;
	_ =	sdelay $0x1  }
0xa1: {  	s23 =	simm.s32 $0x1B8B  }
0xa2: {  	_ =	swait.ge [sflag:s23], $0x1  }
0xa3: {  	[sflag:s23] =	ssyncset.done $0x0  }
0xa4: {  	s25 =	simm.s32 $0x1B8E;
	s24 =	sld [smem:$0x3FFE];
	[sflag:s23] =	ssyncadd.s32 $0xFFFFFFFF  }
0xa5: {  	s26 =	simm.s32 $execute0_lowered;
	[smem:$0x3FD2] =	sst s25  }
0xa6: {  	s5 =	sshll.u32 s26, $0x1;
	_ =	strace $0x80000046;
	[dreg:$0x1] =	wrdreg $0xFFFFFFFF  }
0xa7: {  	s28 =	simm.s32 $_size_execute0_lowered;
	s3 =	sadd.s32 s3, s5;
	[dreg:$0x0] =	wrdreg $0x0  }
0xa8: {  	s5 =	sshll.u32 s28, $0x1;
	[dreg:$0x2] =	wrdreg s3  }
0xa9: {  	[dreg:$0x3] =	wrdreg s5  }
0xaa: {  	[dreg:$0x4] =	wrdreg $0xC0  }
0xab: {  	_ =	task [dreg:s7], $0x5FFFF  }
0xac: {  	[dreg:$0x1] =	wrdreg $0xFFFFFFFF  }
0xad: {  	[dreg:$0x0] =	wrdreg $0x60  }
0xae: {  	[dreg:$0x2] =	wrdreg s24  }
0xaf: {  	[dreg:$0x3] =	wrdreg s2  }
0xb0: {  	[dreg:$0x4] =	wrdreg $0x9  }
0xb1: {  	_ =	task.clear_ibuf [dreg:s7], $0x5FFFF;
	_ =	strace $0x90000046  }
0xb2: {  	s29 =	simm.s32 $0x9;
	_ =	strace $0x80000048  }
0xb3: {  	_ =	swait.ge [sflag:s29], $0x1  }
0xb4: {  	[sflag:s29] =	ssyncadd.s32 $0xFFFFFFFF  }
0xb5: {  	_ =	strace $0x90000048  }
0xb6: {  	_ =	sfence  }
0xb7: {  	s30 =	sld [smem:$0x0];
	_ =	sdelay $0x2  }
0xb8: {  	s31 =	sshll.u32 s1, $0xD;
	s1 =	sshrl.u32 s1, $0x2  }
0xb9: {  	s3 =	sand.u32 $0x4000, s31;
	s1 =	sadd.s32 s1, s30  }
0xba: {  	s0 =	sor.u32 s3, s0;
	s1 =	sshll.u32 s1, $0x11  }
0xbb: {  	s0 =	sor.u32 s1, s0  }
0xbc: {  	s0 =	sadd.s32 $0x8F2B, s0  }
0xbd: {  	[sflag:s0] =	ssyncadd.remote.s32 $0x1  }
0xbe: {  	_ =	sfence.sel $0xFFFF  }
0xbf: {  	[dreg:$0x0] =	wrdreg $0xFFFFFFFF;
	(pc) =	sbr.abs _section_cstart, $3  }
0xc0: {  	[dreg:$0x1] =	wrdreg $0xFFFFFFFF  }
0xc1: {  	_ =	task.clear_ibuf [dreg:s7], $0x2FFFF;
	_ =	strace $0x9FFFFFFF  }
0xc2: {  	(tm) =	ssettm $0x7FFFFFFF  }
0xc3: {  	_ =	shalt  }
tec
execute0_lowered:
.L_overlay_start_1:
0x0: {  	(tag) =	ssettag $0x1  }
0x1: {  	s2 =	rddreg [dreg:$0x0];
	s0 =	srdreg.scid  }
0x2: {  	s3 =	stileid.u32;
	s1 =	rddreg [dreg:$0x1];
	s8 =	simm.s32 $0x3  }
0x3: {  	s10 =	simm.s32 $0x80;
	s12 =	simm.s32 $0x48;
	s23 =	simm.s32 $0xBB80  }
0x4: {  	s24 =	simm.s32 $0x2D8;
	s25 =	simm.s32 $0xCB80;
	s28 =	simm.s32 $0xD480  }
0x5: {  	s29 =	simm.s32 $0xE480;
	s30 =	simm.s32 $0xED80;
	s31 =	simm.s32 $0xFD80  }
0x6: {  	s9 =	simm.s32 $0x11F80;
	s11 =	simm.s32 $0x12F80;
	s13 =	simm.s32 $0x2  }
0x7: {  	s14 =	simm.s32 $0x13880;
	s0 =	sand.u32 $0x1, s0;
	s4 =	sshll.u32 s3, $0x1  }
0x8: {  	s15 =	simm.s32 $0x0;
	s3 =	simm.s32 $0x0;
	s5 =	sor.u32 s0, s4  }
0x9: {  	[smem:$0x7FF] =	sst s3;
	s0 =	ssub.s32 $0x2, s0;
	s6 =	smul.u32 $0xC80, s5  }
0xa: {  	s4 =	sadd.s32 $0x19200, s2;
	_ =	strace $0x80000047;
	s7 =	sshrl.u32 s0, $0x1  }
0xb: {  	s26 =	sshll.u32 s5, $0x9;
	s0 =	ssub.s32 s0, s7;
	s6 =	sadd.s32 s6, s2  }
0xc: {  	s7 =	smax.u32 s0, $0x1;
	s0 =	simm.s32 $0x11680;
	s5 =	sadd.s32 $0x200, s6  }
0xd: {  	s6 =	sadd.s32 s1, s26;
	s26 =	simm.s32 $0x1;
	s1 =	simm.s32 $0x10680  }
.LBB2_1:
0xe: {  	[tilespmem:s3], [sflag:$0x3] =	stream.linear.gather [hbm4b:s5+s3], $0x6400, $0x38;
	[tilespmem:$0x14880] =	vst v63  }
0xf: {  	_ =	swait.ge [sflag:s8], $0x6400  }
0x10: {  	[sflag:s8] =	ssyncset.done $0x0  }
0x11: {  	s16 =	simm.s32 $0x6400;
	[sflag:s8] =	ssyncadd.s32 $0xFFFF9C00  }
0x12: {  	[tilespmem:s16], [sflag:$0x3] =	stream.linear.gather [hbm4b:s2+s3], $0xC80, $0x38;
	[tilespmem:$0x14880] =	vst v63  }
0x13: {  	_ =	swait.ge [sflag:s8], $0xC80  }
0x14: {  	[sflag:s8] =	ssyncset.done $0x0  }
0x15: {  	s18 =	simm.s32 $0x7080;
	[sflag:s8] =	ssyncadd.s32 $0xFFFFF380  }
0x16: {  	[tilespmem:s18], [sflag:$0x1] =	stream.indirect.gather [hbm4b:s4+s10], $0x20, s3, s10, $0xb8;
	[tilespmem:$0x14880] =	vst v63  }
0x17: {  	s19 =	simm.s32 $0x8080  }
0x18: {  	[tilespmem:s19], [sflag:$0x1] =	stream.indirect.gather [hbm4b:s4+s12], $0x20, s10, s12, $0xb8;
	[tilespmem:$0x14880] =	vst v63  }
0x19: {  	s20 =	simm.s32 $0xC8;
	s17 =	simm.s32 $0x8980  }
0x1a: {  	[tilespmem:s17], [sflag:$0x1] =	stream.indirect.gather [hbm4b:s4+s10], $0x20, s20, s10, $0xb8;
	[tilespmem:$0x14880] =	vst v63  }
0x1b: {  	s21 =	simm.s32 $0x148;
	s22 =	simm.s32 $0x9980  }
0x1c: {  	[tilespmem:s22], [sflag:$0x1] =	stream.indirect.gather [hbm4b:s4+s12], $0x20, s21, s12, $0xb8;
	[tilespmem:$0x14880] =	vst v63  }
0x1d: {  	s18 =	simm.s32 $0x190;
	s19 =	simm.s32 $0xA280  }
0x1e: {  	[tilespmem:s19], [sflag:$0x1] =	stream.indirect.gather [hbm4b:s4+s10], $0x20, s18, s10, $0xb8;
	[tilespmem:$0x14880] =	vst v63  }
0x1f: {  	s20 =	simm.s32 $0x210;
	s21 =	simm.s32 $0xB280  }
0x20: {  	[tilespmem:s21], [sflag:$0x1] =	stream.indirect.gather [hbm4b:s4+s12], $0x20, s20, s12, $0xb8;
	[tilespmem:$0x14880] =	vst v63  }
0x21: {  	s22 =	simm.s32 $0x258  }
0x22: {  	[tilespmem:s23], [sflag:$0x1] =	stream.indirect.gather [hbm4b:s4+s10], $0x20, s22, s10, $0xb8;
	[tilespmem:$0x14880] =	vst v63  }
0x23: {  	s16 =	simm.s32 $0x0  }
0x24: {  	[tilespmem:s25], [sflag:$0x1] =	stream.indirect.gather [hbm4b:s4+s12], $0x20, s24, s12, $0xb8;
	[tilespmem:$0x14880] =	vst v63  }
.LBB2_2:
0x25: {  	_ =	swait.ge [sflag:s26], $0x1000  }
0x26: {  	[sflag:s26] =	ssyncset.done $0x0  }
0x27: {  	[sflag:s26] =	ssyncadd.s32 $0xFFFFF000  }
0x28: {  	_ =	swait.ge [sflag:s26], $0x900  }
0x29: {  	[sflag:s26] =	ssyncset.done $0x0  }
0x2a: {  	[sflag:s26] =	ssyncadd.s32 $0xFFFFF700  }
0x2b: {  	_ =	swait.ge [sflag:s26], $0x1000  }
0x2c: {  	[sflag:s26] =	ssyncset.done $0x0  }
0x2d: {  	[sflag:s26] =	ssyncadd.s32 $0xFFFFF000  }
0x2e: {  	_ =	swait.ge [sflag:s26], $0x900  }
0x2f: {  	[sflag:s26] =	ssyncset.done $0x0  }
0x30: {  	[sflag:s26] =	ssyncadd.s32 $0xFFFFF700  }
0x31: {  	_ =	swait.ge [sflag:s26], $0x1000  }
0x32: {  	[sflag:s26] =	ssyncset.done $0x0  }
0x33: {  	[sflag:s26] =	ssyncadd.s32 $0xFFFFF000  }
0x34: {  	_ =	swait.ge [sflag:s26], $0x900  }
0x35: {  	[sflag:s26] =	ssyncset.done $0x0  }
0x36: {  	[sflag:s26] =	ssyncadd.s32 $0xFFFFF700  }
0x37: {  	_ =	swait.ge [sflag:s26], $0x1000  }
0x38: {  	[sflag:s26] =	ssyncset.done $0x0  }
0x39: {  	s17 =	sshllo.u32 s16, $0x1;
	[sflag:s26] =	ssyncadd.s32 $0xFFFFF000  }
0x3a: {  	s18 =	smul.u32 $0xC80, s17;
	_ =	swait.ge [sflag:s26], $0x900  }
0x3b: {  	[sflag:s26] =	ssyncset.done $0x0  }
0x3c: {  	s18 =	sshra.s32 s18, $0x2;
	[sflag:s26] =	ssyncadd.s32 $0xFFFFF700  }
0x3d: {  	[tilespmem:s28], [sflag:$0x2] =	stream.indirect.gather [hbm4b:s4+s10], $0x20, s18, s10, $0xb8;
	[tilespmem:$0x14880] =	vst v63  }
0x3e: {  	s19 =	sadd.s32 $0x80, s18  }
0x3f: {  	[tilespmem:s29], [sflag:$0x2] =	stream.indirect.gather [hbm4b:s4+s12], $0x20, s19, s12, $0xb8;
	[tilespmem:$0x14880] =	vst v63  }
0x40: {  	s21 =	sadd.s32 $0xC8, s18  }
0x41: {  	[tilespmem:s30], [sflag:$0x2] =	stream.indirect.gather [hbm4b:s4+s10], $0x20, s21, s10, $0xb8;
	[tilespmem:$0x14880] =	vst v63  }
0x42: {  	s22 =	sadd.s32 $0x148, s18  }
0x43: {  	[tilespmem:s31], [sflag:$0x2] =	stream.indirect.gather [hbm4b:s4+s12], $0x20, s22, s12, $0xb8;
	[tilespmem:$0x14880] =	vst v63  }
0x44: {  	s20 =	sadd.s32 $0x190, s18  }
0x45: {  	[tilespmem:s1], [sflag:$0x2] =	stream.indirect.gather [hbm4b:s4+s10], $0x20, s20, s10, $0xb8;
	[tilespmem:$0x14880] =	vst v63  }
0x46: {  	s21 =	sadd.s32 $0x210, s18  }
0x47: {  	[tilespmem:s0], [sflag:$0x2] =	stream.indirect.gather [hbm4b:s4+s12], $0x20, s21, s12, $0xb8;
	[tilespmem:$0x14880] =	vst v63  }
0x48: {  	s22 =	sadd.s32 $0x258, s18  }
0x49: {  	[tilespmem:s9], [sflag:$0x2] =	stream.indirect.gather [hbm4b:s4+s10], $0x20, s22, s10, $0xb8;
	[tilespmem:$0x14880] =	vst v63  }
0x4a: {  	s19 =	simm.s32 $0x6440;
	s18 =	sadd.s32 $0x2D8, s18  }
0x4b: {  	[tilespmem:s11], [sflag:$0x2] =	stream.indirect.gather [hbm4b:s4+s12], $0x20, s18, s12, $0xb8;
	[tilespmem:$0x14880] =	vst v63  }
0x4c: {  	s18 =	simm.s32 $0x0;
	v0 =	vld [tilespmem:s19+$0x30]  }
0x4d: {  	v5 =	vld [tilespmem:s18+$0x7160]  }
0x4e: {  	v6 =	vld [tilespmem:s18+$0x7170]  }
0x4f: {  	v7 =	vld [tilespmem:s18+$0x8A60]  }
0x50: {  	v8 =	vld [tilespmem:s18+$0x8A70]  }
0x51: {  	v9 =	vld [tilespmem:s18+$0xA360]  }
0x52: {  	v10 =	vld [tilespmem:s18+$0xA370]  }
0x53: {  	v1 =	vld [tilespmem:s19+$0x20]  }
0x54: {  	v11 =	vld [tilespmem:s18+$0x7140]  }
0x55: {  	v12 =	vld [tilespmem:s18+$0x7150]  }
0x56: {  	v13 =	vld [tilespmem:s18+$0x8A40]  }
0x57: {  	v14 =	vld [tilespmem:s18+$0x8A50]  }
0x58: {  	v15 =	vld [tilespmem:s18+$0xA340]  }
0x59: {  	v16 =	vld [tilespmem:s18+$0xA350]  }
0x5a: {  	v2 =	vld [tilespmem:s19+$0x10]  }
0x5b: {  	v17 =	vld [tilespmem:s18+$0x7120]  }
0x5c: {  	v19 =	vld [tilespmem:s18+$0x7130]  }
0x5d: {  	v21 =	vld [tilespmem:s18+$0x8A20]  }
0x5e: {  	v28 =	vld [tilespmem:s18+$0x8A30]  }
0x5f: {  	v29 =	vld [tilespmem:s18+$0xA320]  }
0x60: {  	v30 =	vld [tilespmem:s18+$0xA330]  }
0x61: {  	v3 =	vld [tilespmem:s19+$0x0]  }
0x62: {  	v31 =	vld [tilespmem:s18+$0x7100]  }
0x63: {  	v36 =	vld [tilespmem:s18+$0x7110]  }
0x64: {  	v37 =	vld [tilespmem:s18+$0x8A00]  }
0x65: {  	v38 =	vld [tilespmem:s18+$0x8A10]  }
0x66: {  	v39 =	vld [tilespmem:s18+$0xA300]  }
0x67: {  	v40 =	vld [tilespmem:s18+$0xA310]  }
0x68: {  	v4 =	vld [tilespmem:s19+$0xFFFFFFF0]  }
0x69: {  	v41 =	vld [tilespmem:s18+$0x70E0]  }
0x6a: {  	v42 =	vld [tilespmem:s18+$0x70F0];
	v23 =	vmul.f32 v5, v0;
	v22 =	vmul.f32 v6, v0  }
0x6b: {  	v43 =	vld [tilespmem:s18+$0x70C0];
	v20 =	vmul.f32 v7, v0;
	v18 =	vmul.f32 v8, v0  }
0x6c: {  	v44 =	vld [tilespmem:s18+$0x70D0];
	v7 =	vmul.f32 v9, v0;
	v5 =	vmul.f32 v10, v0  }
0x6d: {  	v6 =	vld [tilespmem:s19+$0xFFFFFFE0];
	v27 =	vmul.f32 v11, v1;
	v26 =	vmul.f32 v12, v1  }
0x6e: {  	v9 =	vld [tilespmem:s19+$0xFFFFFFD0];
	v25 =	vmul.f32 v13, v1;
	v24 =	vmul.f32 v14, v1  }
0x6f: {  	v11 =	vld [tilespmem:s18+$0x70A0];
	v10 =	vmul.f32 v15, v1;
	v8 =	vmul.f32 v16, v1  }
0x70: {  	v15 =	vld [tilespmem:s18+$0x70B0];
	v35 =	vmul.f32 v17, v2;
	v34 =	vmul.f32 v19, v2  }
0x71: {  	v13 =	vld [tilespmem:s19+$0xFFFFFFC0];
	v33 =	vmul.f32 v21, v2;
	v32 =	vmul.f32 v28, v2  }
0x72: {  	v16 =	vld [tilespmem:s18+$0x7080];
	v14 =	vmul.f32 v29, v2;
	v12 =	vmul.f32 v30, v2  }
0x73: {  	v19 =	vld [tilespmem:s18+$0x7090];
	v28 =	vmul.f32 v31, v3;
	v30 =	vmul.f32 v36, v3  }
0x74: {  	v29 =	vld [tilespmem:s18+$0x8980];
	v45 =	vmul.f32 v37, v3;
	v46 =	vmul.f32 v38, v3  }
0x75: {  	v31 =	vld [tilespmem:s18+$0x8990];
	v21 =	vmul.f32 v39, v3;
	v17 =	vmul.f32 v40, v3  }
0x76: {  	v62 =	vld [tilespmem:s18+$0x89A0];
	v37 =	vmul.f32 v41, v4;
	v38 =	vmul.f32 v42, v4  }
0x77: {  	v63 =	vld [tilespmem:s18+$0x89B0];
	v52 =	vmul.f32 v43, v6;
	v53 =	vmul.f32 v44, v6  }
0x78: {  	v56 =	vld [tilespmem:s18+$0x89D0];
	v11 =	vmul.f32 v11, v9;
	v54 =	vmul.f32 v15, v9  }
0x79: {  	v55 =	vld [tilespmem:s18+$0x89C0];
	v16 =	vmul.f32 v16, v13;
	v19 =	vmul.f32 v19, v13  }
0x7a: {  	v47 =	vld [tilespmem:s18+$0x89E0];
	v15 =	vimm.f32 $0.0e+00;
	v29 =	vmul.f32 v29, v13;
	v31 =	vmul.f32 v31, v13  }
0x7b: {  	v48 =	vld [tilespmem:s18+$0x89F0];
	v36 =	vmul.f32 v62, v9;
	v16 =	vadd.f32 v16, v15;
	v19 =	vadd.f32 v19, v15  }
0x7c: {  	v59 =	vld [tilespmem:s18+$0xA2C0];
	v39 =	vmul.f32 v63, v9;
	v29 =	vadd.f32 v29, v15;
	v31 =	vadd.f32 v31, v15  }
0x7d: {  	v49 =	vld [tilespmem:s18+$0xA2E0];
	v58 =	vmul.f32 v56, v6;
	v11 =	vadd.f32 v11, v16;
	v16 =	vadd.f32 v54, v19  }
0x7e: {  	v57 =	vld [tilespmem:s18+$0xA2F0];
	v19 =	vmul.f32 v55, v6;
	v29 =	vadd.f32 v36, v29;
	v31 =	vadd.f32 v39, v31  }
0x7f: {  	v60 =	vld [tilespmem:s18+$0xA2D0];
	v61 =	vmul.f32 v47, v4;
	v11 =	vadd.f32 v52, v11;
	v16 =	vadd.f32 v53, v16  }
0x80: {  	v62 =	vmul.f32 v48, v4;
	v19 =	vadd.f32 v19, v29;
	v36 =	vadd.f32 v58, v31  }
0x81: {  	v39 =	vmul.f32 v59, v6;
	v31 =	vld [tilespmem:s18+$0xA2A0];
	v11 =	vadd.f32 v37, v11;
	v16 =	vadd.f32 v38, v16  }
0x82: {  	v29 =	vld [tilespmem:s18+$0xA2B0];
	v37 =	vmul.f32 v49, v4;
	v19 =	vadd.f32 v61, v19;
	v63 =	vadd.f32 v62, v36  }
0x83: {  	v40 =	vld [tilespmem:s18+$0xA280];
	v36 =	vmul.f32 v57, v4;
	v44 =	vadd.f32 v28, v11;
	v43 =	vadd.f32 v30, v16  }
0x84: {  	v38 =	vmul.f32 v60, v6;
	v30 =	vld [tilespmem:s18+$0xA290];
	v42 =	vadd.f32 v45, v19;
	v41 =	vadd.f32 v46, v63  }
0x85: {  	s20 =	simm.s32 $0x400;
	v28 =	vld [tilespmem:s18+$0xBB80];
	v19 =	vimm.f32 $0.0e+00;
	v16 =	vimm.f32 $0.0e+00;
	v11 =	vimm.f32 $0.0e+00  }
.LBB2_3:
0x86: {  	p0 =	sne.s32 s20, $0x6000;
	v45 =	vld [tilespmem:s18+$0xBB90];
	v46 =	vmul.f32 v31, v9;
	v31 =	vadd.f32 v35, v44;
	v34 =	vadd.f32 v34, v43  }
0x87: {  	v35 =	vmul.f32 v29, v9;
	v43 =	vld [tilespmem:s18+$0xBBA0];
	v29 =	vadd.f32 v33, v42;
	v32 =	vadd.f32 v32, v41  }
0x88: {  	v33 =	vmul.f32 v40, v13;
	v40 =	vld [tilespmem:s18+$0xBBB0];
	v27 =	vadd.f32 v27, v31;
	v26 =	vadd.f32 v26, v34  }
0x89: {  	v34 =	vmul.f32 v30, v13;
	v41 =	vld [tilespmem:s18+$0xBBC0];
	v25 =	vadd.f32 v25, v29;
	v24 =	vadd.f32 v24, v32  }
0x8a: {  	v32 =	vmul.f32 v28, v13;
	v42 =	vld [tilespmem:s18+$0xBBD0];
	v28 =	vadd.f32 v23, v27;
	v29 =	vadd.f32 v22, v26  }
0x8b: {  	v13 =	vmul.f32 v45, v13;
	v22 =	vld [tilespmem:s18+$0xBBE0];
	v30 =	vadd.f32 v20, v25;
	v31 =	vadd.f32 v18, v24  }
0x8c: {  	v15 =	vadd.f32 v33, v15;
	v18 =	vadd.f32 v34, v19;
	v19 =	vmul.f32 v43, v9;
	v20 =	vld [tilespmem:s18+$0xBBF0]  }
0x8d: {  	v16 =	vadd.f32 v32, v16;
	v11 =	vadd.f32 v13, v11;
	v9 =	vmul.f32 v40, v9;
	v13 =	vld [tilespmem:s18+$0xBC00]  }
0x8e: {  	v15 =	vadd.f32 v46, v15;
	v18 =	vadd.f32 v35, v18;
	v23 =	vmul.f32 v41, v6;
	v24 =	vld [tilespmem:s18+$0xBC10]  }
0x8f: {  	v16 =	vadd.f32 v19, v16;
	v9 =	vadd.f32 v9, v11;
	v6 =	vmul.f32 v42, v6;
	v11 =	vld [tilespmem:s18+$0xBC20]  }
0x90: {  	v15 =	vadd.f32 v39, v15;
	v18 =	vadd.f32 v38, v18;
	v19 =	vmul.f32 v22, v4;
	v22 =	vld [tilespmem:s18+$0xBC30]  }
0x91: {  	v16 =	vadd.f32 v23, v16;
	v6 =	vadd.f32 v6, v9;
	v4 =	vmul.f32 v20, v4;
	v9 =	vld [tilespmem:s18+$0xBC40]  }
0x92: {  	v15 =	vadd.f32 v37, v15;
	v18 =	vadd.f32 v36, v18;
	v13 =	vmul.f32 v13, v3;
	v20 =	vld [tilespmem:s18+$0xBC50]  }
0x93: {  	v16 =	vadd.f32 v19, v16;
	v4 =	vadd.f32 v4, v6;
	v3 =	vmul.f32 v24, v3;
	v6 =	vld [tilespmem:s18+$0xBC60]  }
0x94: {  	s19 =	sadd.s32 $0x80, s19;
	v15 =	vadd.f32 v21, v15;
	v17 =	vadd.f32 v17, v18;
	v11 =	vmul.f32 v11, v2;
	v18 =	vld [tilespmem:s18+$0xBC70]  }
0x95: {  	s18 =	sshra.s32 s20, $0x2;
	v13 =	vadd.f32 v13, v16;
	v21 =	vld [tilespmem:s19+$0x30];
	v3 =	vadd.f32 v3, v4;
	v2 =	vmul.f32 v22, v2  }
0x96: {  	v4 =	vadd.f32 v14, v15;
	v12 =	vadd.f32 v12, v17;
	v22 =	vld [tilespmem:s18+$0x7160];
	v9 =	vmul.f32 v9, v1  }
0x97: {  	v11 =	vadd.f32 v11, v13;
	v14 =	vld [tilespmem:s18+$0x7170];
	v2 =	vadd.f32 v2, v3;
	v1 =	vmul.f32 v20, v1  }
0x98: {  	v3 =	vadd.f32 v10, v4;
	v4 =	vadd.f32 v8, v12;
	v13 =	vld [tilespmem:s18+$0x8A60];
	v6 =	vmul.f32 v6, v0  }
0x99: {  	v9 =	vadd.f32 v9, v11;
	v8 =	vld [tilespmem:s18+$0x8A70];
	v1 =	vadd.f32 v1, v2;
	v2 =	vmul.f32 v18, v0  }
0x9a: {  	v15 =	vadd.f32 v7, v3;
	v19 =	vadd.f32 v5, v4;
	v10 =	vld [tilespmem:s18+$0xA360];
	v0 =	vmov v21  }
0x9b: {  	v16 =	vadd.f32 v6, v9;
	v5 =	vld [tilespmem:s18+$0xA370];
	v11 =	vadd.f32 v2, v1  }
0x9c: {  	v1 =	vld [tilespmem:s19+$0x20]  }
0x9d: {  	v9 =	vld [tilespmem:s18+$0x7140]  }
0x9e: {  	v12 =	vld [tilespmem:s18+$0x7150]  }
0x9f: {  	v17 =	vld [tilespmem:s18+$0x8A40]  }
0xa0: {  	v21 =	vld [tilespmem:s18+$0x8A50]  }
0xa1: {  	v32 =	vld [tilespmem:s18+$0xA340]  }
0xa2: {  	v33 =	vld [tilespmem:s18+$0xA350]  }
0xa3: {  	v2 =	vld [tilespmem:s19+$0x10]  }
0xa4: {  	v34 =	vld [tilespmem:s18+$0x7120]  }
0xa5: {  	v36 =	vld [tilespmem:s18+$0x7130]  }
0xa6: {  	v37 =	vld [tilespmem:s18+$0x8A20]  }
0xa7: {  	v38 =	vld [tilespmem:s18+$0x8A30]  }
0xa8: {  	v39 =	vld [tilespmem:s18+$0xA320]  }
0xa9: {  	v40 =	vld [tilespmem:s18+$0xA330]  }
0xaa: {  	v3 =	vld [tilespmem:s19+$0x0]  }
0xab: {  	v41 =	vld [tilespmem:s18+$0x7100]  }
0xac: {  	v42 =	vld [tilespmem:s18+$0x7110]  }
0xad: {  	v43 =	vld [tilespmem:s18+$0x8A00]  }
0xae: {  	v44 =	vld [tilespmem:s18+$0x8A10]  }
0xaf: {  	v45 =	vld [tilespmem:s18+$0xA300]  }
0xb0: {  	v46 =	vld [tilespmem:s18+$0xA310]  }
0xb1: {  	v4 =	vld [tilespmem:s19+$0xFFFFFFF0]  }
0xb2: {  	v47 =	vld [tilespmem:s18+$0x70E0]  }
0xb3: {  	v23 =	vmul.f32 v22, v0;
	v22 =	vmul.f32 v14, v0;
	v48 =	vld [tilespmem:s18+$0x70F0]  }
0xb4: {  	v20 =	vmul.f32 v13, v0;
	v18 =	vmul.f32 v8, v0;
	v6 =	vld [tilespmem:s19+$0xFFFFFFE0]  }
0xb5: {  	v7 =	vmul.f32 v10, v0;
	v5 =	vmul.f32 v5, v0;
	v49 =	vld [tilespmem:s18+$0x70C0]  }
0xb6: {  	v27 =	vmul.f32 v9, v1;
	v26 =	vmul.f32 v12, v1;
	v50 =	vld [tilespmem:s18+$0x70D0]  }
0xb7: {  	v25 =	vmul.f32 v17, v1;
	v24 =	vmul.f32 v21, v1;
	v9 =	vld [tilespmem:s19+$0xFFFFFFD0]  }
0xb8: {  	v10 =	vmul.f32 v32, v1;
	v8 =	vmul.f32 v33, v1;
	v51 =	vld [tilespmem:s18+$0x70A0]  }
0xb9: {  	v35 =	vmul.f32 v34, v2;
	v34 =	vmul.f32 v36, v2;
	v52 =	vld [tilespmem:s18+$0x70B0]  }
0xba: {  	v33 =	vmul.f32 v37, v2;
	v32 =	vmul.f32 v38, v2;
	v13 =	vld [tilespmem:s19+$0xFFFFFFC0]  }
0xbb: {  	v14 =	vmul.f32 v39, v2;
	v12 =	vmul.f32 v40, v2;
	v36 =	vld [tilespmem:s18+$0x7080]  }
0xbc: {  	v38 =	vmul.f32 v41, v3;
	v41 =	vmul.f32 v42, v3;
	v37 =	vld [tilespmem:s18+$0x7090]  }
0xbd: {  	v42 =	vmul.f32 v43, v3;
	v53 =	vmul.f32 v44, v3;
	v39 =	vld [tilespmem:s18+$0x8980]  }
0xbe: {  	v21 =	vmul.f32 v45, v3;
	v17 =	vmul.f32 v46, v3;
	v40 =	vld [tilespmem:s18+$0x8990]  }
0xbf: {  	v44 =	vmul.f32 v47, v4;
	v45 =	vmul.f32 v48, v4;
	v43 =	vld [tilespmem:s18+$0x89A0]  }
0xc0: {  	v47 =	vmul.f32 v49, v6;
	v48 =	vmul.f32 v50, v6;
	v46 =	vld [tilespmem:s18+$0x89B0]  }
0xc1: {  	v49 =	vmul.f32 v51, v9;
	v50 =	vmul.f32 v52, v9;
	v51 =	vld [tilespmem:s18+$0x89C0]  }
0xc2: {  	v36 =	vmul.f32 v36, v13;
	v37 =	vmul.f32 v37, v13;
	v52 =	vld [tilespmem:s18+$0x89D0]  }
0xc3: {  	v39 =	vmul.f32 v39, v13;
	v40 =	vmul.f32 v40, v13;
	v54 =	vld [tilespmem:s18+$0x89E0]  }
0xc4: {  	v28 =	vadd.f32 v36, v28;
	v29 =	vadd.f32 v37, v29;
	v36 =	vmul.f32 v43, v9;
	v37 =	vld [tilespmem:s18+$0x89F0]  }
0xc5: {  	v30 =	vadd.f32 v39, v30;
	v31 =	vadd.f32 v40, v31;
	v39 =	vmul.f32 v46, v9;
	v40 =	vld [tilespmem:s18+$0xA2E0]  }
0xc6: {  	v28 =	vadd.f32 v49, v28;
	v29 =	vadd.f32 v50, v29;
	v43 =	vmul.f32 v51, v6;
	v46 =	vld [tilespmem:s18+$0xA2F0]  }
0xc7: {  	v30 =	vadd.f32 v36, v30;
	v36 =	vadd.f32 v39, v31;
	v39 =	vmul.f32 v52, v6;
	v49 =	vld [tilespmem:s18+$0xA2C0]  }
0xc8: {  	v28 =	vadd.f32 v47, v28;
	v47 =	vadd.f32 v48, v29;
	v48 =	vld [tilespmem:s18+$0xA2D0];
	v50 =	vmul.f32 v54, v4  }
.Ltmp0:
0xc9: {  	v30 =	vadd.f32 v43, v30;
	v31 =	vld [tilespmem:s18+$0xA2A0];
	v36 =	vadd.f32 v39, v36;
	v39 =	vmul.f32 v37, v4;
	(pc) =	sbr.rel @p0 .LBB2_3-.Ltmp0, $4  }
0xca: {  	v28 =	vadd.f32 v44, v28;
	v43 =	vadd.f32 v45, v47;
	v29 =	vld [tilespmem:s18+$0xA2B0];
	v37 =	vmul.f32 v40, v4  }
0xcb: {  	v45 =	vadd.f32 v50, v30;
	v40 =	vld [tilespmem:s18+$0xA280];
	v47 =	vadd.f32 v39, v36;
	v36 =	vmul.f32 v46, v4  }
0xcc: {  	v44 =	vadd.f32 v38, v28;
	v43 =	vadd.f32 v41, v43;
	v30 =	vld [tilespmem:s18+$0xA290];
	v39 =	vmul.f32 v49, v6  }
0xcd: {  	s20 =	sadd.s32 $0x400, s20;
	v42 =	vadd.f32 v42, v45;
	v28 =	vld [tilespmem:s18+$0xBB80];
	v38 =	vmul.f32 v48, v6;
	v41 =	vadd.f32 v53, v47  }
0xce: {  	v35 =	vadd.f32 v35, v44;
	_ =	sdelay $0x1  }
0xcf: {  	v27 =	vadd.f32 v27, v35;
	_ =	sdelay $0x1  }
0xd0: {  	v23 =	vadd.f32 v23, v27;
	_ =	sdelay $0x1  }
0xd1: {  	v27 =	vand.u32 $0x7FFFFFFF, v23  }
0xd2: {  	v27 =	vmul.f32 $-2.000000000e+00, v27;
	_ =	sdelay $0x1  }
0xd3: {  	v27 =	vmul.f32 $1.442695020e+00, v27;
	_ =	sdelay $0x1  }
0xd4: {  	(erf) = vpow2.f32 v27;
	_ =	sdelay $0x1  }
0xd5: {  	v27 =	vadd.f32 v34, v43;
	_ =	sdelay $0x1  }
0xd6: {  	v26 =	vadd.f32 v26, v27;
	_ =	sdelay $0x1  }
0xd7: {  	v22 =	vadd.f32 v22, v26;
	_ =	sdelay $0x1  }
0xd8: {  	v26 =	vand.u32 $0x7FFFFFFF, v22  }
0xd9: {  	v26 =	vmul.f32 $-2.000000000e+00, v26;
	v27 =	vpop (erf)  }
0xda: {  	v48 =	vadd.f32 $1.000000000e+00, v27  }
0xdb: {  	v26 =	vmul.f32 $1.442695020e+00, v26  }
0xdc: {  	(erf) = vrcp.f32 v48  }
0xdd: {  	(erf) = vpow2.f32 v26;
	_ =	sdelay $0x1  }
0xde: {  	v26 =	vadd.f32 v33, v42;
	_ =	sdelay $0x1  }
0xdf: {  	v25 =	vadd.f32 v25, v26;
	_ =	sdelay $0x1  }
0xe0: {  	v20 =	vadd.f32 v20, v25;
	_ =	sdelay $0x1  }
0xe1: {  	v26 =	vand.u32 $0x7FFFFFFF, v20;
	v25 =	vpop (erf)  }
0xe2: {  	v26 =	vmul.f32 $-2.000000000e+00, v26;
	v49 =	vpop (erf)  }
0xe3: {  	v50 =	vadd.f32 $1.000000000e+00, v49  }
0xe4: {  	v26 =	vmul.f32 $1.442695020e+00, v26  }
0xe5: {  	(erf) = vrcp.f32 v50  }
0xe6: {  	(erf) = vpow2.f32 v26;
	_ =	sdelay $0x1  }
0xe7: {  	v26 =	vadd.f32 v32, v41  }
0xe8: {  	v51 =	vmul.f32 v40, v13  }
0xe9: {  	v24 =	vadd.f32 v24, v26  }
0xea: {  	v26 =	vmul.f32 v31, v9;
	v31 =	vadd.f32 v51, v15  }
0xeb: {  	v15 =	vadd.f32 v18, v24  }
0xec: {  	v18 =	vadd.f32 v26, v31  }
0xed: {  	v26 =	vand.u32 $0x7FFFFFFF, v15;
	v24 =	vpop (erf)  }
0xee: {  	v18 =	vadd.f32 v39, v18;
	v26 =	vmul.f32 $-2.000000000e+00, v26;
	v31 =	vpop (erf)  }
0xef: {  	v52 =	vadd.f32 $1.000000000e+00, v31  }
0xf0: {  	v18 =	vadd.f32 v37, v18;
	v26 =	vmul.f32 $1.442695020e+00, v26  }
0xf1: {  	(erf) = vrcp.f32 v52  }
0xf2: {  	v18 =	vadd.f32 v21, v18;
	(erf) = vpow2.f32 v26;
	_ =	sdelay $0x1  }
0xf3: {  	v14 =	vadd.f32 v14, v18  }
0xf4: {  	v18 =	vmul.f32 v30, v13  }
0xf5: {  	v10 =	vadd.f32 v10, v14;
	v14 =	vmul.f32 v29, v9  }
0xf6: {  	v18 =	vadd.f32 v18, v19;
	_ =	sdelay $0x1  }
0xf7: {  	v7 =	vadd.f32 v7, v10;
	v10 =	vadd.f32 v14, v18  }
0xf8: {  	v14 =	vpop (erf)  }
0xf9: {  	v18 =	vand.u32 $0x7FFFFFFF, v7;
	v10 =	vadd.f32 v38, v10;
	v19 =	vpop (erf)  }
0xfa: {  	v18 =	vmul.f32 $-2.000000000e+00, v18;
	v21 =	vadd.f32 $1.000000000e+00, v19  }
0xfb: {  	v10 =	vadd.f32 v36, v10  }
0xfc: {  	v18 =	vmul.f32 $1.442695020e+00, v18;
	(erf) = vrcp.f32 v21;
	v21 =	vld [tilespmem:s18+$0xBBA0]  }
0xfd: {  	v10 =	vadd.f32 v17, v10  }
0xfe: {  	(erf) = vpow2.f32 v18  }
0xff: {  	v10 =	vadd.f32 v12, v10;
	v12 =	vmul.f32 v28, v13  }
0x100: {  	v17 =	vld [tilespmem:s18+$0xBBC0]  }
0x101: {  	v8 =	vadd.f32 v8, v10;
	v12 =	vadd.f32 v12, v16;
	v10 =	vmul.f32 v21, v9  }
0x102: {  	v18 =	vld [tilespmem:s18+$0xBBE0]  }
0x103: {  	v10 =	vadd.f32 v10, v12  }
0x104: {  	v16 =	vld [tilespmem:s18+$0xBC00]  }
0x105: {  	v5 =	vadd.f32 v5, v8;
	v8 =	vmul.f32 v17, v6  }
0x106: {  	v12 =	vld [tilespmem:s18+$0xBC20];
	v17 =	vpop (erf)  }
0x107: {  	v21 =	vand.u32 $0x7FFFFFFF, v5;
	v18 =	vmul.f32 v18, v4;
	v8 =	vadd.f32 v8, v10;
	v10 =	vpop (erf)  }
0x108: {  	v29 =	vld [tilespmem:s18+$0xBB90];
	v21 =	vmul.f32 $-2.000000000e+00, v21;
	v28 =	vadd.f32 $1.000000000e+00, v10  }
0x109: {  	v26 =	vld [tilespmem:s18+$0xBC40];
	v16 =	vmul.f32 v16, v3;
	v8 =	vadd.f32 v18, v8  }
0x10a: {  	v18 =	vmul.f32 $1.442695020e+00, v21;
	(erf) = vrcp.f32 v28;
	v28 =	vld [tilespmem:s18+$0xBBB0]  }
0x10b: {  	v21 =	vld [tilespmem:s18+$0xBC60];
	v12 =	vmul.f32 v12, v2;
	v8 =	vadd.f32 v16, v8  }
0x10c: {  	(erf) = vpow2.f32 v18  }
0x10d: {  	v8 =	vadd.f32 v12, v8;
	v12 =	vmul.f32 v29, v13  }
0x10e: {  	v16 =	vld [tilespmem:s18+$0xBBD0];
	v18 =	vmul.f32 v26, v1  }
0x10f: {  	v11 =	vadd.f32 v12, v11;
	v9 =	vmul.f32 v28, v9  }
0x110: {  	v13 =	vld [tilespmem:s18+$0xBBF0];
	v21 =	vmul.f32 v21, v0;
	v8 =	vadd.f32 v18, v8  }
0x111: {  	v9 =	vadd.f32 v9, v11  }
0x112: {  	v12 =	vld [tilespmem:s18+$0xBC10];
	v8 =	vadd.f32 v21, v8  }
0x113: {  	v6 =	vmul.f32 v16, v6  }
0x114: {  	v11 =	vld [tilespmem:s18+$0xBC30];
	v18 =	vand.u32 $0x7FFFFFFF, v8;
	v16 =	vpop (erf)  }
0x115: {  	v4 =	vmul.f32 v13, v4;
	v13 =	vmul.f32 $-2.000000000e+00, v18;
	v6 =	vadd.f32 v6, v9;
	v9 =	vpop (erf)  }
0x116: {  	v18 =	vld [tilespmem:s18+$0xBC50];
	v21 =	vadd.f32 $1.000000000e+00, v9  }
0x117: {  	v3 =	vmul.f32 v12, v3;
	v4 =	vadd.f32 v4, v6;
	v6 =	vmul.f32 $1.442695020e+00, v13  }
0x118: {  	v12 =	vld [tilespmem:s18+$0xBC70];
	(erf) = vrcp.f32 v21  }
0x119: {  	v2 =	vmul.f32 v11, v2;
	v3 =	vadd.f32 v3, v4;
	(erf) = vpow2.f32 v6;
	_ =	sdelay $0x1  }
0x11a: {  	v1 =	vmul.f32 v18, v1;
	v2 =	vadd.f32 v2, v3;
	_ =	sdelay $0x1  }
0x11b: {  	v0 =	vmul.f32 v12, v0;
	v1 =	vadd.f32 v1, v2;
	_ =	sdelay $0x1  }
0x11c: {  	v0 =	vadd.f32 v0, v1;
	_ =	sdelay $0x1  }
0x11d: {  	v2 =	vand.u32 $0x7FFFFFFF, v0;
	v1 =	vpop (erf)  }
0x11e: {  	v2 =	vmul.f32 $-2.000000000e+00, v2;
	v3 =	vpop (erf)  }
0x11f: {  	v4 =	vadd.f32 $1.000000000e+00, v3  }
0x120: {  	v2 =	vmul.f32 $1.442695020e+00, v2  }
0x121: {  	(erf) = vrcp.f32 v4  }
0x122: {  	(erf) = vpow2.f32 v2;
	_ =	sdelay $0x7  }
0x123: {  	v2 =	vpop (erf)  }
0x124: {  	v6 =	vpop (erf)  }
0x125: {  	v11 =	vadd.f32 $1.000000000e+00, v6;
	_ =	sdelay $0x1  }
0x126: {  	v13 =	vsub.f32 $1.000000000e+00, v31;
	(erf) = vrcp.f32 v11  }
0x127: {  	vm0 =	vlt.f32 v23, $0.0e+00;
	vm10 =	vlt.f32 v22, $0.0e+00;
	v4 =	vsub.f32 $1.000000000e+00, v27  }
0x128: {  	vm1 =	vlt.f32 v20, $0.0e+00;
	v12 =	vsub.f32 $1.000000000e+00, v49;
	v13 =	vmul.f32 v14, v13  }
0x129: {  	vm12 =	vlt.f32 v7, $0.0e+00;
	v10 =	vsub.f32 $1.000000000e+00, v10;
	v4 =	vmul.f32 v25, v4  }
0x12a: {  	v9 =	vsub.f32 $1.000000000e+00, v9;
	v12 =	vmul.f32 v24, v12;
	v18 =	vsub.f32 $0.0e+00, v13  }
0x12b: {  	vm13 =	vlt.f32 v5, $0.0e+00;
	v3 =	vsub.f32 $1.000000000e+00, v3;
	v11 =	vsub.f32 $0.0e+00, v4  }
0x12c: {  	s22 =	sshll.u32 s16, $0x8;
	v10 =	vmul.f32 v16, v10;
	v14 =	vsub.f32 $0.0e+00, v12;
	v1 =	vmul.f32 v1, v9  }
0x12d: {  	s18 =	sand.u32 $0x3FFFFF00, s22;
	v13 =	vsel vm1, v18, v13;
	v4 =	vsel vm0, v11, v4;
	v11 =	vsub.f32 $1.000000000e+00, v19  }
0x12e: {  	v7 =	vsub.f32 $0.0e+00, v1;
	v2 =	vmul.f32 v2, v3;
	[tilespmem:s18+$0x13880] =	vst v4;
	v4 =	vsub.f32 $1.000000000e+00, v6  }
0x12f: {  	[tilespmem:s18+$0x138A0] =	vst v13;
	v12 =	vsel vm10, v14, v12;
	v9 =	vsub.f32 $0.0e+00, v10;
	v11 =	vmul.f32 v17, v11;
	v3 =	vpop (erf)  }
0x130: {  	[tilespmem:s18+$0x13890] =	vst v12;
	v1 =	vsel vm13, v7, v1;
	v5 =	vsub.f32 $0.0e+00, v2;
	v3 =	vmul.f32 v3, v4  }
0x131: {  	vm14 =	vlt.f32 v8, $0.0e+00;
	[tilespmem:s18+$0x138D0] =	vst v1;
	v14 =	vsub.f32 $0.0e+00, v11;
	v4 =	vsel vm12, v9, v10  }
0x132: {  	vm11 =	vlt.f32 v15, $0.0e+00;
	v1 =	vsel vm14, v5, v2;
	[tilespmem:s18+$0x138C0] =	vst v4;
	v4 =	vsub.f32 $0.0e+00, v3  }
0x133: {  	vm15 =	vlt.f32 v0, $0.0e+00;
	[tilespmem:s18+$0x138E0] =	vst v1;
	v6 =	vsel vm11, v14, v11  }
0x134: {  	[tilespmem:s18+$0x138B0] =	vst v6;
	v0 =	vsel vm15, v4, v3  }
0x135: {  	[tilespmem:s18+$0x138F0] =	vst v0  }
0x136: {  	_ =	swait.ge [sflag:s13], $0x1000  }
0x137: {  	[sflag:s13] =	ssyncset.done $0x0  }
0x138: {  	[sflag:s13] =	ssyncadd.s32 $0xFFFFF000  }
0x139: {  	_ =	swait.ge [sflag:s13], $0x900  }
0x13a: {  	[sflag:s13] =	ssyncset.done $0x0  }
0x13b: {  	[sflag:s13] =	ssyncadd.s32 $0xFFFFF700  }
0x13c: {  	_ =	swait.ge [sflag:s13], $0x1000  }
0x13d: {  	[sflag:s13] =	ssyncset.done $0x0  }
0x13e: {  	[sflag:s13] =	ssyncadd.s32 $0xFFFFF000  }
0x13f: {  	_ =	swait.ge [sflag:s13], $0x900  }
0x140: {  	[sflag:s13] =	ssyncset.done $0x0  }
0x141: {  	[sflag:s13] =	ssyncadd.s32 $0xFFFFF700  }
0x142: {  	_ =	swait.ge [sflag:s13], $0x1000  }
0x143: {  	[sflag:s13] =	ssyncset.done $0x0  }
0x144: {  	[sflag:s13] =	ssyncadd.s32 $0xFFFFF000  }
0x145: {  	_ =	swait.ge [sflag:s13], $0x900  }
0x146: {  	[sflag:s13] =	ssyncset.done $0x0  }
0x147: {  	[sflag:s13] =	ssyncadd.s32 $0xFFFFF700  }
0x148: {  	_ =	swait.ge [sflag:s13], $0x1000  }
0x149: {  	p0 =	seq.s32 s16, $0xF;
	[sflag:s13] =	ssyncset.done $0x0  }
0x14a: {  	s18 =	smul.u32 @!p0 $0x1900, s16;
	[sflag:s13] =	ssyncadd.s32 $0xFFFFF000  }
0x14b: {  	_ =	swait.ge [sflag:s13], $0x900  }
0x14c: {  	s20 =	simm.s32 @!p0 $0x80;
	s18 =	sshra.s32 @!p0 s18, $0x2;
	[sflag:s13] =	ssyncset.done $0x0  }
0x14d: {  	s21 =	simm.s32 @!p0 $0x7080;
	s19 =	sadd.s32 @!p0 $0x640, s18;
	[sflag:s13] =	ssyncadd.s32 $0xFFFFF700  }
0x14e: {  	[tilespmem:s21], [sflag:$0x1] =	stream.indirect.gather @!p0 [hbm4b:s4+s20], $0x20, s19, s20, $0xb8;
	[tilespmem:$0x14880] =	vst v63  }
0x14f: {  	s22 =	simm.s32 @!p0 $0x8080;
	s19 =	sadd.s32 @!p0 $0x6C0, s18;
	s21 =	simm.s32 @!p0 $0x48  }
0x150: {  	[tilespmem:s22], [sflag:$0x1] =	stream.indirect.gather @!p0 [hbm4b:s4+s21], $0x20, s19, s21, $0xb8;
	[tilespmem:$0x14880] =	vst v63  }
0x151: {  	s19 =	sadd.s32 @!p0 $0x708, s18;
	s22 =	simm.s32 @!p0 $0x8980  }
0x152: {  	[tilespmem:s22], [sflag:$0x1] =	stream.indirect.gather @!p0 [hbm4b:s4+s20], $0x20, s19, s20, $0xb8;
	[tilespmem:$0x14880] =	vst v63  }
0x153: {  	s19 =	sadd.s32 @!p0 $0x788, s18;
	s22 =	simm.s32 @!p0 $0x9980  }
0x154: {  	[tilespmem:s22], [sflag:$0x1] =	stream.indirect.gather @!p0 [hbm4b:s4+s21], $0x20, s19, s21, $0xb8;
	[tilespmem:$0x14880] =	vst v63  }
0x155: {  	s19 =	sadd.s32 @!p0 $0x7D0, s18;
	s22 =	simm.s32 @!p0 $0xA280  }
0x156: {  	[tilespmem:s22], [sflag:$0x1] =	stream.indirect.gather @!p0 [hbm4b:s4+s20], $0x20, s19, s20, $0xb8;
	[tilespmem:$0x14880] =	vst v63  }
0x157: {  	s19 =	sadd.s32 @!p0 $0x850, s18;
	s22 =	simm.s32 @!p0 $0xB280  }
0x158: {  	[tilespmem:s22], [sflag:$0x1] =	stream.indirect.gather @!p0 [hbm4b:s4+s21], $0x20, s19, s21, $0xb8;
	[tilespmem:$0x14880] =	vst v63  }
0x159: {  	s19 =	sadd.s32 @!p0 $0x898, s18;
	s22 =	simm.s32 @!p0 $0xBB80  }
0x15a: {  	[tilespmem:s22], [sflag:$0x1] =	stream.indirect.gather @!p0 [hbm4b:s4+s20], $0x20, s19, s20, $0xb8;
	[tilespmem:$0x14880] =	vst v63  }
0x15b: {  	s18 =	sadd.s32 @!p0 $0x918, s18;
	s19 =	simm.s32 @!p0 $0xCB80  }
0x15c: {  	[tilespmem:s19], [sflag:$0x1] =	stream.indirect.gather @!p0 [hbm4b:s4+s21], $0x20, s18, s21, $0xb8;
	[tilespmem:$0x14880] =	vst v63  }
0x15d: {  	s19 =	simm.s32 $0x6440  }
0x15e: {  	s18 =	simm.s32 $0x0;
	v0 =	vld [tilespmem:s19+$0x30]  }
0x15f: {  	v5 =	vld [tilespmem:s18+$0xD560]  }
0x160: {  	v6 =	vld [tilespmem:s18+$0xD570]  }
0x161: {  	v7 =	vld [tilespmem:s18+$0xEE60]  }
0x162: {  	v8 =	vld [tilespmem:s18+$0xEE70]  }
0x163: {  	v9 =	vld [tilespmem:s18+$0x10760]  }
0x164: {  	v10 =	vld [tilespmem:s18+$0x10770]  }
0x165: {  	v1 =	vld [tilespmem:s19+$0x20]  }
0x166: {  	v11 =	vld [tilespmem:s18+$0xD540]  }
0x167: {  	v12 =	vld [tilespmem:s18+$0xD550]  }
0x168: {  	v13 =	vld [tilespmem:s18+$0xEE40]  }
0x169: {  	v14 =	vld [tilespmem:s18+$0xEE50]  }
0x16a: {  	v15 =	vld [tilespmem:s18+$0x10740]  }
0x16b: {  	v16 =	vld [tilespmem:s18+$0x10750]  }
0x16c: {  	v2 =	vld [tilespmem:s19+$0x10]  }
0x16d: {  	v17 =	vld [tilespmem:s18+$0xD520]  }
0x16e: {  	v19 =	vld [tilespmem:s18+$0xD530]  }
0x16f: {  	v21 =	vld [tilespmem:s18+$0xEE20]  }
0x170: {  	v28 =	vld [tilespmem:s18+$0xEE30]  }
0x171: {  	v29 =	vld [tilespmem:s18+$0x10720]  }
0x172: {  	v30 =	vld [tilespmem:s18+$0x10730]  }
0x173: {  	v3 =	vld [tilespmem:s19+$0x0]  }
0x174: {  	v31 =	vld [tilespmem:s18+$0xD500]  }
0x175: {  	v53 =	vld [tilespmem:s18+$0xD510]  }
0x176: {  	v54 =	vld [tilespmem:s18+$0xEE00]  }
0x177: {  	v55 =	vld [tilespmem:s18+$0xEE10]  }
0x178: {  	v56 =	vld [tilespmem:s18+$0x10700]  }
0x179: {  	v57 =	vld [tilespmem:s18+$0x10710]  }
0x17a: {  	v4 =	vld [tilespmem:s19+$0xFFFFFFF0]  }
0x17b: {  	v58 =	vld [tilespmem:s18+$0xD4E0]  }
0x17c: {  	v59 =	vld [tilespmem:s18+$0xD4F0];
	v23 =	vmul.f32 v5, v0;
	v22 =	vmul.f32 v6, v0  }
0x17d: {  	v60 =	vld [tilespmem:s18+$0xD4C0];
	v20 =	vmul.f32 v7, v0;
	v18 =	vmul.f32 v8, v0  }
0x17e: {  	v61 =	vld [tilespmem:s18+$0xD4D0];
	v7 =	vmul.f32 v9, v0;
	v5 =	vmul.f32 v10, v0  }
0x17f: {  	v6 =	vld [tilespmem:s19+$0xFFFFFFE0];
	v27 =	vmul.f32 v11, v1;
	v26 =	vmul.f32 v12, v1  }
0x180: {  	v9 =	vld [tilespmem:s19+$0xFFFFFFD0];
	v25 =	vmul.f32 v13, v1;
	v24 =	vmul.f32 v14, v1  }
0x181: {  	v11 =	vld [tilespmem:s18+$0xD4A0];
	v10 =	vmul.f32 v15, v1;
	v8 =	vmul.f32 v16, v1  }
0x182: {  	v15 =	vld [tilespmem:s18+$0xD4B0];
	v35 =	vmul.f32 v17, v2;
	v34 =	vmul.f32 v19, v2  }
0x183: {  	v13 =	vld [tilespmem:s19+$0xFFFFFFC0];
	v33 =	vmul.f32 v21, v2;
	v32 =	vmul.f32 v28, v2  }
0x184: {  	v16 =	vld [tilespmem:s18+$0xD480];
	v14 =	vmul.f32 v29, v2;
	v12 =	vmul.f32 v30, v2  }
0x185: {  	v19 =	vld [tilespmem:s18+$0xD490];
	v28 =	vmul.f32 v31, v3;
	v30 =	vmul.f32 v53, v3  }
0x186: {  	v29 =	vld [tilespmem:s18+$0xED80];
	v45 =	vmul.f32 v54, v3;
	v46 =	vmul.f32 v55, v3  }
0x187: {  	v31 =	vld [tilespmem:s18+$0xED90];
	v21 =	vmul.f32 v56, v3;
	v17 =	vmul.f32 v57, v3  }
0x188: {  	v62 =	vld [tilespmem:s18+$0xEDA0];
	v37 =	vmul.f32 v58, v4;
	v38 =	vmul.f32 v59, v4  }
0x189: {  	v63 =	vld [tilespmem:s18+$0xEDB0];
	v52 =	vmul.f32 v60, v6;
	v53 =	vmul.f32 v61, v6  }
0x18a: {  	v56 =	vld [tilespmem:s18+$0xEDD0];
	v11 =	vmul.f32 v11, v9;
	v54 =	vmul.f32 v15, v9  }
0x18b: {  	v55 =	vld [tilespmem:s18+$0xEDC0];
	v16 =	vmul.f32 v16, v13;
	v19 =	vmul.f32 v19, v13  }
0x18c: {  	v47 =	vld [tilespmem:s18+$0xEDE0];
	v15 =	vimm.f32 $0.0e+00;
	v29 =	vmul.f32 v29, v13;
	v31 =	vmul.f32 v31, v13  }
0x18d: {  	v48 =	vld [tilespmem:s18+$0xEDF0];
	v36 =	vmul.f32 v62, v9;
	v16 =	vadd.f32 v16, v15;
	v19 =	vadd.f32 v19, v15  }
0x18e: {  	v59 =	vld [tilespmem:s18+$0x106C0];
	v39 =	vmul.f32 v63, v9;
	v29 =	vadd.f32 v29, v15;
	v31 =	vadd.f32 v31, v15  }
0x18f: {  	v49 =	vld [tilespmem:s18+$0x106E0];
	v58 =	vmul.f32 v56, v6;
	v11 =	vadd.f32 v11, v16;
	v16 =	vadd.f32 v54, v19  }
0x190: {  	v57 =	vld [tilespmem:s18+$0x106F0];
	v19 =	vmul.f32 v55, v6;
	v29 =	vadd.f32 v36, v29;
	v31 =	vadd.f32 v39, v31  }
0x191: {  	v60 =	vld [tilespmem:s18+$0x106D0];
	v61 =	vmul.f32 v47, v4;
	v11 =	vadd.f32 v52, v11;
	v16 =	vadd.f32 v53, v16  }
0x192: {  	v62 =	vmul.f32 v48, v4;
	v19 =	vadd.f32 v19, v29;
	v36 =	vadd.f32 v58, v31  }
0x193: {  	v39 =	vmul.f32 v59, v6;
	v31 =	vld [tilespmem:s18+$0x106A0];
	v11 =	vadd.f32 v37, v11;
	v16 =	vadd.f32 v38, v16  }
0x194: {  	v29 =	vld [tilespmem:s18+$0x106B0];
	v37 =	vmul.f32 v49, v4;
	v19 =	vadd.f32 v61, v19;
	v63 =	vadd.f32 v62, v36  }
0x195: {  	v40 =	vld [tilespmem:s18+$0x10680];
	v36 =	vmul.f32 v57, v4;
	v44 =	vadd.f32 v28, v11;
	v43 =	vadd.f32 v30, v16  }
0x196: {  	v38 =	vmul.f32 v60, v6;
	v30 =	vld [tilespmem:s18+$0x10690];
	v42 =	vadd.f32 v45, v19;
	v41 =	vadd.f32 v46, v63  }
0x197: {  	s20 =	simm.s32 $0x400;
	v28 =	vld [tilespmem:s18+$0x11F80];
	v19 =	vimm.f32 $0.0e+00;
	v16 =	vimm.f32 $0.0e+00;
	v11 =	vimm.f32 $0.0e+00  }
.LBB2_5:
0x198: {  	p0 =	sne.s32 s20, $0x6000;
	v45 =	vld [tilespmem:s18+$0x11F90];
	v46 =	vmul.f32 v31, v9;
	v31 =	vadd.f32 v35, v44;
	v34 =	vadd.f32 v34, v43  }
0x199: {  	v35 =	vmul.f32 v29, v9;
	v43 =	vld [tilespmem:s18+$0x11FA0];
	v29 =	vadd.f32 v33, v42;
	v32 =	vadd.f32 v32, v41  }
0x19a: {  	v33 =	vmul.f32 v40, v13;
	v40 =	vld [tilespmem:s18+$0x11FB0];
	v27 =	vadd.f32 v27, v31;
	v26 =	vadd.f32 v26, v34  }
0x19b: {  	v34 =	vmul.f32 v30, v13;
	v41 =	vld [tilespmem:s18+$0x11FC0];
	v25 =	vadd.f32 v25, v29;
	v24 =	vadd.f32 v24, v32  }
0x19c: {  	v32 =	vmul.f32 v28, v13;
	v42 =	vld [tilespmem:s18+$0x11FD0];
	v28 =	vadd.f32 v23, v27;
	v29 =	vadd.f32 v22, v26  }
0x19d: {  	v13 =	vmul.f32 v45, v13;
	v22 =	vld [tilespmem:s18+$0x11FE0];
	v30 =	vadd.f32 v20, v25;
	v31 =	vadd.f32 v18, v24  }
0x19e: {  	v15 =	vadd.f32 v33, v15;
	v18 =	vadd.f32 v34, v19;
	v19 =	vmul.f32 v43, v9;
	v20 =	vld [tilespmem:s18+$0x11FF0]  }
0x19f: {  	v16 =	vadd.f32 v32, v16;
	v11 =	vadd.f32 v13, v11;
	v9 =	vmul.f32 v40, v9;
	v13 =	vld [tilespmem:s18+$0x12000]  }
0x1a0: {  	v15 =	vadd.f32 v46, v15;
	v18 =	vadd.f32 v35, v18;
	v23 =	vmul.f32 v41, v6;
	v24 =	vld [tilespmem:s18+$0x12010]  }
0x1a1: {  	v16 =	vadd.f32 v19, v16;
	v9 =	vadd.f32 v9, v11;
	v6 =	vmul.f32 v42, v6;
	v11 =	vld [tilespmem:s18+$0x12020]  }
0x1a2: {  	v15 =	vadd.f32 v39, v15;
	v18 =	vadd.f32 v38, v18;
	v19 =	vmul.f32 v22, v4;
	v22 =	vld [tilespmem:s18+$0x12030]  }
0x1a3: {  	v16 =	vadd.f32 v23, v16;
	v6 =	vadd.f32 v6, v9;
	v4 =	vmul.f32 v20, v4;
	v9 =	vld [tilespmem:s18+$0x12040]  }
0x1a4: {  	v15 =	vadd.f32 v37, v15;
	v18 =	vadd.f32 v36, v18;
	v13 =	vmul.f32 v13, v3;
	v20 =	vld [tilespmem:s18+$0x12050]  }
0x1a5: {  	v16 =	vadd.f32 v19, v16;
	v4 =	vadd.f32 v4, v6;
	v3 =	vmul.f32 v24, v3;
	v6 =	vld [tilespmem:s18+$0x12060]  }
0x1a6: {  	s19 =	sadd.s32 $0x80, s19;
	v15 =	vadd.f32 v21, v15;
	v17 =	vadd.f32 v17, v18;
	v11 =	vmul.f32 v11, v2;
	v18 =	vld [tilespmem:s18+$0x12070]  }
0x1a7: {  	s18 =	sshra.s32 s20, $0x2;
	v13 =	vadd.f32 v13, v16;
	v21 =	vld [tilespmem:s19+$0x30];
	v3 =	vadd.f32 v3, v4;
	v2 =	vmul.f32 v22, v2  }
0x1a8: {  	v4 =	vadd.f32 v14, v15;
	v12 =	vadd.f32 v12, v17;
	v22 =	vld [tilespmem:s18+$0xD560];
	v9 =	vmul.f32 v9, v1  }
0x1a9: {  	v11 =	vadd.f32 v11, v13;
	v14 =	vld [tilespmem:s18+$0xD570];
	v2 =	vadd.f32 v2, v3;
	v1 =	vmul.f32 v20, v1  }
0x1aa: {  	v3 =	vadd.f32 v10, v4;
	v4 =	vadd.f32 v8, v12;
	v13 =	vld [tilespmem:s18+$0xEE60];
	v6 =	vmul.f32 v6, v0  }
0x1ab: {  	v9 =	vadd.f32 v9, v11;
	v8 =	vld [tilespmem:s18+$0xEE70];
	v1 =	vadd.f32 v1, v2;
	v2 =	vmul.f32 v18, v0  }
0x1ac: {  	v15 =	vadd.f32 v7, v3;
	v19 =	vadd.f32 v5, v4;
	v10 =	vld [tilespmem:s18+$0x10760];
	v0 =	vmov v21  }
0x1ad: {  	v16 =	vadd.f32 v6, v9;
	v5 =	vld [tilespmem:s18+$0x10770];
	v11 =	vadd.f32 v2, v1  }
0x1ae: {  	v1 =	vld [tilespmem:s19+$0x20]  }
0x1af: {  	v9 =	vld [tilespmem:s18+$0xD540]  }
0x1b0: {  	v12 =	vld [tilespmem:s18+$0xD550]  }
0x1b1: {  	v17 =	vld [tilespmem:s18+$0xEE40]  }
0x1b2: {  	v21 =	vld [tilespmem:s18+$0xEE50]  }
0x1b3: {  	v32 =	vld [tilespmem:s18+$0x10740]  }
0x1b4: {  	v33 =	vld [tilespmem:s18+$0x10750]  }
0x1b5: {  	v2 =	vld [tilespmem:s19+$0x10]  }
0x1b6: {  	v34 =	vld [tilespmem:s18+$0xD520]  }
0x1b7: {  	v36 =	vld [tilespmem:s18+$0xD530]  }
0x1b8: {  	v37 =	vld [tilespmem:s18+$0xEE20]  }
0x1b9: {  	v38 =	vld [tilespmem:s18+$0xEE30]  }
0x1ba: {  	v39 =	vld [tilespmem:s18+$0x10720]  }
0x1bb: {  	v40 =	vld [tilespmem:s18+$0x10730]  }
0x1bc: {  	v3 =	vld [tilespmem:s19+$0x0]  }
0x1bd: {  	v41 =	vld [tilespmem:s18+$0xD500]  }
0x1be: {  	v42 =	vld [tilespmem:s18+$0xD510]  }
0x1bf: {  	v43 =	vld [tilespmem:s18+$0xEE00]  }
0x1c0: {  	v44 =	vld [tilespmem:s18+$0xEE10]  }
0x1c1: {  	v45 =	vld [tilespmem:s18+$0x10700]  }
0x1c2: {  	v46 =	vld [tilespmem:s18+$0x10710]  }
0x1c3: {  	v4 =	vld [tilespmem:s19+$0xFFFFFFF0]  }
0x1c4: {  	v47 =	vld [tilespmem:s18+$0xD4E0]  }
0x1c5: {  	v23 =	vmul.f32 v22, v0;
	v22 =	vmul.f32 v14, v0;
	v48 =	vld [tilespmem:s18+$0xD4F0]  }
0x1c6: {  	v20 =	vmul.f32 v13, v0;
	v18 =	vmul.f32 v8, v0;
	v6 =	vld [tilespmem:s19+$0xFFFFFFE0]  }
0x1c7: {  	v7 =	vmul.f32 v10, v0;
	v5 =	vmul.f32 v5, v0;
	v49 =	vld [tilespmem:s18+$0xD4C0]  }
0x1c8: {  	v27 =	vmul.f32 v9, v1;
	v26 =	vmul.f32 v12, v1;
	v50 =	vld [tilespmem:s18+$0xD4D0]  }
0x1c9: {  	v25 =	vmul.f32 v17, v1;
	v24 =	vmul.f32 v21, v1;
	v9 =	vld [tilespmem:s19+$0xFFFFFFD0]  }
0x1ca: {  	v10 =	vmul.f32 v32, v1;
	v8 =	vmul.f32 v33, v1;
	v51 =	vld [tilespmem:s18+$0xD4A0]  }
0x1cb: {  	v35 =	vmul.f32 v34, v2;
	v34 =	vmul.f32 v36, v2;
	v52 =	vld [tilespmem:s18+$0xD4B0]  }
0x1cc: {  	v33 =	vmul.f32 v37, v2;
	v32 =	vmul.f32 v38, v2;
	v13 =	vld [tilespmem:s19+$0xFFFFFFC0]  }
0x1cd: {  	v14 =	vmul.f32 v39, v2;
	v12 =	vmul.f32 v40, v2;
	v36 =	vld [tilespmem:s18+$0xD480]  }
0x1ce: {  	v38 =	vmul.f32 v41, v3;
	v41 =	vmul.f32 v42, v3;
	v37 =	vld [tilespmem:s18+$0xD490]  }
0x1cf: {  	v42 =	vmul.f32 v43, v3;
	v53 =	vmul.f32 v44, v3;
	v39 =	vld [tilespmem:s18+$0xED80]  }
0x1d0: {  	v21 =	vmul.f32 v45, v3;
	v17 =	vmul.f32 v46, v3;
	v40 =	vld [tilespmem:s18+$0xED90]  }
0x1d1: {  	v44 =	vmul.f32 v47, v4;
	v45 =	vmul.f32 v48, v4;
	v43 =	vld [tilespmem:s18+$0xEDA0]  }
0x1d2: {  	v47 =	vmul.f32 v49, v6;
	v48 =	vmul.f32 v50, v6;
	v46 =	vld [tilespmem:s18+$0xEDB0]  }
0x1d3: {  	v49 =	vmul.f32 v51, v9;
	v50 =	vmul.f32 v52, v9;
	v51 =	vld [tilespmem:s18+$0xEDC0]  }
0x1d4: {  	v36 =	vmul.f32 v36, v13;
	v37 =	vmul.f32 v37, v13;
	v52 =	vld [tilespmem:s18+$0xEDD0]  }
0x1d5: {  	v39 =	vmul.f32 v39, v13;
	v40 =	vmul.f32 v40, v13;
	v54 =	vld [tilespmem:s18+$0xEDE0]  }
0x1d6: {  	v28 =	vadd.f32 v36, v28;
	v29 =	vadd.f32 v37, v29;
	v36 =	vmul.f32 v43, v9;
	v37 =	vld [tilespmem:s18+$0xEDF0]  }
0x1d7: {  	v30 =	vadd.f32 v39, v30;
	v31 =	vadd.f32 v40, v31;
	v39 =	vmul.f32 v46, v9;
	v40 =	vld [tilespmem:s18+$0x106E0]  }
0x1d8: {  	v28 =	vadd.f32 v49, v28;
	v29 =	vadd.f32 v50, v29;
	v43 =	vmul.f32 v51, v6;
	v46 =	vld [tilespmem:s18+$0x106F0]  }
0x1d9: {  	v30 =	vadd.f32 v36, v30;
	v36 =	vadd.f32 v39, v31;
	v39 =	vmul.f32 v52, v6;
	v49 =	vld [tilespmem:s18+$0x106C0]  }
0x1da: {  	v28 =	vadd.f32 v47, v28;
	v47 =	vadd.f32 v48, v29;
	v48 =	vld [tilespmem:s18+$0x106D0];
	v50 =	vmul.f32 v54, v4  }
.Ltmp1:
0x1db: {  	v30 =	vadd.f32 v43, v30;
	v31 =	vld [tilespmem:s18+$0x106A0];
	v36 =	vadd.f32 v39, v36;
	v39 =	vmul.f32 v37, v4;
	(pc) =	sbr.rel @p0 .LBB2_5-.Ltmp1, $4  }
0x1dc: {  	v28 =	vadd.f32 v44, v28;
	v43 =	vadd.f32 v45, v47;
	v29 =	vld [tilespmem:s18+$0x106B0];
	v37 =	vmul.f32 v40, v4  }
0x1dd: {  	v45 =	vadd.f32 v50, v30;
	v40 =	vld [tilespmem:s18+$0x10680];
	v47 =	vadd.f32 v39, v36;
	v36 =	vmul.f32 v46, v4  }
0x1de: {  	v44 =	vadd.f32 v38, v28;
	v43 =	vadd.f32 v41, v43;
	v30 =	vld [tilespmem:s18+$0x10690];
	v39 =	vmul.f32 v49, v6  }
0x1df: {  	s20 =	sadd.s32 $0x400, s20;
	v42 =	vadd.f32 v42, v45;
	v28 =	vld [tilespmem:s18+$0x11F80];
	v38 =	vmul.f32 v48, v6;
	v41 =	vadd.f32 v53, v47  }
0x1e0: {  	v35 =	vadd.f32 v35, v44;
	_ =	sdelay $0x1  }
0x1e1: {  	v27 =	vadd.f32 v27, v35;
	_ =	sdelay $0x1  }
0x1e2: {  	v23 =	vadd.f32 v23, v27;
	_ =	sdelay $0x1  }
0x1e3: {  	v27 =	vand.u32 $0x7FFFFFFF, v23  }
0x1e4: {  	v27 =	vmul.f32 $-2.000000000e+00, v27;
	_ =	sdelay $0x1  }
0x1e5: {  	v27 =	vmul.f32 $1.442695020e+00, v27;
	_ =	sdelay $0x1  }
0x1e6: {  	(erf) = vpow2.f32 v27;
	_ =	sdelay $0x1  }
0x1e7: {  	v52 =	vadd.f32 v34, v43;
	_ =	sdelay $0x1  }
0x1e8: {  	v26 =	vadd.f32 v26, v52;
	_ =	sdelay $0x1  }
0x1e9: {  	v22 =	vadd.f32 v22, v26;
	_ =	sdelay $0x1  }
0x1ea: {  	v26 =	vand.u32 $0x7FFFFFFF, v22  }
0x1eb: {  	v26 =	vmul.f32 $-2.000000000e+00, v26;
	v27 =	vpop (erf)  }
0x1ec: {  	v53 =	vadd.f32 $1.000000000e+00, v27  }
0x1ed: {  	v26 =	vmul.f32 $1.442695020e+00, v26  }
0x1ee: {  	(erf) = vrcp.f32 v53  }
0x1ef: {  	(erf) = vpow2.f32 v26;
	_ =	sdelay $0x1  }
0x1f0: {  	v54 =	vadd.f32 v33, v42;
	_ =	sdelay $0x1  }
0x1f1: {  	v25 =	vadd.f32 v25, v54;
	_ =	sdelay $0x1  }
0x1f2: {  	v20 =	vadd.f32 v20, v25;
	_ =	sdelay $0x1  }
0x1f3: {  	v55 =	vand.u32 $0x7FFFFFFF, v20;
	v25 =	vpop (erf)  }
0x1f4: {  	v26 =	vmul.f32 $-2.000000000e+00, v55;
	v33 =	vpop (erf)  }
0x1f5: {  	v56 =	vadd.f32 $1.000000000e+00, v33  }
0x1f6: {  	v26 =	vmul.f32 $1.442695020e+00, v26  }
0x1f7: {  	(erf) = vrcp.f32 v56  }
0x1f8: {  	(erf) = vpow2.f32 v26;
	_ =	sdelay $0x1  }
0x1f9: {  	v57 =	vadd.f32 v32, v41  }
0x1fa: {  	v58 =	vmul.f32 v40, v13  }
0x1fb: {  	v24 =	vadd.f32 v24, v57  }
0x1fc: {  	v59 =	vmul.f32 v31, v9;
	v60 =	vadd.f32 v58, v15  }
0x1fd: {  	v15 =	vadd.f32 v18, v24  }
0x1fe: {  	v61 =	vadd.f32 v59, v60  }
0x1ff: {  	v62 =	vand.u32 $0x7FFFFFFF, v15;
	v24 =	vpop (erf)  }
0x200: {  	v18 =	vadd.f32 v39, v61;
	v26 =	vmul.f32 $-2.000000000e+00, v62;
	v31 =	vpop (erf)  }
0x201: {  	v63 =	vadd.f32 $1.000000000e+00, v31  }
0x202: {  	v18 =	vadd.f32 v37, v18;
	v26 =	vmul.f32 $1.442695020e+00, v26  }
0x203: {  	(erf) = vrcp.f32 v63  }
0x204: {  	v18 =	vadd.f32 v21, v18;
	(erf) = vpow2.f32 v26;
	_ =	sdelay $0x1  }
0x205: {  	v14 =	vadd.f32 v14, v18  }
0x206: {  	v32 =	vmul.f32 v30, v13  }
0x207: {  	v10 =	vadd.f32 v10, v14  }
0x208: {  	v34 =	vmul.f32 v29, v9;
	v18 =	vadd.f32 v32, v19  }
0x209: {  	v7 =	vadd.f32 v7, v10  }
0x20a: {  	v35 =	vadd.f32 v34, v18  }
0x20b: {  	v37 =	vand.u32 $0x7FFFFFFF, v7;
	v14 =	vpop (erf)  }
0x20c: {  	v10 =	vadd.f32 v38, v35;
	v18 =	vmul.f32 $-2.000000000e+00, v37;
	v19 =	vpop (erf)  }
0x20d: {  	v39 =	vadd.f32 $1.000000000e+00, v19  }
0x20e: {  	v40 =	vld [tilespmem:s18+$0x11FA0];
	v10 =	vadd.f32 v36, v10;
	v18 =	vmul.f32 $1.442695020e+00, v18  }
0x20f: {  	(erf) = vrcp.f32 v39  }
0x210: {  	v10 =	vadd.f32 v17, v10;
	(erf) = vpow2.f32 v18  }
0x211: {  	v42 =	vmul.f32 v28, v13  }
0x212: {  	v41 =	vld [tilespmem:s18+$0x11FC0];
	v10 =	vadd.f32 v12, v10  }
0x213: {  	v44 =	vmul.f32 v40, v9;
	v12 =	vadd.f32 v42, v16  }
0x214: {  	v43 =	vld [tilespmem:s18+$0x11FE0];
	v8 =	vadd.f32 v8, v10  }
0x215: {  	v10 =	vadd.f32 v44, v12  }
0x216: {  	v45 =	vld [tilespmem:s18+$0x12000];
	v5 =	vadd.f32 v5, v8  }
0x217: {  	v46 =	vmul.f32 v41, v6  }
0x218: {  	v47 =	vld [tilespmem:s18+$0x12020];
	v48 =	vand.u32 $0x7FFFFFFF, v5;
	v17 =	vpop (erf)  }
0x219: {  	v8 =	vadd.f32 v46, v10;
	v21 =	vmul.f32 $-2.000000000e+00, v48;
	v18 =	vmul.f32 v43, v4;
	v10 =	vpop (erf)  }
0x21a: {  	v49 =	vld [tilespmem:s18+$0x12040];
	v50 =	vadd.f32 $1.000000000e+00, v10  }
0x21b: {  	v51 =	vld [tilespmem:s18+$0x11F90];
	v16 =	vmul.f32 v45, v3;
	v52 =	vmul.f32 $1.442695020e+00, v21;
	v8 =	vadd.f32 v18, v8  }
0x21c: {  	v53 =	vld [tilespmem:s18+$0x12060];
	(erf) = vrcp.f32 v50  }
0x21d: {  	v54 =	vld [tilespmem:s18+$0x11FB0];
	v12 =	vmul.f32 v47, v2;
	v8 =	vadd.f32 v16, v8;
	(erf) = vpow2.f32 v52;
	_ =	sdelay $0x1  }
0x21e: {  	v55 =	vld [tilespmem:s18+$0x11FD0];
	v56 =	vmul.f32 v49, v1;
	v8 =	vadd.f32 v12, v8  }
0x21f: {  	v57 =	vmul.f32 v51, v13  }
0x220: {  	v58 =	vld [tilespmem:s18+$0x11FF0];
	v21 =	vmul.f32 v53, v0;
	v8 =	vadd.f32 v56, v8  }
0x221: {  	v11 =	vadd.f32 v57, v11;
	v59 =	vmul.f32 v54, v9  }
0x222: {  	v60 =	vld [tilespmem:s18+$0x12010];
	v8 =	vadd.f32 v21, v8  }
0x223: {  	v9 =	vadd.f32 v59, v11;
	v61 =	vmul.f32 v55, v6  }
0x224: {  	v62 =	vld [tilespmem:s18+$0x12030];
	v21 =	vand.u32 $0x7FFFFFFF, v8;
	v63 =	vpop (erf)  }
0x225: {  	v6 =	vadd.f32 v61, v9;
	v26 =	vmul.f32 v58, v4;
	v29 =	vmul.f32 $-2.000000000e+00, v21;
	v28 =	vpop (erf)  }
0x226: {  	v30 =	vld [tilespmem:s18+$0x12050];
	v32 =	vadd.f32 $1.000000000e+00, v28  }
0x227: {  	v34 =	vmul.f32 v60, v3;
	v4 =	vadd.f32 v26, v6;
	v35 =	vmul.f32 $1.442695020e+00, v29  }
0x228: {  	v36 =	vld [tilespmem:s18+$0x12070];
	(erf) = vrcp.f32 v32  }
0x229: {  	v37 =	vmul.f32 v62, v2;
	v3 =	vadd.f32 v34, v4;
	(erf) = vpow2.f32 v35;
	_ =	sdelay $0x1  }
0x22a: {  	v38 =	vmul.f32 v30, v1;
	v2 =	vadd.f32 v37, v3;
	_ =	sdelay $0x1  }
0x22b: {  	v39 =	vmul.f32 v36, v0;
	v1 =	vadd.f32 v38, v2;
	_ =	sdelay $0x1  }
0x22c: {  	v0 =	vadd.f32 v39, v1;
	_ =	sdelay $0x1  }
0x22d: {  	v41 =	vand.u32 $0x7FFFFFFF, v0;
	v40 =	vpop (erf)  }
0x22e: {  	v2 =	vmul.f32 $-2.000000000e+00, v41;
	v42 =	vpop (erf)  }
0x22f: {  	v43 =	vadd.f32 $1.000000000e+00, v42  }
0x230: {  	v2 =	vmul.f32 $1.442695020e+00, v2  }
0x231: {  	(erf) = vrcp.f32 v43  }
0x232: {  	(erf) = vpow2.f32 v2;
	_ =	sdelay $0x7  }
0x233: {  	v44 =	vpop (erf)  }
0x234: {  	v46 =	vpop (erf)  }
0x235: {  	v47 =	vadd.f32 $1.000000000e+00, v46;
	_ =	sdelay $0x1  }
0x236: {  	v49 =	vsub.f32 $1.000000000e+00, v31;
	(erf) = vrcp.f32 v47  }
0x237: {  	vm0 =	vlt.f32 v23, $0.0e+00;
	vm10 =	vlt.f32 v22, $0.0e+00;
	v51 =	vsub.f32 $1.000000000e+00, v19  }
0x238: {  	vm1 =	vlt.f32 v20, $0.0e+00;
	v45 =	vsub.f32 $1.000000000e+00, v27;
	v13 =	vmul.f32 v14, v49  }
0x239: {  	vm11 =	vlt.f32 v15, $0.0e+00;
	v48 =	vsub.f32 $1.000000000e+00, v33;
	v11 =	vmul.f32 v17, v51  }
0x23a: {  	vm12 =	vlt.f32 v7, $0.0e+00;
	v53 =	vsub.f32 $0.0e+00, v13;
	v4 =	vmul.f32 v25, v45  }
0x23b: {  	v12 =	vmul.f32 v24, v48;
	v10 =	vsub.f32 $1.000000000e+00, v10;
	v54 =	vsub.f32 $0.0e+00, v11  }
0x23c: {  	s17 =	sshll.u32 s17, $0x7;
	v13 =	vsel vm1, v53, v13;
	v50 =	vsub.f32 $0.0e+00, v4;
	v9 =	vsub.f32 $1.000000000e+00, v28  }
0x23d: {  	s17 =	sand.u32 $0x3FFFFF80, s17;
	v52 =	vsub.f32 $0.0e+00, v12;
	v10 =	vmul.f32 v63, v10;
	v3 =	vsub.f32 $1.000000000e+00, v42  }
0x23e: {  	[tilespmem:s17+$0x138A0] =	vst v13;
	v56 =	vsel vm11, v54, v11;
	v1 =	vmul.f32 v40, v9;
	v55 =	vsub.f32 $1.000000000e+00, v46  }
0x23f: {  	s16 =	sadd.s32 $0x1, s16;
	v4 =	vsel vm0, v50, v4;
	[tilespmem:s17+$0x138B0] =	vst v56;
	v57 =	vsub.f32 $0.0e+00, v10;
	v2 =	vmul.f32 v44, v3;
	v58 =	vpop (erf)  }
0x240: {  	p0 =	sne.s32 s16, $0x10;
	v12 =	vsel vm10, v52, v12;
	[tilespmem:s17+$0x13880] =	vst v4;
	v59 =	vsub.f32 $0.0e+00, v1;
	v3 =	vmul.f32 v58, v55  }
.Ltmp2:
0x241: {  	vm13 =	vlt.f32 v5, $0.0e+00;
	[tilespmem:s17+$0x13890] =	vst v12;
	v60 =	vsel vm12, v57, v10;
	v61 =	vsub.f32 $0.0e+00, v2;
	(pc) =	sbr.rel @p0 .LBB2_2-.Ltmp2, $4  }
0x242: {  	vm14 =	vlt.f32 v8, $0.0e+00;
	[tilespmem:s17+$0x138C0] =	vst v60;
	v1 =	vsel vm13, v59, v1;
	v62 =	vsub.f32 $0.0e+00, v3  }
0x243: {  	vm15 =	vlt.f32 v0, $0.0e+00;
	[tilespmem:s17+$0x138D0] =	vst v1;
	v63 =	vsel vm14, v61, v2  }
0x244: {  	[tilespmem:s17+$0x138E0] =	vst v63;
	v0 =	vsel vm15, v62, v3  }
0x245: {  	[tilespmem:s17+$0x138F0] =	vst v0  }
0x246: {  	s15 =	sadd.s32 $0x1, s15  }
0x247: {  	p0 =	sne.s32 s15, s7  }
.Ltmp3:
0x248: {  	_ = 	snop;
	(pc) =	sbr.rel @p0 .LBB2_1-.Ltmp3, $4  }
0x249: {  	[hbm4b:s6+s3] =	stream.linear.scatter [tilespmem:s14], [sflag:$0x3], $0x1000, $0x38;
	[tilespmem:$0x14880] =	vst v63  }
0x24a: {  	_ =	swait.ge [sflag:s8], $0x1000  }
0x24b: {  	[sflag:s8] =	ssyncset.done $0x0  }
0x24c: {  	[sflag:s8] =	ssyncadd.s32 $0xFFFFF000  }
0x24d: {  	_ =	sfence.sel $0x180000  }
0x24e: {  	[bflag:$0x0] =	sbarrier.arrive $0xFFFF  }
0x24f: {  	_ =	strace $0x90000047  }
0x250: {  	s0 =	stileid.u32;
	[bflag:$0x2] =	sbarrier.arrive $0xFFFF  }
0x251: {  	p0 =	sne.s32 s0, $0x0;
	s0 =	rddreg [dreg:$0x2]  }
0x252: {  	s0 =	sadd.s32 @!p0 $0x100000, s0  }
0x253: {  	[sflag:s0] =	ssyncadd.tile.s32 @!p0 $0x1;
	_ =	shalt  }
.Lfunc_end2:
_tile_overlayer_lowered:
.L_overlay_start_2:
0x254: {  	(tag) =	ssettag $0x2  }
0x255: {  	s0 =	rddreg [dreg:$0x0];
	s2 =	stileid.u32  }
0x256: {  	s1 =	rddreg [dreg:$0x1];
	p0 =	sne.s32 s2, $0x0  }
0x257: {  	s3 =	rddreg [dreg:$0x2];
	[bflag:$0x3] =	sbarrier.arrive $0xFFFF;
	s2 =	simm.s32 @!p0 $0x1C03  }
0x258: {  	[timem:s3], [sflag:s2] =	dma.local @!p0 [hbm:s0], s1  }
0x259: {  	s0 =	simm.s32 @!p0 $0x3  }
0x25a: {  	_ =	swait.ge @!p0 [sflag:s0], s1  }
0x25b: {  	s1 =	ssub.s32 @!p0 $0x0, s1;
	[sflag:s0] =	ssyncset.done @!p0 $0x0  }
0x25c: {  	[sflag:s0] =	ssyncadd.s32 @!p0 s1  }
0x25d: {  	[bflag:$0x3] =	sbarrier.arrive $0xFFFF  }
0x25e: {  	_ =	shalt  }

</sc_bundles>
